<compile_context>
chip_gen: v7x
topology: tpu7x:2x2x1
jax: 0.10.2.dev20260603
libtpu: 0.0.44.dev20260713+nightly
codegen_flags: <defaults>
</compile_context>

<pallas_src>
import functools
import jax
import jax.numpy as jnp
from jax import lax
from jax.experimental import pallas as pl
from jax.experimental.pallas import tpu as pltpu
from jax.experimental.pallas import tpu_sc as plsc

N = 1_000_000
PAD_N = 1_048_576
ROWS = 8192
COLS = 128
GRID = 8
BLOCK_ROWS = ROWS // GRID

NW = 32
OWN = PAD_N // NW
P = 50_000
PW = 2 * P
PP = 102_400
JP = PP // NW
GCH = 128
BCH = 12_800
NB = PP // BCH


def _elem_body(xg_ref, mz_ref, mn_ref, nf_ref, out_ref):
    x = xg_ref[...]
    mz = mz_ref[...] != 0
    mn = mn_ref[...] != 0
    x = jnp.where(mz, 0.0, x)
    x = jnp.where(mn, x + nf_ref[...], x)
    out_ref[...] = x


def _elementwise(xg2, mz2, mn2, nf2):
    spec = pl.BlockSpec((BLOCK_ROWS, COLS), lambda i: (i, 0))
    return pl.pallas_call(
        _elem_body,
        grid=(GRID,),
        in_specs=[spec, spec, spec, spec],
        out_specs=spec,
        out_shape=jax.ShapeDtypeStruct((ROWS, COLS), jnp.float32),
    )(xg2, mz2, mn2, nf2)


_MESH = plsc.VectorSubcoreMesh(core_axis_name="c", subcore_axis_name="s")


@functools.partial(
    pl.kernel,
    mesh=_MESH,
    out_type=jax.ShapeDtypeStruct((PP,), jnp.float32),
    scratch_types=[
        pltpu.VMEM((JP,), jnp.int32),
        pltpu.VMEM((JP,), jnp.float32),
        pltpu.SemaphoreType.DMA,
    ],
    compiler_params=pltpu.CompilerParams(needs_layout_passes=False),
)
def _gather_vals(y_hbm, src_hbm, vals_hbm, s_v, v_v, sem):
    wid = lax.axis_index("s") * 2 + lax.axis_index("c")
    base = wid * JP
    pltpu.sync_copy(src_hbm.at[pl.ds(base, JP)], s_v)

    copies = []
    for g in range(JP // GCH):
        off = g * GCH
        copies.append(
            pltpu.async_copy(
                y_hbm.at[s_v.at[pl.ds(off, GCH)]],
                v_v.at[pl.ds(off, GCH)],
                sem,
            )
        )
    for cp in copies:
        cp.wait()
    pltpu.sync_copy(v_v, vals_hbm.at[pl.ds(base, JP)])


@functools.partial(
    pl.kernel,
    mesh=_MESH,
    out_type=jax.ShapeDtypeStruct((PAD_N,), jnp.float32),
    scratch_types=[
        pltpu.VMEM((OWN,), jnp.float32),
        pltpu.VMEM((BCH,), jnp.int32),
        pltpu.VMEM((BCH,), jnp.float32),
        pltpu.VMEM((BCH,), jnp.int32),
        pltpu.VMEM((BCH,), jnp.float32),
        pltpu.SemaphoreType.DMA,
        pltpu.SemaphoreType.DMA,
    ],
    compiler_params=pltpu.CompilerParams(needs_layout_passes=False),
)
def _apply_swaps(y_hbm, dest_hbm, vals_hbm, out_hbm, y_v, d0, v0, d1, v1, semd, semv):
    wid = lax.axis_index("s") * 2 + lax.axis_index("c")
    base = wid * OWN
    dbufs = [d0, d1]
    vbufs = [v0, v1]

    def start(c):
        return (
            pltpu.async_copy(dest_hbm.at[pl.ds(c * BCH, BCH)], dbufs[c % 2], semd),
            pltpu.async_copy(vals_hbm.at[pl.ds(c * BCH, BCH)], vbufs[c % 2], semv),
        )

    pending = start(0)
    pltpu.sync_copy(y_hbm.at[pl.ds(base, OWN)], y_v)
    for c in range(NB):
        pending[0].wait()
        pending[1].wait()
        if c + 1 < NB:
            pending = start(c + 1)
        d_v = dbufs[c % 2]
        v_v = vbufs[c % 2]

        def ib(i, carry):
            for u in range(8):
                off = i * 128 + u * 16
                d16 = d_v[pl.ds(off, 16)] - base
                m = (d16 >= 0) & (d16 < OWN)
                dsafe = jnp.where(m, d16, 0)
                v16 = v_v[pl.ds(off, 16)]
                plsc.store_scatter(y_v, [dsafe], v16, mask=m)
            return carry

        lax.fori_loop(0, BCH // 128, ib, 0)
    pltpu.sync_copy(y_v, out_hbm.at[pl.ds(base, OWN)])


def kernel(xg, mask_zero, mask_noise, noise_full, swap_pairs):
    pad = PAD_N - N
    xg2 = jnp.concatenate([xg, jnp.zeros((pad,), jnp.float32)]).reshape(ROWS, COLS)
    mz2 = jnp.concatenate([mask_zero.astype(jnp.int8), jnp.zeros((pad,), jnp.int8)]).reshape(ROWS, COLS)
    mn2 = jnp.concatenate([mask_noise.astype(jnp.int8), jnp.zeros((pad,), jnp.int8)]).reshape(ROWS, COLS)
    nf2 = jnp.concatenate([noise_full, jnp.zeros((pad,), jnp.float32)]).reshape(ROWS, COLS)
    y = _elementwise(xg2, mz2, mn2, nf2).reshape(-1)

    p0 = swap_pairs[:, 0]
    p1 = swap_pairs[:, 1]
    spad = PP - PW
    dest = jnp.concatenate([p0, p1, jnp.full((spad,), PAD_N - 1, jnp.int32)])
    src = jnp.concatenate([p1, p0, jnp.zeros((spad,), jnp.int32)])
    vals = _gather_vals(y, src)
    out = _apply_swaps(y, dest, vals)
    return out[:N]

# --- scband reference (transcript-rebuilt; emitter-appended) ---
"""Pipeline reference for scband-gene-transforms-635655160571 (READ-ONLY COPY).

The authoritative reference and input builder live on the scoring server;
editing this copy changes nothing except your own understanding.
"""

import jax, jax.numpy as jnp
import numpy as np

N_GENES = 1000000
PCT_MASK = 0.2
PCT_NOISE = 0.2
SIGMA_NOISE = 0.5
PCT_SWAP = 0.1


def setup_inputs(seed: int = 0) -> dict:
    key = jax.random.key(seed)
    k1, k2, k3, k4, k5 = jax.random.split(key, 5)
    xg = jax.random.normal(k1, (N_GENES,), dtype=jnp.float32)
    # Randomness of the torch module (np.random inside forward) is materialized
    # here deterministically so reference() is a pure function.
    n_mask = int(N_GENES * PCT_MASK)
    mask_zero = jnp.zeros((N_GENES,), dtype=bool).at[jax.random.permutation(k2, N_GENES)[:n_mask]].set(True)
    n_noise = int(N_GENES * PCT_NOISE)
    mask_noise = jnp.zeros((N_GENES,), dtype=bool).at[jax.random.permutation(k3, N_GENES)[:n_noise]].set(True)
    noise_full = jax.random.normal(k4, (N_GENES,), dtype=jnp.float32) * SIGMA_NOISE
    n_pairs = int(N_GENES * PCT_SWAP / 2)
    swap_pairs = jax.random.randint(k5, (n_pairs, 2), 0, N_GENES, dtype=jnp.int32)
    return {"xg": xg, "mask_zero": mask_zero, "mask_noise": mask_noise, "noise_full": noise_full, "swap_pairs": swap_pairs}


def reference(xg, mask_zero, mask_noise, noise_full, swap_pairs):
    # 1) mask branch: xg[mask] = 0
    xg = jnp.where(mask_zero, 0.0, xg)
    # 2) noise branch: xg[mask] += noise (noise materialized full-length, applied where masked)
    xg = jnp.where(mask_noise, xg + noise_full, xg)
    # 3) swap branch: numpy tuple assignment semantics -- RHS copies taken
    #    before either scatter-overwrite executes, assignments left-to-right.
    old = xg
    xg = xg.at[swap_pairs[:, 0]].set(old[swap_pairs[:, 1]])
    xg = xg.at[swap_pairs[:, 1]].set(old[swap_pairs[:, 0]])
    return xg

if __name__ == "__main__":
    import jax
    _d = setup_inputs()
    print(jax.jit(kernel)(*tuple(_d.values())))

</pallas_src>

<mosaic_0001>
#map = affine_map<(d0, d1) -> (0)>
module attributes {stable_mosaic.version = 14 : i64} {
  func.func @_gather_vals(%arg0: i32, %arg1: i32, %arg2: memref<1048576xf32, #tpu.memory_space<hbm>>, %arg3: memref<102400xi32, #tpu.memory_space<hbm>>, %arg4: memref<102400xf32, #tpu.memory_space<hbm>>, %arg5: memref<3200xi32, #tpu.memory_space<vmem>>, %arg6: memref<3200xf32, #tpu.memory_space<vmem>>, %arg7: memref<!tpu.dma_semaphore, #tpu.memory_space<semaphore_mem>>) attributes {dimension_semantics = [#tpu.dimension_semantics<core_parallel>, #tpu.dimension_semantics<subcore_parallel>], iteration_bounds = array<i64: 2, 16>, scalar_prefetch = 0 : i64, scratch_operands = 3 : i64, tpu.core_type = #tpu.core_type<sc_vector_subcore>, window_params = [{transform_indices = #map}, {transform_indices = #map}, {transform_indices = #map}]} {
    %mul3A = arith.constant 2 : i32
    %mul3A_0 = arith.muli %arg1, %mul3A : i32
    %add3A = arith.addi %mul3A_0, %arg0 : i32
    %mul3A_1 = arith.constant 3200 : i32
    %mul3A_2 = arith.muli %add3A, %mul3A_1 : i32
    "tpu.region"() ({
      %run_scoped3A = tpu.sem_alloc : memref<!tpu.dma_semaphore, #tpu.memory_space<semaphore_mem>>
      %dma_start3A_301 = tpu.memref_slice %arg3[%mul3A_2] : memref<102400xi32, #tpu.memory_space<hbm>> -> memref<3200xi32, #tpu.memory_space<hbm>>
      %dma_start3A_302 = tpu.memref_slice %arg3[%mul3A_2] : memref<102400xi32, #tpu.memory_space<hbm>> -> memref<3200xi32, #tpu.memory_space<hbm>>
      tpu.enqueue_dma source(%dma_start3A_302 : memref<3200xi32, #tpu.memory_space<hbm>>) target(%arg5 : memref<3200xi32, #tpu.memory_space<vmem>>) target_semaphore(%run_scoped3A : memref<!tpu.dma_semaphore, #tpu.memory_space<semaphore_mem>>)
      %dma_wait3A_303 = tpu.memref_slice %arg3[%mul3A_2] : memref<102400xi32, #tpu.memory_space<hbm>> -> memref<3200xi32, #tpu.memory_space<hbm>>
      %dma_wait3A_304 = tpu.memref_slice %arg3[%mul3A_2] : memref<102400xi32, #tpu.memory_space<hbm>> -> memref<3200xi32, #tpu.memory_space<hbm>>
      tpu.wait_dma2 semaphore(%run_scoped3A : memref<!tpu.dma_semaphore, #tpu.memory_space<semaphore_mem>>) src(%dma_wait3A_304 : memref<3200xi32, #tpu.memory_space<hbm>>) dst(%arg5 : memref<3200xi32, #tpu.memory_space<vmem>>)
      tpu.yield
    }) : () -> ()
    %dma_start3A = arith.constant 0 : i32
    %dma_start3A_3 = tpu.memref_slice %arg6[%dma_start3A] : memref<3200xf32, #tpu.memory_space<vmem>> -> memref<128xf32, #tpu.memory_space<vmem>>
    %dma_start3A_4 = arith.constant 0 : i32
    %dma_start3A_5 = tpu.memref_slice %arg5[%dma_start3A_4] : memref<3200xi32, #tpu.memory_space<vmem>> -> memref<128xi32, #tpu.memory_space<vmem>>
    %dma_start3A_6 = arith.constant 0 : i32
    %dma_start3A_7 = tpu.memref_slice %arg2[%dma_start3A_6] : memref<1048576xf32, #tpu.memory_space<hbm>> -> memref<1048576xf32, #tpu.memory_space<hbm>>
    tpu.enqueue_indirect_dma source(%dma_start3A_7 : memref<1048576xf32, #tpu.memory_space<hbm>>) target(%dma_start3A_3 : memref<128xf32, #tpu.memory_space<vmem>>) offsets(%dma_start3A_5 : memref<128xi32, #tpu.memory_space<vmem>>) semaphore(%arg7 : memref<!tpu.dma_semaphore, #tpu.memory_space<semaphore_mem>>)
    %dma_start3A_8 = arith.constant 128 : i32
    %dma_start3A_9 = tpu.memref_slice %arg6[%dma_start3A_8] : memref<3200xf32, #tpu.memory_space<vmem>> -> memref<128xf32, #tpu.memory_space<vmem>>
    %dma_start3A_10 = arith.constant 128 : i32
    %dma_start3A_11 = tpu.memref_slice %arg5[%dma_start3A_10] : memref<3200xi32, #tpu.memory_space<vmem>> -> memref<128xi32, #tpu.memory_space<vmem>>
    %dma_start3A_12 = arith.constant 0 : i32
    %dma_start3A_13 = tpu.memref_slice %arg2[%dma_start3A_12] : memref<1048576xf32, #tpu.memory_space<hbm>> -> memref<1048576xf32, #tpu.memory_space<hbm>>
    tpu.enqueue_indirect_dma source(%dma_start3A_13 : memref<1048576xf32, #tpu.memory_space<hbm>>) target(%dma_start3A_9 : memref<128xf32, #tpu.memory_space<vmem>>) offsets(%dma_start3A_11 : memref<128xi32, #tpu.memory_space<vmem>>) semaphore(%arg7 : memref<!tpu.dma_semaphore, #tpu.memory_space<semaphore_mem>>)
    %dma_start3A_14 = arith.constant 256 : i32
    %dma_start3A_15 = tpu.memref_slice %arg6[%dma_start3A_14] : memref<3200xf32, #tpu.memory_space<vmem>> -> memref<128xf32, #tpu.memory_space<vmem>>
    %dma_start3A_16 = arith.constant 256 : i32
    %dma_start3A_17 = tpu.memref_slice %arg5[%dma_start3A_16] : memref<3200xi32, #tpu.memory_space<vmem>> -> memref<128xi32, #tpu.memory_space<vmem>>
    %dma_start3A_18 = arith.constant 0 : i32
    %dma_start3A_19 = tpu.memref_slice %arg2[%dma_start3A_18] : memref<1048576xf32, #tpu.memory_space<hbm>> -> memref<1048576xf32, #tpu.memory_space<hbm>>
    tpu.enqueue_indirect_dma source(%dma_start3A_19 : memref<1048576xf32, #tpu.memory_space<hbm>>) target(%dma_start3A_15 : memref<128xf32, #tpu.memory_space<vmem>>) offsets(%dma_start3A_17 : memref<128xi32, #tpu.memory_space<vmem>>) semaphore(%arg7 : memref<!tpu.dma_semaphore, #tpu.memory_space<semaphore_mem>>)
    %dma_start3A_20 = arith.constant 384 : i32
    %dma_start3A_21 = tpu.memref_slice %arg6[%dma_start3A_20] : memref<3200xf32, #tpu.memory_space<vmem>> -> memref<128xf32, #tpu.memory_space<vmem>>
    %dma_start3A_22 = arith.constant 384 : i32
    %dma_start3A_23 = tpu.memref_slice %arg5[%dma_start3A_22] : memref<3200xi32, #tpu.memory_space<vmem>> -> memref<128xi32, #tpu.memory_space<vmem>>
    %dma_start3A_24 = arith.constant 0 : i32
    %dma_start3A_25 = tpu.memref_slice %arg2[%dma_start3A_24] : memref<1048576xf32, #tpu.memory_space<hbm>> -> memref<1048576xf32, #tpu.memory_space<hbm>>
    tpu.enqueue_indirect_dma source(%dma_start3A_25 : memref<1048576xf32, #tpu.memory_space<hbm>>) target(%dma_start3A_21 : memref<128xf32, #tpu.memory_space<vmem>>) offsets(%dma_start3A_23 : memref<128xi32, #tpu.memory_space<vmem>>) semaphore(%arg7 : memref<!tpu.dma_semaphore, #tpu.memory_space<semaphore_mem>>)
    %dma_start3A_26 = arith.constant 512 : i32
    %dma_start3A_27 = tpu.memref_slice %arg6[%dma_start3A_26] : memref<3200xf32, #tpu.memory_space<vmem>> -> memref<128xf32, #tpu.memory_space<vmem>>
    %dma_start3A_28 = arith.constant 512 : i32
    %dma_start3A_29 = tpu.memref_slice %arg5[%dma_start3A_28] : memref<3200xi32, #tpu.memory_space<vmem>> -> memref<128xi32, #tpu.memory_space<vmem>>
    %dma_start3A_30 = arith.constant 0 : i32
    %dma_start3A_31 = tpu.memref_slice %arg2[%dma_start3A_30] : memref<1048576xf32, #tpu.memory_space<hbm>> -> memref<1048576xf32, #tpu.memory_space<hbm>>
    tpu.enqueue_indirect_dma source(%dma_start3A_31 : memref<1048576xf32, #tpu.memory_space<hbm>>) target(%dma_start3A_27 : memref<128xf32, #tpu.memory_space<vmem>>) offsets(%dma_start3A_29 : memref<128xi32, #tpu.memory_space<vmem>>) semaphore(%arg7 : memref<!tpu.dma_semaphore, #tpu.memory_space<semaphore_mem>>)
    %dma_start3A_32 = arith.constant 640 : i32
    %dma_start3A_33 = tpu.memref_slice %arg6[%dma_start3A_32] : memref<3200xf32, #tpu.memory_space<vmem>> -> memref<128xf32, #tpu.memory_space<vmem>>
    %dma_start3A_34 = arith.constant 640 : i32
    %dma_start3A_35 = tpu.memref_slice %arg5[%dma_start3A_34] : memref<3200xi32, #tpu.memory_space<vmem>> -> memref<128xi32, #tpu.memory_space<vmem>>
    %dma_start3A_36 = arith.constant 0 : i32
    %dma_start3A_37 = tpu.memref_slice %arg2[%dma_start3A_36] : memref<1048576xf32, #tpu.memory_space<hbm>> -> memref<1048576xf32, #tpu.memory_space<hbm>>
    tpu.enqueue_indirect_dma source(%dma_start3A_37 : memref<1048576xf32, #tpu.memory_space<hbm>>) target(%dma_start3A_33 : memref<128xf32, #tpu.memory_space<vmem>>) offsets(%dma_start3A_35 : memref<128xi32, #tpu.memory_space<vmem>>) semaphore(%arg7 : memref<!tpu.dma_semaphore, #tpu.memory_space<semaphore_mem>>)
    %dma_start3A_38 = arith.constant 768 : i32
    %dma_start3A_39 = tpu.memref_slice %arg6[%dma_start3A_38] : memref<3200xf32, #tpu.memory_space<vmem>> -> memref<128xf32, #tpu.memory_space<vmem>>
    %dma_start3A_40 = arith.constant 768 : i32
    %dma_start3A_41 = tpu.memref_slice %arg5[%dma_start3A_40] : memref<3200xi32, #tpu.memory_space<vmem>> -> memref<128xi32, #tpu.memory_space<vmem>>
    %dma_start3A_42 = arith.constant 0 : i32
    %dma_start3A_43 = tpu.memref_slice %arg2[%dma_start3A_42] : memref<1048576xf32, #tpu.memory_space<hbm>> -> memref<1048576xf32, #tpu.memory_space<hbm>>
    tpu.enqueue_indirect_dma source(%dma_start3A_43 : memref<1048576xf32, #tpu.memory_space<hbm>>) target(%dma_start3A_39 : memref<128xf32, #tpu.memory_space<vmem>>) offsets(%dma_start3A_41 : memref<128xi32, #tpu.memory_space<vmem>>) semaphore(%arg7 : memref<!tpu.dma_semaphore, #tpu.memory_space<semaphore_mem>>)
    %dma_start3A_44 = arith.constant 896 : i32
    %dma_start3A_45 = tpu.memref_slice %arg6[%dma_start3A_44] : memref<3200xf32, #tpu.memory_space<vmem>> -> memref<128xf32, #tpu.memory_space<vmem>>
    %dma_start3A_46 = arith.constant 896 : i32
    %dma_start3A_47 = tpu.memref_slice %arg5[%dma_start3A_46] : memref<3200xi32, #tpu.memory_space<vmem>> -> memref<128xi32, #tpu.memory_space<vmem>>
    %dma_start3A_48 = arith.constant 0 : i32
    %dma_start3A_49 = tpu.memref_slice %arg2[%dma_start3A_48] : memref<1048576xf32, #tpu.memory_space<hbm>> -> memref<1048576xf32, #tpu.memory_space<hbm>>
    tpu.enqueue_indirect_dma source(%dma_start3A_49 : memref<1048576xf32, #tpu.memory_space<hbm>>) target(%dma_start3A_45 : memref<128xf32, #tpu.memory_space<vmem>>) offsets(%dma_start3A_47 : memref<128xi32, #tpu.memory_space<vmem>>) semaphore(%arg7 : memref<!tpu.dma_semaphore, #tpu.memory_space<semaphore_mem>>)
    %dma_start3A_50 = arith.constant 1024 : i32
    %dma_start3A_51 = tpu.memref_slice %arg6[%dma_start3A_50] : memref<3200xf32, #tpu.memory_space<vmem>> -> memref<128xf32, #tpu.memory_space<vmem>>
    %dma_start3A_52 = arith.constant 1024 : i32
    %dma_start3A_53 = tpu.memref_slice %arg5[%dma_start3A_52] : memref<3200xi32, #tpu.memory_space<vmem>> -> memref<128xi32, #tpu.memory_space<vmem>>
    %dma_start3A_54 = arith.constant 0 : i32
    %dma_start3A_55 = tpu.memref_slice %arg2[%dma_start3A_54] : memref<1048576xf32, #tpu.memory_space<hbm>> -> memref<1048576xf32, #tpu.memory_space<hbm>>
    tpu.enqueue_indirect_dma source(%dma_start3A_55 : memref<1048576xf32, #tpu.memory_space<hbm>>) target(%dma_start3A_51 : memref<128xf32, #tpu.memory_space<vmem>>) offsets(%dma_start3A_53 : memref<128xi32, #tpu.memory_space<vmem>>) semaphore(%arg7 : memref<!tpu.dma_semaphore, #tpu.memory_space<semaphore_mem>>)
    %dma_start3A_56 = arith.constant 1152 : i32
    %dma_start3A_57 = tpu.memref_slice %arg6[%dma_start3A_56] : memref<3200xf32, #tpu.memory_space<vmem>> -> memref<128xf32, #tpu.memory_space<vmem>>
    %dma_start3A_58 = arith.constant 1152 : i32
    %dma_start3A_59 = tpu.memref_slice %arg5[%dma_start3A_58] : memref<3200xi32, #tpu.memory_space<vmem>> -> memref<128xi32, #tpu.memory_space<vmem>>
    %dma_start3A_60 = arith.constant 0 : i32
    %dma_start3A_61 = tpu.memref_slice %arg2[%dma_start3A_60] : memref<1048576xf32, #tpu.memory_space<hbm>> -> memref<1048576xf32, #tpu.memory_space<hbm>>
    tpu.enqueue_indirect_dma source(%dma_start3A_61 : memref<1048576xf32, #tpu.memory_space<hbm>>) target(%dma_start3A_57 : memref<128xf32, #tpu.memory_space<vmem>>) offsets(%dma_start3A_59 : memref<128xi32, #tpu.memory_space<vmem>>) semaphore(%arg7 : memref<!tpu.dma_semaphore, #tpu.memory_space<semaphore_mem>>)
    %dma_start3A_62 = arith.constant 1280 : i32
    %dma_start3A_63 = tpu.memref_slice %arg6[%dma_start3A_62] : memref<3200xf32, #tpu.memory_space<vmem>> -> memref<128xf32, #tpu.memory_space<vmem>>
    %dma_start3A_64 = arith.constant 1280 : i32
    %dma_start3A_65 = tpu.memref_slice %arg5[%dma_start3A_64] : memref<3200xi32, #tpu.memory_space<vmem>> -> memref<128xi32, #tpu.memory_space<vmem>>
    %dma_start3A_66 = arith.constant 0 : i32
    %dma_start3A_67 = tpu.memref_slice %arg2[%dma_start3A_66] : memref<1048576xf32, #tpu.memory_space<hbm>> -> memref<1048576xf32, #tpu.memory_space<hbm>>
    tpu.enqueue_indirect_dma source(%dma_start3A_67 : memref<1048576xf32, #tpu.memory_space<hbm>>) target(%dma_start3A_63 : memref<128xf32, #tpu.memory_space<vmem>>) offsets(%dma_start3A_65 : memref<128xi32, #tpu.memory_space<vmem>>) semaphore(%arg7 : memref<!tpu.dma_semaphore, #tpu.memory_space<semaphore_mem>>)
    %dma_start3A_68 = arith.constant 1408 : i32
    %dma_start3A_69 = tpu.memref_slice %arg6[%dma_start3A_68] : memref<3200xf32, #tpu.memory_space<vmem>> -> memref<128xf32, #tpu.memory_space<vmem>>
    %dma_start3A_70 = arith.constant 1408 : i32
    %dma_start3A_71 = tpu.memref_slice %arg5[%dma_start3A_70] : memref<3200xi32, #tpu.memory_space<vmem>> -> memref<128xi32, #tpu.memory_space<vmem>>
    %dma_start3A_72 = arith.constant 0 : i32
    %dma_start3A_73 = tpu.memref_slice %arg2[%dma_start3A_72] : memref<1048576xf32, #tpu.memory_space<hbm>> -> memref<1048576xf32, #tpu.memory_space<hbm>>
    tpu.enqueue_indirect_dma source(%dma_start3A_73 : memref<1048576xf32, #tpu.memory_space<hbm>>) target(%dma_start3A_69 : memref<128xf32, #tpu.memory_space<vmem>>) offsets(%dma_start3A_71 : memref<128xi32, #tpu.memory_space<vmem>>) semaphore(%arg7 : memref<!tpu.dma_semaphore, #tpu.memory_space<semaphore_mem>>)
    %dma_start3A_74 = arith.constant 1536 : i32
    %dma_start3A_75 = tpu.memref_slice %arg6[%dma_start3A_74] : memref<3200xf32, #tpu.memory_space<vmem>> -> memref<128xf32, #tpu.memory_space<vmem>>
    %dma_start3A_76 = arith.constant 1536 : i32
    %dma_start3A_77 = tpu.memref_slice %arg5[%dma_start3A_76] : memref<3200xi32, #tpu.memory_space<vmem>> -> memref<128xi32, #tpu.memory_space<vmem>>
    %dma_start3A_78 = arith.constant 0 : i32
    %dma_start3A_79 = tpu.memref_slice %arg2[%dma_start3A_78] : memref<1048576xf32, #tpu.memory_space<hbm>> -> memref<1048576xf32, #tpu.memory_space<hbm>>
    tpu.enqueue_indirect_dma source(%dma_start3A_79 : memref<1048576xf32, #tpu.memory_space<hbm>>) target(%dma_start3A_75 : memref<128xf32, #tpu.memory_space<vmem>>) offsets(%dma_start3A_77 : memref<128xi32, #tpu.memory_space<vmem>>) semaphore(%arg7 : memref<!tpu.dma_semaphore, #tpu.memory_space<semaphore_mem>>)
    %dma_start3A_80 = arith.constant 1664 : i32
    %dma_start3A_81 = tpu.memref_slice %arg6[%dma_start3A_80] : memref<3200xf32, #tpu.memory_space<vmem>> -> memref<128xf32, #tpu.memory_space<vmem>>
    %dma_start3A_82 = arith.constant 1664 : i32
    %dma_start3A_83 = tpu.memref_slice %arg5[%dma_start3A_82] : memref<3200xi32, #tpu.memory_space<vmem>> -> memref<128xi32, #tpu.memory_space<vmem>>
    %dma_start3A_84 = arith.constant 0 : i32
    %dma_start3A_85 = tpu.memref_slice %arg2[%dma_start3A_84] : memref<1048576xf32, #tpu.memory_space<hbm>> -> memref<1048576xf32, #tpu.memory_space<hbm>>
    tpu.enqueue_indirect_dma source(%dma_start3A_85 : memref<1048576xf32, #tpu.memory_space<hbm>>) target(%dma_start3A_81 : memref<128xf32, #tpu.memory_space<vmem>>) offsets(%dma_start3A_83 : memref<128xi32, #tpu.memory_space<vmem>>) semaphore(%arg7 : memref<!tpu.dma_semaphore, #tpu.memory_space<semaphore_mem>>)
    %dma_start3A_86 = arith.constant 1792 : i32
    %dma_start3A_87 = tpu.memref_slice %arg6[%dma_start3A_86] : memref<3200xf32, #tpu.memory_space<vmem>> -> memref<128xf32, #tpu.memory_space<vmem>>
    %dma_start3A_88 = arith.constant 1792 : i32
    %dma_start3A_89 = tpu.memref_slice %arg5[%dma_start3A_88] : memref<3200xi32, #tpu.memory_space<vmem>> -> memref<128xi32, #tpu.memory_space<vmem>>
    %dma_start3A_90 = arith.constant 0 : i32
    %dma_start3A_91 = tpu.memref_slice %arg2[%dma_start3A_90] : memref<1048576xf32, #tpu.memory_space<hbm>> -> memref<1048576xf32, #tpu.memory_space<hbm>>
    tpu.enqueue_indirect_dma source(%dma_start3A_91 : memref<1048576xf32, #tpu.memory_space<hbm>>) target(%dma_start3A_87 : memref<128xf32, #tpu.memory_space<vmem>>) offsets(%dma_start3A_89 : memref<128xi32, #tpu.memory_space<vmem>>) semaphore(%arg7 : memref<!tpu.dma_semaphore, #tpu.memory_space<semaphore_mem>>)
    %dma_start3A_92 = arith.constant 1920 : i32
    %dma_start3A_93 = tpu.memref_slice %arg6[%dma_start3A_92] : memref<3200xf32, #tpu.memory_space<vmem>> -> memref<128xf32, #tpu.memory_space<vmem>>
    %dma_start3A_94 = arith.constant 1920 : i32
    %dma_start3A_95 = tpu.memref_slice %arg5[%dma_start3A_94] : memref<3200xi32, #tpu.memory_space<vmem>> -> memref<128xi32, #tpu.memory_space<vmem>>
    %dma_start3A_96 = arith.constant 0 : i32
    %dma_start3A_97 = tpu.memref_slice %arg2[%dma_start3A_96] : memref<1048576xf32, #tpu.memory_space<hbm>> -> memref<1048576xf32, #tpu.memory_space<hbm>>
    tpu.enqueue_indirect_dma source(%dma_start3A_97 : memref<1048576xf32, #tpu.memory_space<hbm>>) target(%dma_start3A_93 : memref<128xf32, #tpu.memory_space<vmem>>) offsets(%dma_start3A_95 : memref<128xi32, #tpu.memory_space<vmem>>) semaphore(%arg7 : memref<!tpu.dma_semaphore, #tpu.memory_space<semaphore_mem>>)
    %dma_start3A_98 = arith.constant 2048 : i32
    %dma_start3A_99 = tpu.memref_slice %arg6[%dma_start3A_98] : memref<3200xf32, #tpu.memory_space<vmem>> -> memref<128xf32, #tpu.memory_space<vmem>>
    %dma_start3A_100 = arith.constant 2048 : i32
    %dma_start3A_101 = tpu.memref_slice %arg5[%dma_start3A_100] : memref<3200xi32, #tpu.memory_space<vmem>> -> memref<128xi32, #tpu.memory_space<vmem>>
    %dma_start3A_102 = arith.constant 0 : i32
    %dma_start3A_103 = tpu.memref_slice %arg2[%dma_start3A_102] : memref<1048576xf32, #tpu.memory_space<hbm>> -> memref<1048576xf32, #tpu.memory_space<hbm>>
    tpu.enqueue_indirect_dma source(%dma_start3A_103 : memref<1048576xf32, #tpu.memory_space<hbm>>) target(%dma_start3A_99 : memref<128xf32, #tpu.memory_space<vmem>>) offsets(%dma_start3A_101 : memref<128xi32, #tpu.memory_space<vmem>>) semaphore(%arg7 : memref<!tpu.dma_semaphore, #tpu.memory_space<semaphore_mem>>)
    %dma_start3A_104 = arith.constant 2176 : i32
    %dma_start3A_105 = tpu.memref_slice %arg6[%dma_start3A_104] : memref<3200xf32, #tpu.memory_space<vmem>> -> memref<128xf32, #tpu.memory_space<vmem>>
    %dma_start3A_106 = arith.constant 2176 : i32
    %dma_start3A_107 = tpu.memref_slice %arg5[%dma_start3A_106] : memref<3200xi32, #tpu.memory_space<vmem>> -> memref<128xi32, #tpu.memory_space<vmem>>
    %dma_start3A_108 = arith.constant 0 : i32
    %dma_start3A_109 = tpu.memref_slice %arg2[%dma_start3A_108] : memref<1048576xf32, #tpu.memory_space<hbm>> -> memref<1048576xf32, #tpu.memory_space<hbm>>
    tpu.enqueue_indirect_dma source(%dma_start3A_109 : memref<1048576xf32, #tpu.memory_space<hbm>>) target(%dma_start3A_105 : memref<128xf32, #tpu.memory_space<vmem>>) offsets(%dma_start3A_107 : memref<128xi32, #tpu.memory_space<vmem>>) semaphore(%arg7 : memref<!tpu.dma_semaphore, #tpu.memory_space<semaphore_mem>>)
    %dma_start3A_110 = arith.constant 2304 : i32
    %dma_start3A_111 = tpu.memref_slice %arg6[%dma_start3A_110] : memref<3200xf32, #tpu.memory_space<vmem>> -> memref<128xf32, #tpu.memory_space<vmem>>
    %dma_start3A_112 = arith.constant 2304 : i32
    %dma_start3A_113 = tpu.memref_slice %arg5[%dma_start3A_112] : memref<3200xi32, #tpu.memory_space<vmem>> -> memref<128xi32, #tpu.memory_space<vmem>>
    %dma_start3A_114 = arith.constant 0 : i32
    %dma_start3A_115 = tpu.memref_slice %arg2[%dma_start3A_114] : memref<1048576xf32, #tpu.memory_space<hbm>> -> memref<1048576xf32, #tpu.memory_space<hbm>>
    tpu.enqueue_indirect_dma source(%dma_start3A_115 : memref<1048576xf32, #tpu.memory_space<hbm>>) target(%dma_start3A_111 : memref<128xf32, #tpu.memory_space<vmem>>) offsets(%dma_start3A_113 : memref<128xi32, #tpu.memory_space<vmem>>) semaphore(%arg7 : memref<!tpu.dma_semaphore, #tpu.memory_space<semaphore_mem>>)
    %dma_start3A_116 = arith.constant 2432 : i32
    %dma_start3A_117 = tpu.memref_slice %arg6[%dma_start3A_116] : memref<3200xf32, #tpu.memory_space<vmem>> -> memref<128xf32, #tpu.memory_space<vmem>>
    %dma_start3A_118 = arith.constant 2432 : i32
    %dma_start3A_119 = tpu.memref_slice %arg5[%dma_start3A_118] : memref<3200xi32, #tpu.memory_space<vmem>> -> memref<128xi32, #tpu.memory_space<vmem>>
    %dma_start3A_120 = arith.constant 0 : i32
    %dma_start3A_121 = tpu.memref_slice %arg2[%dma_start3A_120] : memref<1048576xf32, #tpu.memory_space<hbm>> -> memref<1048576xf32, #tpu.memory_space<hbm>>
    tpu.enqueue_indirect_dma source(%dma_start3A_121 : memref<1048576xf32, #tpu.memory_space<hbm>>) target(%dma_start3A_117 : memref<128xf32, #tpu.memory_space<vmem>>) offsets(%dma_start3A_119 : memref<128xi32, #tpu.memory_space<vmem>>) semaphore(%arg7 : memref<!tpu.dma_semaphore, #tpu.memory_space<semaphore_mem>>)
    %dma_start3A_122 = arith.constant 2560 : i32
    %dma_start3A_123 = tpu.memref_slice %arg6[%dma_start3A_122] : memref<3200xf32, #tpu.memory_space<vmem>> -> memref<128xf32, #tpu.memory_space<vmem>>
    %dma_start3A_124 = arith.constant 2560 : i32
    %dma_start3A_125 = tpu.memref_slice %arg5[%dma_start3A_124] : memref<3200xi32, #tpu.memory_space<vmem>> -> memref<128xi32, #tpu.memory_space<vmem>>
    %dma_start3A_126 = arith.constant 0 : i32
    %dma_start3A_127 = tpu.memref_slice %arg2[%dma_start3A_126] : memref<1048576xf32, #tpu.memory_space<hbm>> -> memref<1048576xf32, #tpu.memory_space<hbm>>
    tpu.enqueue_indirect_dma source(%dma_start3A_127 : memref<1048576xf32, #tpu.memory_space<hbm>>) target(%dma_start3A_123 : memref<128xf32, #tpu.memory_space<vmem>>) offsets(%dma_start3A_125 : memref<128xi32, #tpu.memory_space<vmem>>) semaphore(%arg7 : memref<!tpu.dma_semaphore, #tpu.memory_space<semaphore_mem>>)
    %dma_start3A_128 = arith.constant 2688 : i32
    %dma_start3A_129 = tpu.memref_slice %arg6[%dma_start3A_128] : memref<3200xf32, #tpu.memory_space<vmem>> -> memref<128xf32, #tpu.memory_space<vmem>>
    %dma_start3A_130 = arith.constant 2688 : i32
    %dma_start3A_131 = tpu.memref_slice %arg5[%dma_start3A_130] : memref<3200xi32, #tpu.memory_space<vmem>> -> memref<128xi32, #tpu.memory_space<vmem>>
    %dma_start3A_132 = arith.constant 0 : i32
    %dma_start3A_133 = tpu.memref_slice %arg2[%dma_start3A_132] : memref<1048576xf32, #tpu.memory_space<hbm>> -> memref<1048576xf32, #tpu.memory_space<hbm>>
    tpu.enqueue_indirect_dma source(%dma_start3A_133 : memref<1048576xf32, #tpu.memory_space<hbm>>) target(%dma_start3A_129 : memref<128xf32, #tpu.memory_space<vmem>>) offsets(%dma_start3A_131 : memref<128xi32, #tpu.memory_space<vmem>>) semaphore(%arg7 : memref<!tpu.dma_semaphore, #tpu.memory_space<semaphore_mem>>)
    %dma_start3A_134 = arith.constant 2816 : i32
    %dma_start3A_135 = tpu.memref_slice %arg6[%dma_start3A_134] : memref<3200xf32, #tpu.memory_space<vmem>> -> memref<128xf32, #tpu.memory_space<vmem>>
    %dma_start3A_136 = arith.constant 2816 : i32
    %dma_start3A_137 = tpu.memref_slice %arg5[%dma_start3A_136] : memref<3200xi32, #tpu.memory_space<vmem>> -> memref<128xi32, #tpu.memory_space<vmem>>
    %dma_start3A_138 = arith.constant 0 : i32
    %dma_start3A_139 = tpu.memref_slice %arg2[%dma_start3A_138] : memref<1048576xf32, #tpu.memory_space<hbm>> -> memref<1048576xf32, #tpu.memory_space<hbm>>
    tpu.enqueue_indirect_dma source(%dma_start3A_139 : memref<1048576xf32, #tpu.memory_space<hbm>>) target(%dma_start3A_135 : memref<128xf32, #tpu.memory_space<vmem>>) offsets(%dma_start3A_137 : memref<128xi32, #tpu.memory_space<vmem>>) semaphore(%arg7 : memref<!tpu.dma_semaphore, #tpu.memory_space<semaphore_mem>>)
    %dma_start3A_140 = arith.constant 2944 : i32
    %dma_start3A_141 = tpu.memref_slice %arg6[%dma_start3A_140] : memref<3200xf32, #tpu.memory_space<vmem>> -> memref<128xf32, #tpu.memory_space<vmem>>
    %dma_start3A_142 = arith.constant 2944 : i32
    %dma_start3A_143 = tpu.memref_slice %arg5[%dma_start3A_142] : memref<3200xi32, #tpu.memory_space<vmem>> -> memref<128xi32, #tpu.memory_space<vmem>>
    %dma_start3A_144 = arith.constant 0 : i32
    %dma_start3A_145 = tpu.memref_slice %arg2[%dma_start3A_144] : memref<1048576xf32, #tpu.memory_space<hbm>> -> memref<1048576xf32, #tpu.memory_space<hbm>>
    tpu.enqueue_indirect_dma source(%dma_start3A_145 : memref<1048576xf32, #tpu.memory_space<hbm>>) target(%dma_start3A_141 : memref<128xf32, #tpu.memory_space<vmem>>) offsets(%dma_start3A_143 : memref<128xi32, #tpu.memory_space<vmem>>) semaphore(%arg7 : memref<!tpu.dma_semaphore, #tpu.memory_space<semaphore_mem>>)
    %dma_start3A_146 = arith.constant 3072 : i32
    %dma_start3A_147 = tpu.memref_slice %arg6[%dma_start3A_146] : memref<3200xf32, #tpu.memory_space<vmem>> -> memref<128xf32, #tpu.memory_space<vmem>>
    %dma_start3A_148 = arith.constant 3072 : i32
    %dma_start3A_149 = tpu.memref_slice %arg5[%dma_start3A_148] : memref<3200xi32, #tpu.memory_space<vmem>> -> memref<128xi32, #tpu.memory_space<vmem>>
    %dma_start3A_150 = arith.constant 0 : i32
    %dma_start3A_151 = tpu.memref_slice %arg2[%dma_start3A_150] : memref<1048576xf32, #tpu.memory_space<hbm>> -> memref<1048576xf32, #tpu.memory_space<hbm>>
    tpu.enqueue_indirect_dma source(%dma_start3A_151 : memref<1048576xf32, #tpu.memory_space<hbm>>) target(%dma_start3A_147 : memref<128xf32, #tpu.memory_space<vmem>>) offsets(%dma_start3A_149 : memref<128xi32, #tpu.memory_space<vmem>>) semaphore(%arg7 : memref<!tpu.dma_semaphore, #tpu.memory_space<semaphore_mem>>)
    %dma_wait3A = arith.constant 0 : i32
    %dma_wait3A_152 = tpu.memref_slice %arg6[%dma_wait3A] : memref<3200xf32, #tpu.memory_space<vmem>> -> memref<128xf32, #tpu.memory_space<vmem>>
    %dma_wait3A_153 = arith.constant 0 : i32
    %dma_wait3A_154 = tpu.memref_slice %arg5[%dma_wait3A_153] : memref<3200xi32, #tpu.memory_space<vmem>> -> memref<128xi32, #tpu.memory_space<vmem>>
    %dma_wait3A_155 = arith.constant 0 : i32
    %dma_wait3A_156 = tpu.memref_slice %arg2[%dma_wait3A_155] : memref<1048576xf32, #tpu.memory_space<hbm>> -> memref<1048576xf32, #tpu.memory_space<hbm>>
    tpu.wait_indirect_dma semaphore(%arg7 : memref<!tpu.dma_semaphore, #tpu.memory_space<semaphore_mem>>) src(%dma_wait3A_156 : memref<1048576xf32, #tpu.memory_space<hbm>>) dst(%dma_wait3A_152 : memref<128xf32, #tpu.memory_space<vmem>>)
    %dma_wait3A_157 = arith.constant 128 : i32
    %dma_wait3A_158 = tpu.memref_slice %arg6[%dma_wait3A_157] : memref<3200xf32, #tpu.memory_space<vmem>> -> memref<128xf32, #tpu.memory_space<vmem>>
    %dma_wait3A_159 = arith.constant 128 : i32
    %dma_wait3A_160 = tpu.memref_slice %arg5[%dma_wait3A_159] : memref<3200xi32, #tpu.memory_space<vmem>> -> memref<128xi32, #tpu.memory_space<vmem>>
    %dma_wait3A_161 = arith.constant 0 : i32
    %dma_wait3A_162 = tpu.memref_slice %arg2[%dma_wait3A_161] : memref<1048576xf32, #tpu.memory_space<hbm>> -> memref<1048576xf32, #tpu.memory_space<hbm>>
    tpu.wait_indirect_dma semaphore(%arg7 : memref<!tpu.dma_semaphore, #tpu.memory_space<semaphore_mem>>) src(%dma_wait3A_162 : memref<1048576xf32, #tpu.memory_space<hbm>>) dst(%dma_wait3A_158 : memref<128xf32, #tpu.memory_space<vmem>>)
    %dma_wait3A_163 = arith.constant 256 : i32
    %dma_wait3A_164 = tpu.memref_slice %arg6[%dma_wait3A_163] : memref<3200xf32, #tpu.memory_space<vmem>> -> memref<128xf32, #tpu.memory_space<vmem>>
    %dma_wait3A_165 = arith.constant 256 : i32
    %dma_wait3A_166 = tpu.memref_slice %arg5[%dma_wait3A_165] : memref<3200xi32, #tpu.memory_space<vmem>> -> memref<128xi32, #tpu.memory_space<vmem>>
    %dma_wait3A_167 = arith.constant 0 : i32
    %dma_wait3A_168 = tpu.memref_slice %arg2[%dma_wait3A_167] : memref<1048576xf32, #tpu.memory_space<hbm>> -> memref<1048576xf32, #tpu.memory_space<hbm>>
    tpu.wait_indirect_dma semaphore(%arg7 : memref<!tpu.dma_semaphore, #tpu.memory_space<semaphore_mem>>) src(%dma_wait3A_168 : memref<1048576xf32, #tpu.memory_space<hbm>>) dst(%dma_wait3A_164 : memref<128xf32, #tpu.memory_space<vmem>>)
    %dma_wait3A_169 = arith.constant 384 : i32
    %dma_wait3A_170 = tpu.memref_slice %arg6[%dma_wait3A_169] : memref<3200xf32, #tpu.memory_space<vmem>> -> memref<128xf32, #tpu.memory_space<vmem>>
    %dma_wait3A_171 = arith.constant 384 : i32
    %dma_wait3A_172 = tpu.memref_slice %arg5[%dma_wait3A_171] : memref<3200xi32, #tpu.memory_space<vmem>> -> memref<128xi32, #tpu.memory_space<vmem>>
    %dma_wait3A_173 = arith.constant 0 : i32
    %dma_wait3A_174 = tpu.memref_slice %arg2[%dma_wait3A_173] : memref<1048576xf32, #tpu.memory_space<hbm>> -> memref<1048576xf32, #tpu.memory_space<hbm>>
    tpu.wait_indirect_dma semaphore(%arg7 : memref<!tpu.dma_semaphore, #tpu.memory_space<semaphore_mem>>) src(%dma_wait3A_174 : memref<1048576xf32, #tpu.memory_space<hbm>>) dst(%dma_wait3A_170 : memref<128xf32, #tpu.memory_space<vmem>>)
    %dma_wait3A_175 = arith.constant 512 : i32
    %dma_wait3A_176 = tpu.memref_slice %arg6[%dma_wait3A_175] : memref<3200xf32, #tpu.memory_space<vmem>> -> memref<128xf32, #tpu.memory_space<vmem>>
    %dma_wait3A_177 = arith.constant 512 : i32
    %dma_wait3A_178 = tpu.memref_slice %arg5[%dma_wait3A_177] : memref<3200xi32, #tpu.memory_space<vmem>> -> memref<128xi32, #tpu.memory_space<vmem>>
    %dma_wait3A_179 = arith.constant 0 : i32
    %dma_wait3A_180 = tpu.memref_slice %arg2[%dma_wait3A_179] : memref<1048576xf32, #tpu.memory_space<hbm>> -> memref<1048576xf32, #tpu.memory_space<hbm>>
    tpu.wait_indirect_dma semaphore(%arg7 : memref<!tpu.dma_semaphore, #tpu.memory_space<semaphore_mem>>) src(%dma_wait3A_180 : memref<1048576xf32, #tpu.memory_space<hbm>>) dst(%dma_wait3A_176 : memref<128xf32, #tpu.memory_space<vmem>>)
    %dma_wait3A_181 = arith.constant 640 : i32
    %dma_wait3A_182 = tpu.memref_slice %arg6[%dma_wait3A_181] : memref<3200xf32, #tpu.memory_space<vmem>> -> memref<128xf32, #tpu.memory_space<vmem>>
    %dma_wait3A_183 = arith.constant 640 : i32
    %dma_wait3A_184 = tpu.memref_slice %arg5[%dma_wait3A_183] : memref<3200xi32, #tpu.memory_space<vmem>> -> memref<128xi32, #tpu.memory_space<vmem>>
    %dma_wait3A_185 = arith.constant 0 : i32
    %dma_wait3A_186 = tpu.memref_slice %arg2[%dma_wait3A_185] : memref<1048576xf32, #tpu.memory_space<hbm>> -> memref<1048576xf32, #tpu.memory_space<hbm>>
    tpu.wait_indirect_dma semaphore(%arg7 : memref<!tpu.dma_semaphore, #tpu.memory_space<semaphore_mem>>) src(%dma_wait3A_186 : memref<1048576xf32, #tpu.memory_space<hbm>>) dst(%dma_wait3A_182 : memref<128xf32, #tpu.memory_space<vmem>>)
    %dma_wait3A_187 = arith.constant 768 : i32
    %dma_wait3A_188 = tpu.memref_slice %arg6[%dma_wait3A_187] : memref<3200xf32, #tpu.memory_space<vmem>> -> memref<128xf32, #tpu.memory_space<vmem>>
    %dma_wait3A_189 = arith.constant 768 : i32
    %dma_wait3A_190 = tpu.memref_slice %arg5[%dma_wait3A_189] : memref<3200xi32, #tpu.memory_space<vmem>> -> memref<128xi32, #tpu.memory_space<vmem>>
    %dma_wait3A_191 = arith.constant 0 : i32
    %dma_wait3A_192 = tpu.memref_slice %arg2[%dma_wait3A_191] : memref<1048576xf32, #tpu.memory_space<hbm>> -> memref<1048576xf32, #tpu.memory_space<hbm>>
    tpu.wait_indirect_dma semaphore(%arg7 : memref<!tpu.dma_semaphore, #tpu.memory_space<semaphore_mem>>) src(%dma_wait3A_192 : memref<1048576xf32, #tpu.memory_space<hbm>>) dst(%dma_wait3A_188 : memref<128xf32, #tpu.memory_space<vmem>>)
    %dma_wait3A_193 = arith.constant 896 : i32
    %dma_wait3A_194 = tpu.memref_slice %arg6[%dma_wait3A_193] : memref<3200xf32, #tpu.memory_space<vmem>> -> memref<128xf32, #tpu.memory_space<vmem>>
    %dma_wait3A_195 = arith.constant 896 : i32
    %dma_wait3A_196 = tpu.memref_slice %arg5[%dma_wait3A_195] : memref<3200xi32, #tpu.memory_space<vmem>> -> memref<128xi32, #tpu.memory_space<vmem>>
    %dma_wait3A_197 = arith.constant 0 : i32
    %dma_wait3A_198 = tpu.memref_slice %arg2[%dma_wait3A_197] : memref<1048576xf32, #tpu.memory_space<hbm>> -> memref<1048576xf32, #tpu.memory_space<hbm>>
    tpu.wait_indirect_dma semaphore(%arg7 : memref<!tpu.dma_semaphore, #tpu.memory_space<semaphore_mem>>) src(%dma_wait3A_198 : memref<1048576xf32, #tpu.memory_space<hbm>>) dst(%dma_wait3A_194 : memref<128xf32, #tpu.memory_space<vmem>>)
    %dma_wait3A_199 = arith.constant 1024 : i32
    %dma_wait3A_200 = tpu.memref_slice %arg6[%dma_wait3A_199] : memref<3200xf32, #tpu.memory_space<vmem>> -> memref<128xf32, #tpu.memory_space<vmem>>
    %dma_wait3A_201 = arith.constant 1024 : i32
    %dma_wait3A_202 = tpu.memref_slice %arg5[%dma_wait3A_201] : memref<3200xi32, #tpu.memory_space<vmem>> -> memref<128xi32, #tpu.memory_space<vmem>>
    %dma_wait3A_203 = arith.constant 0 : i32
    %dma_wait3A_204 = tpu.memref_slice %arg2[%dma_wait3A_203] : memref<1048576xf32, #tpu.memory_space<hbm>> -> memref<1048576xf32, #tpu.memory_space<hbm>>
    tpu.wait_indirect_dma semaphore(%arg7 : memref<!tpu.dma_semaphore, #tpu.memory_space<semaphore_mem>>) src(%dma_wait3A_204 : memref<1048576xf32, #tpu.memory_space<hbm>>) dst(%dma_wait3A_200 : memref<128xf32, #tpu.memory_space<vmem>>)
    %dma_wait3A_205 = arith.constant 1152 : i32
    %dma_wait3A_206 = tpu.memref_slice %arg6[%dma_wait3A_205] : memref<3200xf32, #tpu.memory_space<vmem>> -> memref<128xf32, #tpu.memory_space<vmem>>
    %dma_wait3A_207 = arith.constant 1152 : i32
    %dma_wait3A_208 = tpu.memref_slice %arg5[%dma_wait3A_207] : memref<3200xi32, #tpu.memory_space<vmem>> -> memref<128xi32, #tpu.memory_space<vmem>>
    %dma_wait3A_209 = arith.constant 0 : i32
    %dma_wait3A_210 = tpu.memref_slice %arg2[%dma_wait3A_209] : memref<1048576xf32, #tpu.memory_space<hbm>> -> memref<1048576xf32, #tpu.memory_space<hbm>>
    tpu.wait_indirect_dma semaphore(%arg7 : memref<!tpu.dma_semaphore, #tpu.memory_space<semaphore_mem>>) src(%dma_wait3A_210 : memref<1048576xf32, #tpu.memory_space<hbm>>) dst(%dma_wait3A_206 : memref<128xf32, #tpu.memory_space<vmem>>)
    %dma_wait3A_211 = arith.constant 1280 : i32
    %dma_wait3A_212 = tpu.memref_slice %arg6[%dma_wait3A_211] : memref<3200xf32, #tpu.memory_space<vmem>> -> memref<128xf32, #tpu.memory_space<vmem>>
    %dma_wait3A_213 = arith.constant 1280 : i32
    %dma_wait3A_214 = tpu.memref_slice %arg5[%dma_wait3A_213] : memref<3200xi32, #tpu.memory_space<vmem>> -> memref<128xi32, #tpu.memory_space<vmem>>
    %dma_wait3A_215 = arith.constant 0 : i32
    %dma_wait3A_216 = tpu.memref_slice %arg2[%dma_wait3A_215] : memref<1048576xf32, #tpu.memory_space<hbm>> -> memref<1048576xf32, #tpu.memory_space<hbm>>
    tpu.wait_indirect_dma semaphore(%arg7 : memref<!tpu.dma_semaphore, #tpu.memory_space<semaphore_mem>>) src(%dma_wait3A_216 : memref<1048576xf32, #tpu.memory_space<hbm>>) dst(%dma_wait3A_212 : memref<128xf32, #tpu.memory_space<vmem>>)
    %dma_wait3A_217 = arith.constant 1408 : i32
    %dma_wait3A_218 = tpu.memref_slice %arg6[%dma_wait3A_217] : memref<3200xf32, #tpu.memory_space<vmem>> -> memref<128xf32, #tpu.memory_space<vmem>>
    %dma_wait3A_219 = arith.constant 1408 : i32
    %dma_wait3A_220 = tpu.memref_slice %arg5[%dma_wait3A_219] : memref<3200xi32, #tpu.memory_space<vmem>> -> memref<128xi32, #tpu.memory_space<vmem>>
    %dma_wait3A_221 = arith.constant 0 : i32
    %dma_wait3A_222 = tpu.memref_slice %arg2[%dma_wait3A_221] : memref<1048576xf32, #tpu.memory_space<hbm>> -> memref<1048576xf32, #tpu.memory_space<hbm>>
    tpu.wait_indirect_dma semaphore(%arg7 : memref<!tpu.dma_semaphore, #tpu.memory_space<semaphore_mem>>) src(%dma_wait3A_222 : memref<1048576xf32, #tpu.memory_space<hbm>>) dst(%dma_wait3A_218 : memref<128xf32, #tpu.memory_space<vmem>>)
    %dma_wait3A_223 = arith.constant 1536 : i32
    %dma_wait3A_224 = tpu.memref_slice %arg6[%dma_wait3A_223] : memref<3200xf32, #tpu.memory_space<vmem>> -> memref<128xf32, #tpu.memory_space<vmem>>
    %dma_wait3A_225 = arith.constant 1536 : i32
    %dma_wait3A_226 = tpu.memref_slice %arg5[%dma_wait3A_225] : memref<3200xi32, #tpu.memory_space<vmem>> -> memref<128xi32, #tpu.memory_space<vmem>>
    %dma_wait3A_227 = arith.constant 0 : i32
    %dma_wait3A_228 = tpu.memref_slice %arg2[%dma_wait3A_227] : memref<1048576xf32, #tpu.memory_space<hbm>> -> memref<1048576xf32, #tpu.memory_space<hbm>>
    tpu.wait_indirect_dma semaphore(%arg7 : memref<!tpu.dma_semaphore, #tpu.memory_space<semaphore_mem>>) src(%dma_wait3A_228 : memref<1048576xf32, #tpu.memory_space<hbm>>) dst(%dma_wait3A_224 : memref<128xf32, #tpu.memory_space<vmem>>)
    %dma_wait3A_229 = arith.constant 1664 : i32
    %dma_wait3A_230 = tpu.memref_slice %arg6[%dma_wait3A_229] : memref<3200xf32, #tpu.memory_space<vmem>> -> memref<128xf32, #tpu.memory_space<vmem>>
    %dma_wait3A_231 = arith.constant 1664 : i32
    %dma_wait3A_232 = tpu.memref_slice %arg5[%dma_wait3A_231] : memref<3200xi32, #tpu.memory_space<vmem>> -> memref<128xi32, #tpu.memory_space<vmem>>
    %dma_wait3A_233 = arith.constant 0 : i32
    %dma_wait3A_234 = tpu.memref_slice %arg2[%dma_wait3A_233] : memref<1048576xf32, #tpu.memory_space<hbm>> -> memref<1048576xf32, #tpu.memory_space<hbm>>
    tpu.wait_indirect_dma semaphore(%arg7 : memref<!tpu.dma_semaphore, #tpu.memory_space<semaphore_mem>>) src(%dma_wait3A_234 : memref<1048576xf32, #tpu.memory_space<hbm>>) dst(%dma_wait3A_230 : memref<128xf32, #tpu.memory_space<vmem>>)
    %dma_wait3A_235 = arith.constant 1792 : i32
    %dma_wait3A_236 = tpu.memref_slice %arg6[%dma_wait3A_235] : memref<3200xf32, #tpu.memory_space<vmem>> -> memref<128xf32, #tpu.memory_space<vmem>>
    %dma_wait3A_237 = arith.constant 1792 : i32
    %dma_wait3A_238 = tpu.memref_slice %arg5[%dma_wait3A_237] : memref<3200xi32, #tpu.memory_space<vmem>> -> memref<128xi32, #tpu.memory_space<vmem>>
    %dma_wait3A_239 = arith.constant 0 : i32
    %dma_wait3A_240 = tpu.memref_slice %arg2[%dma_wait3A_239] : memref<1048576xf32, #tpu.memory_space<hbm>> -> memref<1048576xf32, #tpu.memory_space<hbm>>
    tpu.wait_indirect_dma semaphore(%arg7 : memref<!tpu.dma_semaphore, #tpu.memory_space<semaphore_mem>>) src(%dma_wait3A_240 : memref<1048576xf32, #tpu.memory_space<hbm>>) dst(%dma_wait3A_236 : memref<128xf32, #tpu.memory_space<vmem>>)
    %dma_wait3A_241 = arith.constant 1920 : i32
    %dma_wait3A_242 = tpu.memref_slice %arg6[%dma_wait3A_241] : memref<3200xf32, #tpu.memory_space<vmem>> -> memref<128xf32, #tpu.memory_space<vmem>>
    %dma_wait3A_243 = arith.constant 1920 : i32
    %dma_wait3A_244 = tpu.memref_slice %arg5[%dma_wait3A_243] : memref<3200xi32, #tpu.memory_space<vmem>> -> memref<128xi32, #tpu.memory_space<vmem>>
    %dma_wait3A_245 = arith.constant 0 : i32
    %dma_wait3A_246 = tpu.memref_slice %arg2[%dma_wait3A_245] : memref<1048576xf32, #tpu.memory_space<hbm>> -> memref<1048576xf32, #tpu.memory_space<hbm>>
    tpu.wait_indirect_dma semaphore(%arg7 : memref<!tpu.dma_semaphore, #tpu.memory_space<semaphore_mem>>) src(%dma_wait3A_246 : memref<1048576xf32, #tpu.memory_space<hbm>>) dst(%dma_wait3A_242 : memref<128xf32, #tpu.memory_space<vmem>>)
    %dma_wait3A_247 = arith.constant 2048 : i32
    %dma_wait3A_248 = tpu.memref_slice %arg6[%dma_wait3A_247] : memref<3200xf32, #tpu.memory_space<vmem>> -> memref<128xf32, #tpu.memory_space<vmem>>
    %dma_wait3A_249 = arith.constant 2048 : i32
    %dma_wait3A_250 = tpu.memref_slice %arg5[%dma_wait3A_249] : memref<3200xi32, #tpu.memory_space<vmem>> -> memref<128xi32, #tpu.memory_space<vmem>>
    %dma_wait3A_251 = arith.constant 0 : i32
    %dma_wait3A_252 = tpu.memref_slice %arg2[%dma_wait3A_251] : memref<1048576xf32, #tpu.memory_space<hbm>> -> memref<1048576xf32, #tpu.memory_space<hbm>>
    tpu.wait_indirect_dma semaphore(%arg7 : memref<!tpu.dma_semaphore, #tpu.memory_space<semaphore_mem>>) src(%dma_wait3A_252 : memref<1048576xf32, #tpu.memory_space<hbm>>) dst(%dma_wait3A_248 : memref<128xf32, #tpu.memory_space<vmem>>)
    %dma_wait3A_253 = arith.constant 2176 : i32
    %dma_wait3A_254 = tpu.memref_slice %arg6[%dma_wait3A_253] : memref<3200xf32, #tpu.memory_space<vmem>> -> memref<128xf32, #tpu.memory_space<vmem>>
    %dma_wait3A_255 = arith.constant 2176 : i32
    %dma_wait3A_256 = tpu.memref_slice %arg5[%dma_wait3A_255] : memref<3200xi32, #tpu.memory_space<vmem>> -> memref<128xi32, #tpu.memory_space<vmem>>
    %dma_wait3A_257 = arith.constant 0 : i32
    %dma_wait3A_258 = tpu.memref_slice %arg2[%dma_wait3A_257] : memref<1048576xf32, #tpu.memory_space<hbm>> -> memref<1048576xf32, #tpu.memory_space<hbm>>
    tpu.wait_indirect_dma semaphore(%arg7 : memref<!tpu.dma_semaphore, #tpu.memory_space<semaphore_mem>>) src(%dma_wait3A_258 : memref<1048576xf32, #tpu.memory_space<hbm>>) dst(%dma_wait3A_254 : memref<128xf32, #tpu.memory_space<vmem>>)
    %dma_wait3A_259 = arith.constant 2304 : i32
    %dma_wait3A_260 = tpu.memref_slice %arg6[%dma_wait3A_259] : memref<3200xf32, #tpu.memory_space<vmem>> -> memref<128xf32, #tpu.memory_space<vmem>>
    %dma_wait3A_261 = arith.constant 2304 : i32
    %dma_wait3A_262 = tpu.memref_slice %arg5[%dma_wait3A_261] : memref<3200xi32, #tpu.memory_space<vmem>> -> memref<128xi32, #tpu.memory_space<vmem>>
    %dma_wait3A_263 = arith.constant 0 : i32
    %dma_wait3A_264 = tpu.memref_slice %arg2[%dma_wait3A_263] : memref<1048576xf32, #tpu.memory_space<hbm>> -> memref<1048576xf32, #tpu.memory_space<hbm>>
    tpu.wait_indirect_dma semaphore(%arg7 : memref<!tpu.dma_semaphore, #tpu.memory_space<semaphore_mem>>) src(%dma_wait3A_264 : memref<1048576xf32, #tpu.memory_space<hbm>>) dst(%dma_wait3A_260 : memref<128xf32, #tpu.memory_space<vmem>>)
    %dma_wait3A_265 = arith.constant 2432 : i32
    %dma_wait3A_266 = tpu.memref_slice %arg6[%dma_wait3A_265] : memref<3200xf32, #tpu.memory_space<vmem>> -> memref<128xf32, #tpu.memory_space<vmem>>
    %dma_wait3A_267 = arith.constant 2432 : i32
    %dma_wait3A_268 = tpu.memref_slice %arg5[%dma_wait3A_267] : memref<3200xi32, #tpu.memory_space<vmem>> -> memref<128xi32, #tpu.memory_space<vmem>>
    %dma_wait3A_269 = arith.constant 0 : i32
    %dma_wait3A_270 = tpu.memref_slice %arg2[%dma_wait3A_269] : memref<1048576xf32, #tpu.memory_space<hbm>> -> memref<1048576xf32, #tpu.memory_space<hbm>>
    tpu.wait_indirect_dma semaphore(%arg7 : memref<!tpu.dma_semaphore, #tpu.memory_space<semaphore_mem>>) src(%dma_wait3A_270 : memref<1048576xf32, #tpu.memory_space<hbm>>) dst(%dma_wait3A_266 : memref<128xf32, #tpu.memory_space<vmem>>)
    %dma_wait3A_271 = arith.constant 2560 : i32
    %dma_wait3A_272 = tpu.memref_slice %arg6[%dma_wait3A_271] : memref<3200xf32, #tpu.memory_space<vmem>> -> memref<128xf32, #tpu.memory_space<vmem>>
    %dma_wait3A_273 = arith.constant 2560 : i32
    %dma_wait3A_274 = tpu.memref_slice %arg5[%dma_wait3A_273] : memref<3200xi32, #tpu.memory_space<vmem>> -> memref<128xi32, #tpu.memory_space<vmem>>
    %dma_wait3A_275 = arith.constant 0 : i32
    %dma_wait3A_276 = tpu.memref_slice %arg2[%dma_wait3A_275] : memref<1048576xf32, #tpu.memory_space<hbm>> -> memref<1048576xf32, #tpu.memory_space<hbm>>
    tpu.wait_indirect_dma semaphore(%arg7 : memref<!tpu.dma_semaphore, #tpu.memory_space<semaphore_mem>>) src(%dma_wait3A_276 : memref<1048576xf32, #tpu.memory_space<hbm>>) dst(%dma_wait3A_272 : memref<128xf32, #tpu.memory_space<vmem>>)
    %dma_wait3A_277 = arith.constant 2688 : i32
    %dma_wait3A_278 = tpu.memref_slice %arg6[%dma_wait3A_277] : memref<3200xf32, #tpu.memory_space<vmem>> -> memref<128xf32, #tpu.memory_space<vmem>>
    %dma_wait3A_279 = arith.constant 2688 : i32
    %dma_wait3A_280 = tpu.memref_slice %arg5[%dma_wait3A_279] : memref<3200xi32, #tpu.memory_space<vmem>> -> memref<128xi32, #tpu.memory_space<vmem>>
    %dma_wait3A_281 = arith.constant 0 : i32
    %dma_wait3A_282 = tpu.memref_slice %arg2[%dma_wait3A_281] : memref<1048576xf32, #tpu.memory_space<hbm>> -> memref<1048576xf32, #tpu.memory_space<hbm>>
    tpu.wait_indirect_dma semaphore(%arg7 : memref<!tpu.dma_semaphore, #tpu.memory_space<semaphore_mem>>) src(%dma_wait3A_282 : memref<1048576xf32, #tpu.memory_space<hbm>>) dst(%dma_wait3A_278 : memref<128xf32, #tpu.memory_space<vmem>>)
    %dma_wait3A_283 = arith.constant 2816 : i32
    %dma_wait3A_284 = tpu.memref_slice %arg6[%dma_wait3A_283] : memref<3200xf32, #tpu.memory_space<vmem>> -> memref<128xf32, #tpu.memory_space<vmem>>
    %dma_wait3A_285 = arith.constant 2816 : i32
    %dma_wait3A_286 = tpu.memref_slice %arg5[%dma_wait3A_285] : memref<3200xi32, #tpu.memory_space<vmem>> -> memref<128xi32, #tpu.memory_space<vmem>>
    %dma_wait3A_287 = arith.constant 0 : i32
    %dma_wait3A_288 = tpu.memref_slice %arg2[%dma_wait3A_287] : memref<1048576xf32, #tpu.memory_space<hbm>> -> memref<1048576xf32, #tpu.memory_space<hbm>>
    tpu.wait_indirect_dma semaphore(%arg7 : memref<!tpu.dma_semaphore, #tpu.memory_space<semaphore_mem>>) src(%dma_wait3A_288 : memref<1048576xf32, #tpu.memory_space<hbm>>) dst(%dma_wait3A_284 : memref<128xf32, #tpu.memory_space<vmem>>)
    %dma_wait3A_289 = arith.constant 2944 : i32
    %dma_wait3A_290 = tpu.memref_slice %arg6[%dma_wait3A_289] : memref<3200xf32, #tpu.memory_space<vmem>> -> memref<128xf32, #tpu.memory_space<vmem>>
    %dma_wait3A_291 = arith.constant 2944 : i32
    %dma_wait3A_292 = tpu.memref_slice %arg5[%dma_wait3A_291] : memref<3200xi32, #tpu.memory_space<vmem>> -> memref<128xi32, #tpu.memory_space<vmem>>
    %dma_wait3A_293 = arith.constant 0 : i32
    %dma_wait3A_294 = tpu.memref_slice %arg2[%dma_wait3A_293] : memref<1048576xf32, #tpu.memory_space<hbm>> -> memref<1048576xf32, #tpu.memory_space<hbm>>
    tpu.wait_indirect_dma semaphore(%arg7 : memref<!tpu.dma_semaphore, #tpu.memory_space<semaphore_mem>>) src(%dma_wait3A_294 : memref<1048576xf32, #tpu.memory_space<hbm>>) dst(%dma_wait3A_290 : memref<128xf32, #tpu.memory_space<vmem>>)
    %dma_wait3A_295 = arith.constant 3072 : i32
    %dma_wait3A_296 = tpu.memref_slice %arg6[%dma_wait3A_295] : memref<3200xf32, #tpu.memory_space<vmem>> -> memref<128xf32, #tpu.memory_space<vmem>>
    %dma_wait3A_297 = arith.constant 3072 : i32
    %dma_wait3A_298 = tpu.memref_slice %arg5[%dma_wait3A_297] : memref<3200xi32, #tpu.memory_space<vmem>> -> memref<128xi32, #tpu.memory_space<vmem>>
    %dma_wait3A_299 = arith.constant 0 : i32
    %dma_wait3A_300 = tpu.memref_slice %arg2[%dma_wait3A_299] : memref<1048576xf32, #tpu.memory_space<hbm>> -> memref<1048576xf32, #tpu.memory_space<hbm>>
    tpu.wait_indirect_dma semaphore(%arg7 : memref<!tpu.dma_semaphore, #tpu.memory_space<semaphore_mem>>) src(%dma_wait3A_300 : memref<1048576xf32, #tpu.memory_space<hbm>>) dst(%dma_wait3A_296 : memref<128xf32, #tpu.memory_space<vmem>>)
    "tpu.region"() ({
      %run_scoped3A = tpu.sem_alloc : memref<!tpu.dma_semaphore, #tpu.memory_space<semaphore_mem>>
      %dma_start3A_301 = tpu.memref_slice %arg4[%mul3A_2] : memref<102400xf32, #tpu.memory_space<hbm>> -> memref<3200xf32, #tpu.memory_space<hbm>>
      %dma_start3A_302 = tpu.memref_slice %arg4[%mul3A_2] : memref<102400xf32, #tpu.memory_space<hbm>> -> memref<3200xf32, #tpu.memory_space<hbm>>
      tpu.enqueue_dma source(%arg6 : memref<3200xf32, #tpu.memory_space<vmem>>) target(%dma_start3A_302 : memref<3200xf32, #tpu.memory_space<hbm>>) target_semaphore(%run_scoped3A : memref<!tpu.dma_semaphore, #tpu.memory_space<semaphore_mem>>)
      %dma_wait3A_303 = tpu.memref_slice %arg4[%mul3A_2] : memref<102400xf32, #tpu.memory_space<hbm>> -> memref<3200xf32, #tpu.memory_space<hbm>>
      %dma_wait3A_304 = tpu.memref_slice %arg4[%mul3A_2] : memref<102400xf32, #tpu.memory_space<hbm>> -> memref<3200xf32, #tpu.memory_space<hbm>>
      tpu.wait_dma2 semaphore(%run_scoped3A : memref<!tpu.dma_semaphore, #tpu.memory_space<semaphore_mem>>) src(%arg6 : memref<3200xf32, #tpu.memory_space<vmem>>) dst(%dma_wait3A_304 : memref<3200xf32, #tpu.memory_space<hbm>>)
      tpu.yield
    }) : () -> ()
    return
  }
}

#map = affine_map<(d0, d1) -> (0)>
module attributes {stable_mosaic.version = 14 : i64} {
  func.func @_apply_swaps(%arg0: i32, %arg1: i32, %arg2: memref<1048576xf32, #tpu.memory_space<hbm>>, %arg3: memref<102400xi32, #tpu.memory_space<hbm>>, %arg4: memref<102400xf32, #tpu.memory_space<hbm>>, %arg5: memref<1048576xf32, #tpu.memory_space<hbm>>, %arg6: memref<32768xf32, #tpu.memory_space<vmem>>, %arg7: memref<12800xi32, #tpu.memory_space<vmem>>, %arg8: memref<12800xf32, #tpu.memory_space<vmem>>, %arg9: memref<12800xi32, #tpu.memory_space<vmem>>, %arg10: memref<12800xf32, #tpu.memory_space<vmem>>, %arg11: memref<!tpu.dma_semaphore, #tpu.memory_space<semaphore_mem>>, %arg12: memref<!tpu.dma_semaphore, #tpu.memory_space<semaphore_mem>>) attributes {dimension_semantics = [#tpu.dimension_semantics<core_parallel>, #tpu.dimension_semantics<subcore_parallel>], iteration_bounds = array<i64: 2, 16>, scalar_prefetch = 0 : i64, scratch_operands = 7 : i64, tpu.core_type = #tpu.core_type<sc_vector_subcore>, window_params = [{transform_indices = #map}, {transform_indices = #map}, {transform_indices = #map}, {transform_indices = #map}]} {
    %mul3A = arith.constant 2 : i32
    %mul3A_0 = arith.muli %arg1, %mul3A : i32
    %add3A = arith.addi %mul3A_0, %arg0 : i32
    %mul3A_1 = arith.constant 32768 : i32
    %mul3A_2 = arith.muli %add3A, %mul3A_1 : i32
    %dma_start3A = arith.constant 0 : i32
    %dma_start3A_3 = tpu.memref_slice %arg3[%dma_start3A] : memref<102400xi32, #tpu.memory_space<hbm>> -> memref<12800xi32, #tpu.memory_space<hbm>>
    %dma_start3A_4 = arith.constant 0 : i32
    %dma_start3A_5 = tpu.memref_slice %arg3[%dma_start3A_4] : memref<102400xi32, #tpu.memory_space<hbm>> -> memref<12800xi32, #tpu.memory_space<hbm>>
    tpu.enqueue_dma source(%dma_start3A_5 : memref<12800xi32, #tpu.memory_space<hbm>>) target(%arg7 : memref<12800xi32, #tpu.memory_space<vmem>>) target_semaphore(%arg11 : memref<!tpu.dma_semaphore, #tpu.memory_space<semaphore_mem>>)
    %dma_start3A_6 = arith.constant 0 : i32
    %dma_start3A_7 = tpu.memref_slice %arg4[%dma_start3A_6] : memref<102400xf32, #tpu.memory_space<hbm>> -> memref<12800xf32, #tpu.memory_space<hbm>>
    %dma_start3A_8 = arith.constant 0 : i32
    %dma_start3A_9 = tpu.memref_slice %arg4[%dma_start3A_8] : memref<102400xf32, #tpu.memory_space<hbm>> -> memref<12800xf32, #tpu.memory_space<hbm>>
    tpu.enqueue_dma source(%dma_start3A_9 : memref<12800xf32, #tpu.memory_space<hbm>>) target(%arg8 : memref<12800xf32, #tpu.memory_space<vmem>>) target_semaphore(%arg12 : memref<!tpu.dma_semaphore, #tpu.memory_space<semaphore_mem>>)
    "tpu.region"() ({
      %run_scoped3A = tpu.sem_alloc : memref<!tpu.dma_semaphore, #tpu.memory_space<semaphore_mem>>
      %dma_start3A_176 = tpu.memref_slice %arg2[%mul3A_2] : memref<1048576xf32, #tpu.memory_space<hbm>> -> memref<32768xf32, #tpu.memory_space<hbm>>
      %dma_start3A_177 = tpu.memref_slice %arg2[%mul3A_2] : memref<1048576xf32, #tpu.memory_space<hbm>> -> memref<32768xf32, #tpu.memory_space<hbm>>
      tpu.enqueue_dma source(%dma_start3A_177 : memref<32768xf32, #tpu.memory_space<hbm>>) target(%arg6 : memref<32768xf32, #tpu.memory_space<vmem>>) target_semaphore(%run_scoped3A : memref<!tpu.dma_semaphore, #tpu.memory_space<semaphore_mem>>)
      %dma_wait3A_178 = tpu.memref_slice %arg2[%mul3A_2] : memref<1048576xf32, #tpu.memory_space<hbm>> -> memref<32768xf32, #tpu.memory_space<hbm>>
      %dma_wait3A_179 = tpu.memref_slice %arg2[%mul3A_2] : memref<1048576xf32, #tpu.memory_space<hbm>> -> memref<32768xf32, #tpu.memory_space<hbm>>
      tpu.wait_dma2 semaphore(%run_scoped3A : memref<!tpu.dma_semaphore, #tpu.memory_space<semaphore_mem>>) src(%dma_wait3A_179 : memref<32768xf32, #tpu.memory_space<hbm>>) dst(%arg6 : memref<32768xf32, #tpu.memory_space<vmem>>)
      tpu.yield
    }) : () -> ()
    %dma_wait3A = arith.constant 0 : i32
    %dma_wait3A_10 = tpu.memref_slice %arg3[%dma_wait3A] : memref<102400xi32, #tpu.memory_space<hbm>> -> memref<12800xi32, #tpu.memory_space<hbm>>
    %dma_wait3A_11 = arith.constant 0 : i32
    %dma_wait3A_12 = tpu.memref_slice %arg3[%dma_wait3A_11] : memref<102400xi32, #tpu.memory_space<hbm>> -> memref<12800xi32, #tpu.memory_space<hbm>>
    tpu.wait_dma2 semaphore(%arg11 : memref<!tpu.dma_semaphore, #tpu.memory_space<semaphore_mem>>) src(%dma_wait3A_12 : memref<12800xi32, #tpu.memory_space<hbm>>) dst(%arg7 : memref<12800xi32, #tpu.memory_space<vmem>>)
    %dma_wait3A_13 = arith.constant 0 : i32
    %dma_wait3A_14 = tpu.memref_slice %arg4[%dma_wait3A_13] : memref<102400xf32, #tpu.memory_space<hbm>> -> memref<12800xf32, #tpu.memory_space<hbm>>
    %dma_wait3A_15 = arith.constant 0 : i32
    %dma_wait3A_16 = tpu.memref_slice %arg4[%dma_wait3A_15] : memref<102400xf32, #tpu.memory_space<hbm>> -> memref<12800xf32, #tpu.memory_space<hbm>>
    tpu.wait_dma2 semaphore(%arg12 : memref<!tpu.dma_semaphore, #tpu.memory_space<semaphore_mem>>) src(%dma_wait3A_16 : memref<12800xf32, #tpu.memory_space<hbm>>) dst(%arg8 : memref<12800xf32, #tpu.memory_space<vmem>>)
    %dma_start3A_17 = arith.constant 12800 : i32
    %dma_start3A_18 = tpu.memref_slice %arg3[%dma_start3A_17] : memref<102400xi32, #tpu.memory_space<hbm>> -> memref<12800xi32, #tpu.memory_space<hbm>>
    %dma_start3A_19 = arith.constant 12800 : i32
    %dma_start3A_20 = tpu.memref_slice %arg3[%dma_start3A_19] : memref<102400xi32, #tpu.memory_space<hbm>> -> memref<12800xi32, #tpu.memory_space<hbm>>
    tpu.enqueue_dma source(%dma_start3A_20 : memref<12800xi32, #tpu.memory_space<hbm>>) target(%arg9 : memref<12800xi32, #tpu.memory_space<vmem>>) target_semaphore(%arg11 : memref<!tpu.dma_semaphore, #tpu.memory_space<semaphore_mem>>)
    %dma_start3A_21 = arith.constant 12800 : i32
    %dma_start3A_22 = tpu.memref_slice %arg4[%dma_start3A_21] : memref<102400xf32, #tpu.memory_space<hbm>> -> memref<12800xf32, #tpu.memory_space<hbm>>
    %dma_start3A_23 = arith.constant 12800 : i32
    %dma_start3A_24 = tpu.memref_slice %arg4[%dma_start3A_23] : memref<102400xf32, #tpu.memory_space<hbm>> -> memref<12800xf32, #tpu.memory_space<hbm>>
    tpu.enqueue_dma source(%dma_start3A_24 : memref<12800xf32, #tpu.memory_space<hbm>>) target(%arg10 : memref<12800xf32, #tpu.memory_space<vmem>>) target_semaphore(%arg12 : memref<!tpu.dma_semaphore, #tpu.memory_space<semaphore_mem>>)
    %scan3A = arith.constant 0 : i32
    %scan3A_25 = arith.constant 0 : i32
    %scan3A_26 = arith.constant 100 : i32
    %scan3A_27 = arith.addi %scan3A_25, %scan3A_26 : i32
    %scan3A_28 = arith.constant 1 : i32
    scf.for %scan3A_176 = %scan3A_25 to %scan3A_27 step %scan3A_28  : i32 {
      %mul3A_177 = arith.constant 128 : i32
      %mul3A_178 = arith.muli %scan3A_176, %mul3A_177 : i32
      %add3A_179 = arith.constant 0 : i32
      %add3A_180 = arith.addi %mul3A_178, %add3A_179 : i32
      %get3A = arith.index_cast %add3A_180 : i32 to index
      %get3A_181 = tpu.vector_load %arg7[%get3A] {strides = array<i32>} : memref<12800xi32, #tpu.memory_space<vmem>>, vector<16xi32>,
      %sub3A = vector.broadcast %mul3A_2 : i32 to vector<16xi32>
      %sub3A_182 = arith.subi %get3A_181, %sub3A : vector<16xi32>
      %ge3A = arith.constant 0 : i32
      %ge3A_183 = vector.broadcast %ge3A : i32 to vector<16xi32>
      %ge3A_184 = arith.cmpi sge, %sub3A_182, %ge3A_183 : vector<16xi32>
      %lt3A = arith.constant 32768 : i32
      %lt3A_185 = vector.broadcast %lt3A : i32 to vector<16xi32>
      %lt3A_186 = arith.cmpi slt, %sub3A_182, %lt3A_185 : vector<16xi32>
      %and3A = arith.andi %ge3A_184, %lt3A_186 : vector<16xi1>
      %jit3A = arith.constant 0 : i32
      %broadcast_in_dim3A = vector.broadcast %jit3A : i32 to vector<16xi32>
      %select_n3A = arith.select %and3A, %sub3A_182, %broadcast_in_dim3A : vector<16xi1>, vector<16xi32>
      %get3A_187 = arith.index_cast %add3A_180 : i32 to index
      %get3A_188 = tpu.vector_load %arg8[%get3A_187] {strides = array<i32>} : memref<12800xf32, #tpu.memory_space<vmem>>, vector<16xf32>,
      tpu.vector_store_idx %arg6[%select_n3A], %get3A_188 masked %and3A : memref<32768xf32, #tpu.memory_space<vmem>>[vector<16xi32>], vector<16xf32>, vector<16xi1>
      %mul3A_189 = arith.constant 128 : i32
      %mul3A_190 = arith.muli %scan3A_176, %mul3A_189 : i32
      %add3A_191 = arith.constant 16 : i32
      %add3A_192 = arith.addi %mul3A_190, %add3A_191 : i32
      %get3A_193 = arith.index_cast %add3A_192 : i32 to index
      %get3A_194 = tpu.vector_load %arg7[%get3A_193] {strides = array<i32>} : memref<12800xi32, #tpu.memory_space<vmem>>, vector<16xi32>,
      %sub3A_195 = vector.broadcast %mul3A_2 : i32 to vector<16xi32>
      %sub3A_196 = arith.subi %get3A_194, %sub3A_195 : vector<16xi32>
      %ge3A_197 = arith.constant 0 : i32
      %ge3A_198 = vector.broadcast %ge3A_197 : i32 to vector<16xi32>
      %ge3A_199 = arith.cmpi sge, %sub3A_196, %ge3A_198 : vector<16xi32>
      %lt3A_200 = arith.constant 32768 : i32
      %lt3A_201 = vector.broadcast %lt3A_200 : i32 to vector<16xi32>
      %lt3A_202 = arith.cmpi slt, %sub3A_196, %lt3A_201 : vector<16xi32>
      %and3A_203 = arith.andi %ge3A_199, %lt3A_202 : vector<16xi1>
      %jit3A_204 = arith.constant 0 : i32
      %broadcast_in_dim3A_205 = vector.broadcast %jit3A_204 : i32 to vector<16xi32>
      %select_n3A_206 = arith.select %and3A_203, %sub3A_196, %broadcast_in_dim3A_205 : vector<16xi1>, vector<16xi32>
      %get3A_207 = arith.index_cast %add3A_192 : i32 to index
      %get3A_208 = tpu.vector_load %arg8[%get3A_207] {strides = array<i32>} : memref<12800xf32, #tpu.memory_space<vmem>>, vector<16xf32>,
      tpu.vector_store_idx %arg6[%select_n3A_206], %get3A_208 masked %and3A_203 : memref<32768xf32, #tpu.memory_space<vmem>>[vector<16xi32>], vector<16xf32>, vector<16xi1>
      %mul3A_209 = arith.constant 128 : i32
      %mul3A_210 = arith.muli %scan3A_176, %mul3A_209 : i32
      %add3A_211 = arith.constant 32 : i32
      %add3A_212 = arith.addi %mul3A_210, %add3A_211 : i32
      %get3A_213 = arith.index_cast %add3A_212 : i32 to index
      %get3A_214 = tpu.vector_load %arg7[%get3A_213] {strides = array<i32>} : memref<12800xi32, #tpu.memory_space<vmem>>, vector<16xi32>,
      %sub3A_215 = vector.broadcast %mul3A_2 : i32 to vector<16xi32>
      %sub3A_216 = arith.subi %get3A_214, %sub3A_215 : vector<16xi32>
      %ge3A_217 = arith.constant 0 : i32
      %ge3A_218 = vector.broadcast %ge3A_217 : i32 to vector<16xi32>
      %ge3A_219 = arith.cmpi sge, %sub3A_216, %ge3A_218 : vector<16xi32>
      %lt3A_220 = arith.constant 32768 : i32
      %lt3A_221 = vector.broadcast %lt3A_220 : i32 to vector<16xi32>
      %lt3A_222 = arith.cmpi slt, %sub3A_216, %lt3A_221 : vector<16xi32>
      %and3A_223 = arith.andi %ge3A_219, %lt3A_222 : vector<16xi1>
      %jit3A_224 = arith.constant 0 : i32
      %broadcast_in_dim3A_225 = vector.broadcast %jit3A_224 : i32 to vector<16xi32>
      %select_n3A_226 = arith.select %and3A_223, %sub3A_216, %broadcast_in_dim3A_225 : vector<16xi1>, vector<16xi32>
      %get3A_227 = arith.index_cast %add3A_212 : i32 to index
      %get3A_228 = tpu.vector_load %arg8[%get3A_227] {strides = array<i32>} : memref<12800xf32, #tpu.memory_space<vmem>>, vector<16xf32>,
      tpu.vector_store_idx %arg6[%select_n3A_226], %get3A_228 masked %and3A_223 : memref<32768xf32, #tpu.memory_space<vmem>>[vector<16xi32>], vector<16xf32>, vector<16xi1>
      %mul3A_229 = arith.constant 128 : i32
      %mul3A_230 = arith.muli %scan3A_176, %mul3A_229 : i32
      %add3A_231 = arith.constant 48 : i32
      %add3A_232 = arith.addi %mul3A_230, %add3A_231 : i32
      %get3A_233 = arith.index_cast %add3A_232 : i32 to index
      %get3A_234 = tpu.vector_load %arg7[%get3A_233] {strides = array<i32>} : memref<12800xi32, #tpu.memory_space<vmem>>, vector<16xi32>,
      %sub3A_235 = vector.broadcast %mul3A_2 : i32 to vector<16xi32>
      %sub3A_236 = arith.subi %get3A_234, %sub3A_235 : vector<16xi32>
      %ge3A_237 = arith.constant 0 : i32
      %ge3A_238 = vector.broadcast %ge3A_237 : i32 to vector<16xi32>
      %ge3A_239 = arith.cmpi sge, %sub3A_236, %ge3A_238 : vector<16xi32>
      %lt3A_240 = arith.constant 32768 : i32
      %lt3A_241 = vector.broadcast %lt3A_240 : i32 to vector<16xi32>
      %lt3A_242 = arith.cmpi slt, %sub3A_236, %lt3A_241 : vector<16xi32>
      %and3A_243 = arith.andi %ge3A_239, %lt3A_242 : vector<16xi1>
      %jit3A_244 = arith.constant 0 : i32
      %broadcast_in_dim3A_245 = vector.broadcast %jit3A_244 : i32 to vector<16xi32>
      %select_n3A_246 = arith.select %and3A_243, %sub3A_236, %broadcast_in_dim3A_245 : vector<16xi1>, vector<16xi32>
      %get3A_247 = arith.index_cast %add3A_232 : i32 to index
      %get3A_248 = tpu.vector_load %arg8[%get3A_247] {strides = array<i32>} : memref<12800xf32, #tpu.memory_space<vmem>>, vector<16xf32>,
      tpu.vector_store_idx %arg6[%select_n3A_246], %get3A_248 masked %and3A_243 : memref<32768xf32, #tpu.memory_space<vmem>>[vector<16xi32>], vector<16xf32>, vector<16xi1>
      %mul3A_249 = arith.constant 128 : i32
      %mul3A_250 = arith.muli %scan3A_176, %mul3A_249 : i32
      %add3A_251 = arith.constant 64 : i32
      %add3A_252 = arith.addi %mul3A_250, %add3A_251 : i32
      %get3A_253 = arith.index_cast %add3A_252 : i32 to index
      %get3A_254 = tpu.vector_load %arg7[%get3A_253] {strides = array<i32>} : memref<12800xi32, #tpu.memory_space<vmem>>, vector<16xi32>,
      %sub3A_255 = vector.broadcast %mul3A_2 : i32 to vector<16xi32>
      %sub3A_256 = arith.subi %get3A_254, %sub3A_255 : vector<16xi32>
      %ge3A_257 = arith.constant 0 : i32
      %ge3A_258 = vector.broadcast %ge3A_257 : i32 to vector<16xi32>
      %ge3A_259 = arith.cmpi sge, %sub3A_256, %ge3A_258 : vector<16xi32>
      %lt3A_260 = arith.constant 32768 : i32
      %lt3A_261 = vector.broadcast %lt3A_260 : i32 to vector<16xi32>
      %lt3A_262 = arith.cmpi slt, %sub3A_256, %lt3A_261 : vector<16xi32>
      %and3A_263 = arith.andi %ge3A_259, %lt3A_262 : vector<16xi1>
      %jit3A_264 = arith.constant 0 : i32
      %broadcast_in_dim3A_265 = vector.broadcast %jit3A_264 : i32 to vector<16xi32>
      %select_n3A_266 = arith.select %and3A_263, %sub3A_256, %broadcast_in_dim3A_265 : vector<16xi1>, vector<16xi32>
      %get3A_267 = arith.index_cast %add3A_252 : i32 to index
      %get3A_268 = tpu.vector_load %arg8[%get3A_267] {strides = array<i32>} : memref<12800xf32, #tpu.memory_space<vmem>>, vector<16xf32>,
      tpu.vector_store_idx %arg6[%select_n3A_266], %get3A_268 masked %and3A_263 : memref<32768xf32, #tpu.memory_space<vmem>>[vector<16xi32>], vector<16xf32>, vector<16xi1>
      %mul3A_269 = arith.constant 128 : i32
      %mul3A_270 = arith.muli %scan3A_176, %mul3A_269 : i32
      %add3A_271 = arith.constant 80 : i32
      %add3A_272 = arith.addi %mul3A_270, %add3A_271 : i32
      %get3A_273 = arith.index_cast %add3A_272 : i32 to index
      %get3A_274 = tpu.vector_load %arg7[%get3A_273] {strides = array<i32>} : memref<12800xi32, #tpu.memory_space<vmem>>, vector<16xi32>,
      %sub3A_275 = vector.broadcast %mul3A_2 : i32 to vector<16xi32>
      %sub3A_276 = arith.subi %get3A_274, %sub3A_275 : vector<16xi32>
      %ge3A_277 = arith.constant 0 : i32
      %ge3A_278 = vector.broadcast %ge3A_277 : i32 to vector<16xi32>
      %ge3A_279 = arith.cmpi sge, %sub3A_276, %ge3A_278 : vector<16xi32>
      %lt3A_280 = arith.constant 32768 : i32
      %lt3A_281 = vector.broadcast %lt3A_280 : i32 to vector<16xi32>
      %lt3A_282 = arith.cmpi slt, %sub3A_276, %lt3A_281 : vector<16xi32>
      %and3A_283 = arith.andi %ge3A_279, %lt3A_282 : vector<16xi1>
      %jit3A_284 = arith.constant 0 : i32
      %broadcast_in_dim3A_285 = vector.broadcast %jit3A_284 : i32 to vector<16xi32>
      %select_n3A_286 = arith.select %and3A_283, %sub3A_276, %broadcast_in_dim3A_285 : vector<16xi1>, vector<16xi32>
      %get3A_287 = arith.index_cast %add3A_272 : i32 to index
      %get3A_288 = tpu.vector_load %arg8[%get3A_287] {strides = array<i32>} : memref<12800xf32, #tpu.memory_space<vmem>>, vector<16xf32>,
      tpu.vector_store_idx %arg6[%select_n3A_286], %get3A_288 masked %and3A_283 : memref<32768xf32, #tpu.memory_space<vmem>>[vector<16xi32>], vector<16xf32>, vector<16xi1>
      %mul3A_289 = arith.constant 128 : i32
      %mul3A_290 = arith.muli %scan3A_176, %mul3A_289 : i32
      %add3A_291 = arith.constant 96 : i32
      %add3A_292 = arith.addi %mul3A_290, %add3A_291 : i32
      %get3A_293 = arith.index_cast %add3A_292 : i32 to index
      %get3A_294 = tpu.vector_load %arg7[%get3A_293] {strides = array<i32>} : memref<12800xi32, #tpu.memory_space<vmem>>, vector<16xi32>,
      %sub3A_295 = vector.broadcast %mul3A_2 : i32 to vector<16xi32>
      %sub3A_296 = arith.subi %get3A_294, %sub3A_295 : vector<16xi32>
      %ge3A_297 = arith.constant 0 : i32
      %ge3A_298 = vector.broadcast %ge3A_297 : i32 to vector<16xi32>
      %ge3A_299 = arith.cmpi sge, %sub3A_296, %ge3A_298 : vector<16xi32>
      %lt3A_300 = arith.constant 32768 : i32
      %lt3A_301 = vector.broadcast %lt3A_300 : i32 to vector<16xi32>
      %lt3A_302 = arith.cmpi slt, %sub3A_296, %lt3A_301 : vector<16xi32>
      %and3A_303 = arith.andi %ge3A_299, %lt3A_302 : vector<16xi1>
      %jit3A_304 = arith.constant 0 : i32
      %broadcast_in_dim3A_305 = vector.broadcast %jit3A_304 : i32 to vector<16xi32>
      %select_n3A_306 = arith.select %and3A_303, %sub3A_296, %broadcast_in_dim3A_305 : vector<16xi1>, vector<16xi32>
      %get3A_307 = arith.index_cast %add3A_292 : i32 to index
      %get3A_308 = tpu.vector_load %arg8[%get3A_307] {strides = array<i32>} : memref<12800xf32, #tpu.memory_space<vmem>>, vector<16xf32>,
      tpu.vector_store_idx %arg6[%select_n3A_306], %get3A_308 masked %and3A_303 : memref<32768xf32, #tpu.memory_space<vmem>>[vector<16xi32>], vector<16xf32>, vector<16xi1>
      %mul3A_309 = arith.constant 128 : i32
      %mul3A_310 = arith.muli %scan3A_176, %mul3A_309 : i32
      %add3A_311 = arith.constant 112 : i32
      %add3A_312 = arith.addi %mul3A_310, %add3A_311 : i32
      %get3A_313 = arith.index_cast %add3A_312 : i32 to index
      %get3A_314 = tpu.vector_load %arg7[%get3A_313] {strides = array<i32>} : memref<12800xi32, #tpu.memory_space<vmem>>, vector<16xi32>,
      %sub3A_315 = vector.broadcast %mul3A_2 : i32 to vector<16xi32>
      %sub3A_316 = arith.subi %get3A_314, %sub3A_315 : vector<16xi32>
      %ge3A_317 = arith.constant 0 : i32
      %ge3A_318 = vector.broadcast %ge3A_317 : i32 to vector<16xi32>
      %ge3A_319 = arith.cmpi sge, %sub3A_316, %ge3A_318 : vector<16xi32>
      %lt3A_320 = arith.constant 32768 : i32
      %lt3A_321 = vector.broadcast %lt3A_320 : i32 to vector<16xi32>
      %lt3A_322 = arith.cmpi slt, %sub3A_316, %lt3A_321 : vector<16xi32>
      %and3A_323 = arith.andi %ge3A_319, %lt3A_322 : vector<16xi1>
      %jit3A_324 = arith.constant 0 : i32
      %broadcast_in_dim3A_325 = vector.broadcast %jit3A_324 : i32 to vector<16xi32>
      %select_n3A_326 = arith.select %and3A_323, %sub3A_316, %broadcast_in_dim3A_325 : vector<16xi1>, vector<16xi32>
      %get3A_327 = arith.index_cast %add3A_312 : i32 to index
      %get3A_328 = tpu.vector_load %arg8[%get3A_327] {strides = array<i32>} : memref<12800xf32, #tpu.memory_space<vmem>>, vector<16xf32>,
      tpu.vector_store_idx %arg6[%select_n3A_326], %get3A_328 masked %and3A_323 : memref<32768xf32, #tpu.memory_space<vmem>>[vector<16xi32>], vector<16xf32>, vector<16xi1>
    }
    %scan3A_29 = arith.constant 100 : i32
    %dma_wait3A_30 = arith.constant 12800 : i32
    %dma_wait3A_31 = tpu.memref_slice %arg3[%dma_wait3A_30] : memref<102400xi32, #tpu.memory_space<hbm>> -> memref<12800xi32, #tpu.memory_space<hbm>>
    %dma_wait3A_32 = arith.constant 12800 : i32
    %dma_wait3A_33 = tpu.memref_slice %arg3[%dma_wait3A_32] : memref<102400xi32, #tpu.memory_space<hbm>> -> memref<12800xi32, #tpu.memory_space<hbm>>
    tpu.wait_dma2 semaphore(%arg11 : memref<!tpu.dma_semaphore, #tpu.memory_space<semaphore_mem>>) src(%dma_wait3A_33 : memref<12800xi32, #tpu.memory_space<hbm>>) dst(%arg9 : memref<12800xi32, #tpu.memory_space<vmem>>)
    %dma_wait3A_34 = arith.constant 12800 : i32
    %dma_wait3A_35 = tpu.memref_slice %arg4[%dma_wait3A_34] : memref<102400xf32, #tpu.memory_space<hbm>> -> memref<12800xf32, #tpu.memory_space<hbm>>
    %dma_wait3A_36 = arith.constant 12800 : i32
    %dma_wait3A_37 = tpu.memref_slice %arg4[%dma_wait3A_36] : memref<102400xf32, #tpu.memory_space<hbm>> -> memref<12800xf32, #tpu.memory_space<hbm>>
    tpu.wait_dma2 semaphore(%arg12 : memref<!tpu.dma_semaphore, #tpu.memory_space<semaphore_mem>>) src(%dma_wait3A_37 : memref<12800xf32, #tpu.memory_space<hbm>>) dst(%arg10 : memref<12800xf32, #tpu.memory_space<vmem>>)
    %dma_start3A_38 = arith.constant 25600 : i32
    %dma_start3A_39 = tpu.memref_slice %arg3[%dma_start3A_38] : memref<102400xi32, #tpu.memory_space<hbm>> -> memref<12800xi32, #tpu.memory_space<hbm>>
    %dma_start3A_40 = arith.constant 25600 : i32
    %dma_start3A_41 = tpu.memref_slice %arg3[%dma_start3A_40] : memref<102400xi32, #tpu.memory_space<hbm>> -> memref<12800xi32, #tpu.memory_space<hbm>>
    tpu.enqueue_dma source(%dma_start3A_41 : memref<12800xi32, #tpu.memory_space<hbm>>) target(%arg7 : memref<12800xi32, #tpu.memory_space<vmem>>) target_semaphore(%arg11 : memref<!tpu.dma_semaphore, #tpu.memory_space<semaphore_mem>>)
    %dma_start3A_42 = arith.constant 25600 : i32
    %dma_start3A_43 = tpu.memref_slice %arg4[%dma_start3A_42] : memref<102400xf32, #tpu.memory_space<hbm>> -> memref<12800xf32, #tpu.memory_space<hbm>>
    %dma_start3A_44 = arith.constant 25600 : i32
    %dma_start3A_45 = tpu.memref_slice %arg4[%dma_start3A_44] : memref<102400xf32, #tpu.memory_space<hbm>> -> memref<12800xf32, #tpu.memory_space<hbm>>
    tpu.enqueue_dma source(%dma_start3A_45 : memref<12800xf32, #tpu.memory_space<hbm>>) target(%arg8 : memref<12800xf32, #tpu.memory_space<vmem>>) target_semaphore(%arg12 : memref<!tpu.dma_semaphore, #tpu.memory_space<semaphore_mem>>)
    %scan3A_46 = arith.constant 0 : i32
    %scan3A_47 = arith.constant 0 : i32
    %scan3A_48 = arith.constant 100 : i32
    %scan3A_49 = arith.addi %scan3A_47, %scan3A_48 : i32
    %scan3A_50 = arith.constant 1 : i32
    scf.for %scan3A_176 = %scan3A_47 to %scan3A_49 step %scan3A_50  : i32 {
      %mul3A_177 = arith.constant 128 : i32
      %mul3A_178 = arith.muli %scan3A_176, %mul3A_177 : i32
      %add3A_179 = arith.constant 0 : i32
      %add3A_180 = arith.addi %mul3A_178, %add3A_179 : i32
      %get3A = arith.index_cast %add3A_180 : i32 to index
      %get3A_181 = tpu.vector_load %arg9[%get3A] {strides = array<i32>} : memref<12800xi32, #tpu.memory_space<vmem>>, vector<16xi32>,
      %sub3A = vector.broadcast %mul3A_2 : i32 to vector<16xi32>
      %sub3A_182 = arith.subi %get3A_181, %sub3A : vector<16xi32>
      %ge3A = arith.constant 0 : i32
      %ge3A_183 = vector.broadcast %ge3A : i32 to vector<16xi32>
      %ge3A_184 = arith.cmpi sge, %sub3A_182, %ge3A_183 : vector<16xi32>
      %lt3A = arith.constant 32768 : i32
      %lt3A_185 = vector.broadcast %lt3A : i32 to vector<16xi32>
      %lt3A_186 = arith.cmpi slt, %sub3A_182, %lt3A_185 : vector<16xi32>
      %and3A = arith.andi %ge3A_184, %lt3A_186 : vector<16xi1>
      %jit3A = arith.constant 0 : i32
      %broadcast_in_dim3A = vector.broadcast %jit3A : i32 to vector<16xi32>
      %select_n3A = arith.select %and3A, %sub3A_182, %broadcast_in_dim3A : vector<16xi1>, vector<16xi32>
      %get3A_187 = arith.index_cast %add3A_180 : i32 to index
      %get3A_188 = tpu.vector_load %arg10[%get3A_187] {strides = array<i32>} : memref<12800xf32, #tpu.memory_space<vmem>>, vector<16xf32>,
      tpu.vector_store_idx %arg6[%select_n3A], %get3A_188 masked %and3A : memref<32768xf32, #tpu.memory_space<vmem>>[vector<16xi32>], vector<16xf32>, vector<16xi1>
      %mul3A_189 = arith.constant 128 : i32
      %mul3A_190 = arith.muli %scan3A_176, %mul3A_189 : i32
      %add3A_191 = arith.constant 16 : i32
      %add3A_192 = arith.addi %mul3A_190, %add3A_191 : i32
      %get3A_193 = arith.index_cast %add3A_192 : i32 to index
      %get3A_194 = tpu.vector_load %arg9[%get3A_193] {strides = array<i32>} : memref<12800xi32, #tpu.memory_space<vmem>>, vector<16xi32>,
      %sub3A_195 = vector.broadcast %mul3A_2 : i32 to vector<16xi32>
      %sub3A_196 = arith.subi %get3A_194, %sub3A_195 : vector<16xi32>
      %ge3A_197 = arith.constant 0 : i32
      %ge3A_198 = vector.broadcast %ge3A_197 : i32 to vector<16xi32>
      %ge3A_199 = arith.cmpi sge, %sub3A_196, %ge3A_198 : vector<16xi32>
      %lt3A_200 = arith.constant 32768 : i32
      %lt3A_201 = vector.broadcast %lt3A_200 : i32 to vector<16xi32>
      %lt3A_202 = arith.cmpi slt, %sub3A_196, %lt3A_201 : vector<16xi32>
      %and3A_203 = arith.andi %ge3A_199, %lt3A_202 : vector<16xi1>
      %jit3A_204 = arith.constant 0 : i32
      %broadcast_in_dim3A_205 = vector.broadcast %jit3A_204 : i32 to vector<16xi32>
      %select_n3A_206 = arith.select %and3A_203, %sub3A_196, %broadcast_in_dim3A_205 : vector<16xi1>, vector<16xi32>
      %get3A_207 = arith.index_cast %add3A_192 : i32 to index
      %get3A_208 = tpu.vector_load %arg10[%get3A_207] {strides = array<i32>} : memref<12800xf32, #tpu.memory_space<vmem>>, vector<16xf32>,
      tpu.vector_store_idx %arg6[%select_n3A_206], %get3A_208 masked %and3A_203 : memref<32768xf32, #tpu.memory_space<vmem>>[vector<16xi32>], vector<16xf32>, vector<16xi1>
      %mul3A_209 = arith.constant 128 : i32
      %mul3A_210 = arith.muli %scan3A_176, %mul3A_209 : i32
      %add3A_211 = arith.constant 32 : i32
      %add3A_212 = arith.addi %mul3A_210, %add3A_211 : i32
      %get3A_213 = arith.index_cast %add3A_212 : i32 to index
      %get3A_214 = tpu.vector_load %arg9[%get3A_213] {strides = array<i32>} : memref<12800xi32, #tpu.memory_space<vmem>>, vector<16xi32>,
      %sub3A_215 = vector.broadcast %mul3A_2 : i32 to vector<16xi32>
      %sub3A_216 = arith.subi %get3A_214, %sub3A_215 : vector<16xi32>
      %ge3A_217 = arith.constant 0 : i32
      %ge3A_218 = vector.broadcast %ge3A_217 : i32 to vector<16xi32>
      %ge3A_219 = arith.cmpi sge, %sub3A_216, %ge3A_218 : vector<16xi32>
      %lt3A_220 = arith.constant 32768 : i32
      %lt3A_221 = vector.broadcast %lt3A_220 : i32 to vector<16xi32>
      %lt3A_222 = arith.cmpi slt, %sub3A_216, %lt3A_221 : vector<16xi32>
      %and3A_223 = arith.andi %ge3A_219, %lt3A_222 : vector<16xi1>
      %jit3A_224 = arith.constant 0 : i32
      %broadcast_in_dim3A_225 = vector.broadcast %jit3A_224 : i32 to vector<16xi32>
      %select_n3A_226 = arith.select %and3A_223, %sub3A_216, %broadcast_in_dim3A_225 : vector<16xi1>, vector<16xi32>
      %get3A_227 = arith.index_cast %add3A_212 : i32 to index
      %get3A_228 = tpu.vector_load %arg10[%get3A_227] {strides = array<i32>} : memref<12800xf32, #tpu.memory_space<vmem>>, vector<16xf32>,
      tpu.vector_store_idx %arg6[%select_n3A_226], %get3A_228 masked %and3A_223 : memref<32768xf32, #tpu.memory_space<vmem>>[vector<16xi32>], vector<16xf32>, vector<16xi1>
      %mul3A_229 = arith.constant 128 : i32
      %mul3A_230 = arith.muli %scan3A_176, %mul3A_229 : i32
      %add3A_231 = arith.constant 48 : i32
      %add3A_232 = arith.addi %mul3A_230, %add3A_231 : i32
      %get3A_233 = arith.index_cast %add3A_232 : i32 to index
      %get3A_234 = tpu.vector_load %arg9[%get3A_233] {strides = array<i32>} : memref<12800xi32, #tpu.memory_space<vmem>>, vector<16xi32>,
      %sub3A_235 = vector.broadcast %mul3A_2 : i32 to vector<16xi32>
      %sub3A_236 = arith.subi %get3A_234, %sub3A_235 : vector<16xi32>
      %ge3A_237 = arith.constant 0 : i32
      %ge3A_238 = vector.broadcast %ge3A_237 : i32 to vector<16xi32>
      %ge3A_239 = arith.cmpi sge, %sub3A_236, %ge3A_238 : vector<16xi32>
      %lt3A_240 = arith.constant 32768 : i32
      %lt3A_241 = vector.broadcast %lt3A_240 : i32 to vector<16xi32>
      %lt3A_242 = arith.cmpi slt, %sub3A_236, %lt3A_241 : vector<16xi32>
      %and3A_243 = arith.andi %ge3A_239, %lt3A_242 : vector<16xi1>
      %jit3A_244 = arith.constant 0 : i32
      %broadcast_in_dim3A_245 = vector.broadcast %jit3A_244 : i32 to vector<16xi32>
      %select_n3A_246 = arith.select %and3A_243, %sub3A_236, %broadcast_in_dim3A_245 : vector<16xi1>, vector<16xi32>
      %get3A_247 = arith.index_cast %add3A_232 : i32 to index
      %get3A_248 = tpu.vector_load %arg10[%get3A_247] {strides = array<i32>} : memref<12800xf32, #tpu.memory_space<vmem>>, vector<16xf32>,
      tpu.vector_store_idx %arg6[%select_n3A_246], %get3A_248 masked %and3A_243 : memref<32768xf32, #tpu.memory_space<vmem>>[vector<16xi32>], vector<16xf32>, vector<16xi1>
      %mul3A_249 = arith.constant 128 : i32
      %mul3A_250 = arith.muli %scan3A_176, %mul3A_249 : i32
      %add3A_251 = arith.constant 64 : i32
      %add3A_252 = arith.addi %mul3A_250, %add3A_251 : i32
      %get3A_253 = arith.index_cast %add3A_252 : i32 to index
      %get3A_254 = tpu.vector_load %arg9[%get3A_253] {strides = array<i32>} : memref<12800xi32, #tpu.memory_space<vmem>>, vector<16xi32>,
      %sub3A_255 = vector.broadcast %mul3A_2 : i32 to vector<16xi32>
      %sub3A_256 = arith.subi %get3A_254, %sub3A_255 : vector<16xi32>
      %ge3A_257 = arith.constant 0 : i32
      %ge3A_258 = vector.broadcast %ge3A_257 : i32 to vector<16xi32>
      %ge3A_259 = arith.cmpi sge, %sub3A_256, %ge3A_258 : vector<16xi32>
      %lt3A_260 = arith.constant 32768 : i32
      %lt3A_261 = vector.broadcast %lt3A_260 : i32 to vector<16xi32>
      %lt3A_262 = arith.cmpi slt, %sub3A_256, %lt3A_261 : vector<16xi32>
      %and3A_263 = arith.andi %ge3A_259, %lt3A_262 : vector<16xi1>
      %jit3A_264 = arith.constant 0 : i32
      %broadcast_in_dim3A_265 = vector.broadcast %jit3A_264 : i32 to vector<16xi32>
      %select_n3A_266 = arith.select %and3A_263, %sub3A_256, %broadcast_in_dim3A_265 : vector<16xi1>, vector<16xi32>
      %get3A_267 = arith.index_cast %add3A_252 : i32 to index
      %get3A_268 = tpu.vector_load %arg10[%get3A_267] {strides = array<i32>} : memref<12800xf32, #tpu.memory_space<vmem>>, vector<16xf32>,
      tpu.vector_store_idx %arg6[%select_n3A_266], %get3A_268 masked %and3A_263 : memref<32768xf32, #tpu.memory_space<vmem>>[vector<16xi32>], vector<16xf32>, vector<16xi1>
      %mul3A_269 = arith.constant 128 : i32
      %mul3A_270 = arith.muli %scan3A_176, %mul3A_269 : i32
      %add3A_271 = arith.constant 80 : i32
      %add3A_272 = arith.addi %mul3A_270, %add3A_271 : i32
      %get3A_273 = arith.index_cast %add3A_272 : i32 to index
      %get3A_274 = tpu.vector_load %arg9[%get3A_273] {strides = array<i32>} : memref<12800xi32, #tpu.memory_space<vmem>>, vector<16xi32>,
      %sub3A_275 = vector.broadcast %mul3A_2 : i32 to vector<16xi32>
      %sub3A_276 = arith.subi %get3A_274, %sub3A_275 : vector<16xi32>
      %ge3A_277 = arith.constant 0 : i32
      %ge3A_278 = vector.broadcast %ge3A_277 : i32 to vector<16xi32>
      %ge3A_279 = arith.cmpi sge, %sub3A_276, %ge3A_278 : vector<16xi32>
      %lt3A_280 = arith.constant 32768 : i32
      %lt3A_281 = vector.broadcast %lt3A_280 : i32 to vector<16xi32>
      %lt3A_282 = arith.cmpi slt, %sub3A_276, %lt3A_281 : vector<16xi32>
      %and3A_283 = arith.andi %ge3A_279, %lt3A_282 : vector<16xi1>
      %jit3A_284 = arith.constant 0 : i32
      %broadcast_in_dim3A_285 = vector.broadcast %jit3A_284 : i32 to vector<16xi32>
      %select_n3A_286 = arith.select %and3A_283, %sub3A_276, %broadcast_in_dim3A_285 : vector<16xi1>, vector<16xi32>
      %get3A_287 = arith.index_cast %add3A_272 : i32 to index
      %get3A_288 = tpu.vector_load %arg10[%get3A_287] {strides = array<i32>} : memref<12800xf32, #tpu.memory_space<vmem>>, vector<16xf32>,
      tpu.vector_store_idx %arg6[%select_n3A_286], %get3A_288 masked %and3A_283 : memref<32768xf32, #tpu.memory_space<vmem>>[vector<16xi32>], vector<16xf32>, vector<16xi1>
      %mul3A_289 = arith.constant 128 : i32
      %mul3A_290 = arith.muli %scan3A_176, %mul3A_289 : i32
      %add3A_291 = arith.constant 96 : i32
      %add3A_292 = arith.addi %mul3A_290, %add3A_291 : i32
      %get3A_293 = arith.index_cast %add3A_292 : i32 to index
      %get3A_294 = tpu.vector_load %arg9[%get3A_293] {strides = array<i32>} : memref<12800xi32, #tpu.memory_space<vmem>>, vector<16xi32>,
      %sub3A_295 = vector.broadcast %mul3A_2 : i32 to vector<16xi32>
      %sub3A_296 = arith.subi %get3A_294, %sub3A_295 : vector<16xi32>
      %ge3A_297 = arith.constant 0 : i32
      %ge3A_298 = vector.broadcast %ge3A_297 : i32 to vector<16xi32>
      %ge3A_299 = arith.cmpi sge, %sub3A_296, %ge3A_298 : vector<16xi32>
      %lt3A_300 = arith.constant 32768 : i32
      %lt3A_301 = vector.broadcast %lt3A_300 : i32 to vector<16xi32>
      %lt3A_302 = arith.cmpi slt, %sub3A_296, %lt3A_301 : vector<16xi32>
      %and3A_303 = arith.andi %ge3A_299, %lt3A_302 : vector<16xi1>
      %jit3A_304 = arith.constant 0 : i32
      %broadcast_in_dim3A_305 = vector.broadcast %jit3A_304 : i32 to vector<16xi32>
      %select_n3A_306 = arith.select %and3A_303, %sub3A_296, %broadcast_in_dim3A_305 : vector<16xi1>, vector<16xi32>
      %get3A_307 = arith.index_cast %add3A_292 : i32 to index
      %get3A_308 = tpu.vector_load %arg10[%get3A_307] {strides = array<i32>} : memref<12800xf32, #tpu.memory_space<vmem>>, vector<16xf32>,
      tpu.vector_store_idx %arg6[%select_n3A_306], %get3A_308 masked %and3A_303 : memref<32768xf32, #tpu.memory_space<vmem>>[vector<16xi32>], vector<16xf32>, vector<16xi1>
      %mul3A_309 = arith.constant 128 : i32
      %mul3A_310 = arith.muli %scan3A_176, %mul3A_309 : i32
      %add3A_311 = arith.constant 112 : i32
      %add3A_312 = arith.addi %mul3A_310, %add3A_311 : i32
      %get3A_313 = arith.index_cast %add3A_312 : i32 to index
      %get3A_314 = tpu.vector_load %arg9[%get3A_313] {strides = array<i32>} : memref<12800xi32, #tpu.memory_space<vmem>>, vector<16xi32>,
      %sub3A_315 = vector.broadcast %mul3A_2 : i32 to vector<16xi32>
      %sub3A_316 = arith.subi %get3A_314, %sub3A_315 : vector<16xi32>
      %ge3A_317 = arith.constant 0 : i32
      %ge3A_318 = vector.broadcast %ge3A_317 : i32 to vector<16xi32>
      %ge3A_319 = arith.cmpi sge, %sub3A_316, %ge3A_318 : vector<16xi32>
      %lt3A_320 = arith.constant 32768 : i32
      %lt3A_321 = vector.broadcast %lt3A_320 : i32 to vector<16xi32>
      %lt3A_322 = arith.cmpi slt, %sub3A_316, %lt3A_321 : vector<16xi32>
      %and3A_323 = arith.andi %ge3A_319, %lt3A_322 : vector<16xi1>
      %jit3A_324 = arith.constant 0 : i32
      %broadcast_in_dim3A_325 = vector.broadcast %jit3A_324 : i32 to vector<16xi32>
      %select_n3A_326 = arith.select %and3A_323, %sub3A_316, %broadcast_in_dim3A_325 : vector<16xi1>, vector<16xi32>
      %get3A_327 = arith.index_cast %add3A_312 : i32 to index
      %get3A_328 = tpu.vector_load %arg10[%get3A_327] {strides = array<i32>} : memref<12800xf32, #tpu.memory_space<vmem>>, vector<16xf32>,
      tpu.vector_store_idx %arg6[%select_n3A_326], %get3A_328 masked %and3A_323 : memref<32768xf32, #tpu.memory_space<vmem>>[vector<16xi32>], vector<16xf32>, vector<16xi1>
    }
    %scan3A_51 = arith.constant 100 : i32
    %dma_wait3A_52 = arith.constant 25600 : i32
    %dma_wait3A_53 = tpu.memref_slice %arg3[%dma_wait3A_52] : memref<102400xi32, #tpu.memory_space<hbm>> -> memref<12800xi32, #tpu.memory_space<hbm>>
    %dma_wait3A_54 = arith.constant 25600 : i32
    %dma_wait3A_55 = tpu.memref_slice %arg3[%dma_wait3A_54] : memref<102400xi32, #tpu.memory_space<hbm>> -> memref<12800xi32, #tpu.memory_space<hbm>>
    tpu.wait_dma2 semaphore(%arg11 : memref<!tpu.dma_semaphore, #tpu.memory_space<semaphore_mem>>) src(%dma_wait3A_55 : memref<12800xi32, #tpu.memory_space<hbm>>) dst(%arg7 : memref<12800xi32, #tpu.memory_space<vmem>>)
    %dma_wait3A_56 = arith.constant 25600 : i32
    %dma_wait3A_57 = tpu.memref_slice %arg4[%dma_wait3A_56] : memref<102400xf32, #tpu.memory_space<hbm>> -> memref<12800xf32, #tpu.memory_space<hbm>>
    %dma_wait3A_58 = arith.constant 25600 : i32
    %dma_wait3A_59 = tpu.memref_slice %arg4[%dma_wait3A_58] : memref<102400xf32, #tpu.memory_space<hbm>> -> memref<12800xf32, #tpu.memory_space<hbm>>
    tpu.wait_dma2 semaphore(%arg12 : memref<!tpu.dma_semaphore, #tpu.memory_space<semaphore_mem>>) src(%dma_wait3A_59 : memref<12800xf32, #tpu.memory_space<hbm>>) dst(%arg8 : memref<12800xf32, #tpu.memory_space<vmem>>)
    %dma_start3A_60 = arith.constant 38400 : i32
    %dma_start3A_61 = tpu.memref_slice %arg3[%dma_start3A_60] : memref<102400xi32, #tpu.memory_space<hbm>> -> memref<12800xi32, #tpu.memory_space<hbm>>
    %dma_start3A_62 = arith.constant 38400 : i32
    %dma_start3A_63 = tpu.memref_slice %arg3[%dma_start3A_62] : memref<102400xi32, #tpu.memory_space<hbm>> -> memref<12800xi32, #tpu.memory_space<hbm>>
    tpu.enqueue_dma source(%dma_start3A_63 : memref<12800xi32, #tpu.memory_space<hbm>>) target(%arg9 : memref<12800xi32, #tpu.memory_space<vmem>>) target_semaphore(%arg11 : memref<!tpu.dma_semaphore, #tpu.memory_space<semaphore_mem>>)
    %dma_start3A_64 = arith.constant 38400 : i32
    %dma_start3A_65 = tpu.memref_slice %arg4[%dma_start3A_64] : memref<102400xf32, #tpu.memory_space<hbm>> -> memref<12800xf32, #tpu.memory_space<hbm>>
    %dma_start3A_66 = arith.constant 38400 : i32
    %dma_start3A_67 = tpu.memref_slice %arg4[%dma_start3A_66] : memref<102400xf32, #tpu.memory_space<hbm>> -> memref<12800xf32, #tpu.memory_space<hbm>>
    tpu.enqueue_dma source(%dma_start3A_67 : memref<12800xf32, #tpu.memory_space<hbm>>) target(%arg10 : memref<12800xf32, #tpu.memory_space<vmem>>) target_semaphore(%arg12 : memref<!tpu.dma_semaphore, #tpu.memory_space<semaphore_mem>>)
    %scan3A_68 = arith.constant 0 : i32
    %scan3A_69 = arith.constant 0 : i32
    %scan3A_70 = arith.constant 100 : i32
    %scan3A_71 = arith.addi %scan3A_69, %scan3A_70 : i32
    %scan3A_72 = arith.constant 1 : i32
    scf.for %scan3A_176 = %scan3A_69 to %scan3A_71 step %scan3A_72  : i32 {
      %mul3A_177 = arith.constant 128 : i32
      %mul3A_178 = arith.muli %scan3A_176, %mul3A_177 : i32
      %add3A_179 = arith.constant 0 : i32
      %add3A_180 = arith.addi %mul3A_178, %add3A_179 : i32
      %get3A = arith.index_cast %add3A_180 : i32 to index
      %get3A_181 = tpu.vector_load %arg7[%get3A] {strides = array<i32>} : memref<12800xi32, #tpu.memory_space<vmem>>, vector<16xi32>,
      %sub3A = vector.broadcast %mul3A_2 : i32 to vector<16xi32>
      %sub3A_182 = arith.subi %get3A_181, %sub3A : vector<16xi32>
      %ge3A = arith.constant 0 : i32
      %ge3A_183 = vector.broadcast %ge3A : i32 to vector<16xi32>
      %ge3A_184 = arith.cmpi sge, %sub3A_182, %ge3A_183 : vector<16xi32>
      %lt3A = arith.constant 32768 : i32
      %lt3A_185 = vector.broadcast %lt3A : i32 to vector<16xi32>
      %lt3A_186 = arith.cmpi slt, %sub3A_182, %lt3A_185 : vector<16xi32>
      %and3A = arith.andi %ge3A_184, %lt3A_186 : vector<16xi1>
      %jit3A = arith.constant 0 : i32
      %broadcast_in_dim3A = vector.broadcast %jit3A : i32 to vector<16xi32>
      %select_n3A = arith.select %and3A, %sub3A_182, %broadcast_in_dim3A : vector<16xi1>, vector<16xi32>
      %get3A_187 = arith.index_cast %add3A_180 : i32 to index
      %get3A_188 = tpu.vector_load %arg8[%get3A_187] {strides = array<i32>} : memref<12800xf32, #tpu.memory_space<vmem>>, vector<16xf32>,
      tpu.vector_store_idx %arg6[%select_n3A], %get3A_188 masked %and3A : memref<32768xf32, #tpu.memory_space<vmem>>[vector<16xi32>], vector<16xf32>, vector<16xi1>
      %mul3A_189 = arith.constant 128 : i32
      %mul3A_190 = arith.muli %scan3A_176, %mul3A_189 : i32
      %add3A_191 = arith.constant 16 : i32
      %add3A_192 = arith.addi %mul3A_190, %add3A_191 : i32
      %get3A_193 = arith.index_cast %add3A_192 : i32 to index
      %get3A_194 = tpu.vector_load %arg7[%get3A_193] {strides = array<i32>} : memref<12800xi32, #tpu.memory_space<vmem>>, vector<16xi32>,
      %sub3A_195 = vector.broadcast %mul3A_2 : i32 to vector<16xi32>
      %sub3A_196 = arith.subi %get3A_194, %sub3A_195 : vector<16xi32>
      %ge3A_197 = arith.constant 0 : i32
      %ge3A_198 = vector.broadcast %ge3A_197 : i32 to vector<16xi32>
      %ge3A_199 = arith.cmpi sge, %sub3A_196, %ge3A_198 : vector<16xi32>
      %lt3A_200 = arith.constant 32768 : i32
      %lt3A_201 = vector.broadcast %lt3A_200 : i32 to vector<16xi32>
      %lt3A_202 = arith.cmpi slt, %sub3A_196, %lt3A_201 : vector<16xi32>
      %and3A_203 = arith.andi %ge3A_199, %lt3A_202 : vector<16xi1>
      %jit3A_204 = arith.constant 0 : i32
      %broadcast_in_dim3A_205 = vector.broadcast %jit3A_204 : i32 to vector<16xi32>
      %select_n3A_206 = arith.select %and3A_203, %sub3A_196, %broadcast_in_dim3A_205 : vector<16xi1>, vector<16xi32>
      %get3A_207 = arith.index_cast %add3A_192 : i32 to index
      %get3A_208 = tpu.vector_load %arg8[%get3A_207] {strides = array<i32>} : memref<12800xf32, #tpu.memory_space<vmem>>, vector<16xf32>,
      tpu.vector_store_idx %arg6[%select_n3A_206], %get3A_208 masked %and3A_203 : memref<32768xf32, #tpu.memory_space<vmem>>[vector<16xi32>], vector<16xf32>, vector<16xi1>
      %mul3A_209 = arith.constant 128 : i32
      %mul3A_210 = arith.muli %scan3A_176, %mul3A_209 : i32
      %add3A_211 = arith.constant 32 : i32
      %add3A_212 = arith.addi %mul3A_210, %add3A_211 : i32
      %get3A_213 = arith.index_cast %add3A_212 : i32 to index
      %get3A_214 = tpu.vector_load %arg7[%get3A_213] {strides = array<i32>} : memref<12800xi32, #tpu.memory_space<vmem>>, vector<16xi32>,
      %sub3A_215 = vector.broadcast %mul3A_2 : i32 to vector<16xi32>
      %sub3A_216 = arith.subi %get3A_214, %sub3A_215 : vector<16xi32>
      %ge3A_217 = arith.constant 0 : i32
      %ge3A_218 = vector.broadcast %ge3A_217 : i32 to vector<16xi32>
      %ge3A_219 = arith.cmpi sge, %sub3A_216, %ge3A_218 : vector<16xi32>
      %lt3A_220 = arith.constant 32768 : i32
      %lt3A_221 = vector.broadcast %lt3A_220 : i32 to vector<16xi32>
      %lt3A_222 = arith.cmpi slt, %sub3A_216, %lt3A_221 : vector<16xi32>
      %and3A_223 = arith.andi %ge3A_219, %lt3A_222 : vector<16xi1>
      %jit3A_224 = arith.constant 0 : i32
      %broadcast_in_dim3A_225 = vector.broadcast %jit3A_224 : i32 to vector<16xi32>
      %select_n3A_226 = arith.select %and3A_223, %sub3A_216, %broadcast_in_dim3A_225 : vector<16xi1>, vector<16xi32>
      %get3A_227 = arith.index_cast %add3A_212 : i32 to index
      %get3A_228 = tpu.vector_load %arg8[%get3A_227] {strides = array<i32>} : memref<12800xf32, #tpu.memory_space<vmem>>, vector<16xf32>,
      tpu.vector_store_idx %arg6[%select_n3A_226], %get3A_228 masked %and3A_223 : memref<32768xf32, #tpu.memory_space<vmem>>[vector<16xi32>], vector<16xf32>, vector<16xi1>
      %mul3A_229 = arith.constant 128 : i32
      %mul3A_230 = arith.muli %scan3A_176, %mul3A_229 : i32
      %add3A_231 = arith.constant 48 : i32
      %add3A_232 = arith.addi %mul3A_230, %add3A_231 : i32
      %get3A_233 = arith.index_cast %add3A_232 : i32 to index
      %get3A_234 = tpu.vector_load %arg7[%get3A_233] {strides = array<i32>} : memref<12800xi32, #tpu.memory_space<vmem>>, vector<16xi32>,
      %sub3A_235 = vector.broadcast %mul3A_2 : i32 to vector<16xi32>
      %sub3A_236 = arith.subi %get3A_234, %sub3A_235 : vector<16xi32>
      %ge3A_237 = arith.constant 0 : i32
      %ge3A_238 = vector.broadcast %ge3A_237 : i32 to vector<16xi32>
      %ge3A_239 = arith.cmpi sge, %sub3A_236, %ge3A_238 : vector<16xi32>
      %lt3A_240 = arith.constant 32768 : i32
      %lt3A_241 = vector.broadcast %lt3A_240 : i32 to vector<16xi32>
      %lt3A_242 = arith.cmpi slt, %sub3A_236, %lt3A_241 : vector<16xi32>
      %and3A_243 = arith.andi %ge3A_239, %lt3A_242 : vector<16xi1>
      %jit3A_244 = arith.constant 0 : i32
      %broadcast_in_dim3A_245 = vector.broadcast %jit3A_244 : i32 to vector<16xi32>
      %select_n3A_246 = arith.select %and3A_243, %sub3A_236, %broadcast_in_dim3A_245 : vector<16xi1>, vector<16xi32>
      %get3A_247 = arith.index_cast %add3A_232 : i32 to index
      %get3A_248 = tpu.vector_load %arg8[%get3A_247] {strides = array<i32>} : memref<12800xf32, #tpu.memory_space<vmem>>, vector<16xf32>,
      tpu.vector_store_idx %arg6[%select_n3A_246], %get3A_248 masked %and3A_243 : memref<32768xf32, #tpu.memory_space<vmem>>[vector<16xi32>], vector<16xf32>, vector<16xi1>
      %mul3A_249 = arith.constant 128 : i32
      %mul3A_250 = arith.muli %scan3A_176, %mul3A_249 : i32
      %add3A_251 = arith.constant 64 : i32
      %add3A_252 = arith.addi %mul3A_250, %add3A_251 : i32
      %get3A_253 = arith.index_cast %add3A_252 : i32 to index
      %get3A_254 = tpu.vector_load %arg7[%get3A_253] {strides = array<i32>} : memref<12800xi32, #tpu.memory_space<vmem>>, vector<16xi32>,
      %sub3A_255 = vector.broadcast %mul3A_2 : i32 to vector<16xi32>
      %sub3A_256 = arith.subi %get3A_254, %sub3A_255 : vector<16xi32>
      %ge3A_257 = arith.constant 0 : i32
      %ge3A_258 = vector.broadcast %ge3A_257 : i32 to vector<16xi32>
      %ge3A_259 = arith.cmpi sge, %sub3A_256, %ge3A_258 : vector<16xi32>
      %lt3A_260 = arith.constant 32768 : i32
      %lt3A_261 = vector.broadcast %lt3A_260 : i32 to vector<16xi32>
      %lt3A_262 = arith.cmpi slt, %sub3A_256, %lt3A_261 : vector<16xi32>
      %and3A_263 = arith.andi %ge3A_259, %lt3A_262 : vector<16xi1>
      %jit3A_264 = arith.constant 0 : i32
      %broadcast_in_dim3A_265 = vector.broadcast %jit3A_264 : i32 to vector<16xi32>
      %select_n3A_266 = arith.select %and3A_263, %sub3A_256, %broadcast_in_dim3A_265 : vector<16xi1>, vector<16xi32>
      %get3A_267 = arith.index_cast %add3A_252 : i32 to index
      %get3A_268 = tpu.vector_load %arg8[%get3A_267] {strides = array<i32>} : memref<12800xf32, #tpu.memory_space<vmem>>, vector<16xf32>,
      tpu.vector_store_idx %arg6[%select_n3A_266], %get3A_268 masked %and3A_263 : memref<32768xf32, #tpu.memory_space<vmem>>[vector<16xi32>], vector<16xf32>, vector<16xi1>
      %mul3A_269 = arith.constant 128 : i32
      %mul3A_270 = arith.muli %scan3A_176, %mul3A_269 : i32
      %add3A_271 = arith.constant 80 : i32
      %add3A_272 = arith.addi %mul3A_270, %add3A_271 : i32
      %get3A_273 = arith.index_cast %add3A_272 : i32 to index
      %get3A_274 = tpu.vector_load %arg7[%get3A_273] {strides = array<i32>} : memref<12800xi32, #tpu.memory_space<vmem>>, vector<16xi32>,
      %sub3A_275 = vector.broadcast %mul3A_2 : i32 to vector<16xi32>
      %sub3A_276 = arith.subi %get3A_274, %sub3A_275 : vector<16xi32>
      %ge3A_277 = arith.constant 0 : i32
      %ge3A_278 = vector.broadcast %ge3A_277 : i32 to vector<16xi32>
      %ge3A_279 = arith.cmpi sge, %sub3A_276, %ge3A_278 : vector<16xi32>
      %lt3A_280 = arith.constant 32768 : i32
      %lt3A_281 = vector.broadcast %lt3A_280 : i32 to vector<16xi32>
      %lt3A_282 = arith.cmpi slt, %sub3A_276, %lt3A_281 : vector<16xi32>
      %and3A_283 = arith.andi %ge3A_279, %lt3A_282 : vector<16xi1>
      %jit3A_284 = arith.constant 0 : i32
      %broadcast_in_dim3A_285 = vector.broadcast %jit3A_284 : i32 to vector<16xi32>
      %select_n3A_286 = arith.select %and3A_283, %sub3A_276, %broadcast_in_dim3A_285 : vector<16xi1>, vector<16xi32>
      %get3A_287 = arith.index_cast %add3A_272 : i32 to index
      %get3A_288 = tpu.vector_load %arg8[%get3A_287] {strides = array<i32>} : memref<12800xf32, #tpu.memory_space<vmem>>, vector<16xf32>,
      tpu.vector_store_idx %arg6[%select_n3A_286], %get3A_288 masked %and3A_283 : memref<32768xf32, #tpu.memory_space<vmem>>[vector<16xi32>], vector<16xf32>, vector<16xi1>
      %mul3A_289 = arith.constant 128 : i32
      %mul3A_290 = arith.muli %scan3A_176, %mul3A_289 : i32
      %add3A_291 = arith.constant 96 : i32
      %add3A_292 = arith.addi %mul3A_290, %add3A_291 : i32
      %get3A_293 = arith.index_cast %add3A_292 : i32 to index
      %get3A_294 = tpu.vector_load %arg7[%get3A_293] {strides = array<i32>} : memref<12800xi32, #tpu.memory_space<vmem>>, vector<16xi32>,
      %sub3A_295 = vector.broadcast %mul3A_2 : i32 to vector<16xi32>
      %sub3A_296 = arith.subi %get3A_294, %sub3A_295 : vector<16xi32>
      %ge3A_297 = arith.constant 0 : i32
      %ge3A_298 = vector.broadcast %ge3A_297 : i32 to vector<16xi32>
      %ge3A_299 = arith.cmpi sge, %sub3A_296, %ge3A_298 : vector<16xi32>
      %lt3A_300 = arith.constant 32768 : i32
      %lt3A_301 = vector.broadcast %lt3A_300 : i32 to vector<16xi32>
      %lt3A_302 = arith.cmpi slt, %sub3A_296, %lt3A_301 : vector<16xi32>
      %and3A_303 = arith.andi %ge3A_299, %lt3A_302 : vector<16xi1>
      %jit3A_304 = arith.constant 0 : i32
      %broadcast_in_dim3A_305 = vector.broadcast %jit3A_304 : i32 to vector<16xi32>
      %select_n3A_306 = arith.select %and3A_303, %sub3A_296, %broadcast_in_dim3A_305 : vector<16xi1>, vector<16xi32>
      %get3A_307 = arith.index_cast %add3A_292 : i32 to index
      %get3A_308 = tpu.vector_load %arg8[%get3A_307] {strides = array<i32>} : memref<12800xf32, #tpu.memory_space<vmem>>, vector<16xf32>,
      tpu.vector_store_idx %arg6[%select_n3A_306], %get3A_308 masked %and3A_303 : memref<32768xf32, #tpu.memory_space<vmem>>[vector<16xi32>], vector<16xf32>, vector<16xi1>
      %mul3A_309 = arith.constant 128 : i32
      %mul3A_310 = arith.muli %scan3A_176, %mul3A_309 : i32
      %add3A_311 = arith.constant 112 : i32
      %add3A_312 = arith.addi %mul3A_310, %add3A_311 : i32
      %get3A_313 = arith.index_cast %add3A_312 : i32 to index
      %get3A_314 = tpu.vector_load %arg7[%get3A_313] {strides = array<i32>} : memref<12800xi32, #tpu.memory_space<vmem>>, vector<16xi32>,
      %sub3A_315 = vector.broadcast %mul3A_2 : i32 to vector<16xi32>
      %sub3A_316 = arith.subi %get3A_314, %sub3A_315 : vector<16xi32>
      %ge3A_317 = arith.constant 0 : i32
      %ge3A_318 = vector.broadcast %ge3A_317 : i32 to vector<16xi32>
      %ge3A_319 = arith.cmpi sge, %sub3A_316, %ge3A_318 : vector<16xi32>
      %lt3A_320 = arith.constant 32768 : i32
      %lt3A_321 = vector.broadcast %lt3A_320 : i32 to vector<16xi32>
      %lt3A_322 = arith.cmpi slt, %sub3A_316, %lt3A_321 : vector<16xi32>
      %and3A_323 = arith.andi %ge3A_319, %lt3A_322 : vector<16xi1>
      %jit3A_324 = arith.constant 0 : i32
      %broadcast_in_dim3A_325 = vector.broadcast %jit3A_324 : i32 to vector<16xi32>
      %select_n3A_326 = arith.select %and3A_323, %sub3A_316, %broadcast_in_dim3A_325 : vector<16xi1>, vector<16xi32>
      %get3A_327 = arith.index_cast %add3A_312 : i32 to index
      %get3A_328 = tpu.vector_load %arg8[%get3A_327] {strides = array<i32>} : memref<12800xf32, #tpu.memory_space<vmem>>, vector<16xf32>,
      tpu.vector_store_idx %arg6[%select_n3A_326], %get3A_328 masked %and3A_323 : memref<32768xf32, #tpu.memory_space<vmem>>[vector<16xi32>], vector<16xf32>, vector<16xi1>
    }
    %scan3A_73 = arith.constant 100 : i32
    %dma_wait3A_74 = arith.constant 38400 : i32
    %dma_wait3A_75 = tpu.memref_slice %arg3[%dma_wait3A_74] : memref<102400xi32, #tpu.memory_space<hbm>> -> memref<12800xi32, #tpu.memory_space<hbm>>
    %dma_wait3A_76 = arith.constant 38400 : i32
    %dma_wait3A_77 = tpu.memref_slice %arg3[%dma_wait3A_76] : memref<102400xi32, #tpu.memory_space<hbm>> -> memref<12800xi32, #tpu.memory_space<hbm>>
    tpu.wait_dma2 semaphore(%arg11 : memref<!tpu.dma_semaphore, #tpu.memory_space<semaphore_mem>>) src(%dma_wait3A_77 : memref<12800xi32, #tpu.memory_space<hbm>>) dst(%arg9 : memref<12800xi32, #tpu.memory_space<vmem>>)
    %dma_wait3A_78 = arith.constant 38400 : i32
    %dma_wait3A_79 = tpu.memref_slice %arg4[%dma_wait3A_78] : memref<102400xf32, #tpu.memory_space<hbm>> -> memref<12800xf32, #tpu.memory_space<hbm>>
    %dma_wait3A_80 = arith.constant 38400 : i32
    %dma_wait3A_81 = tpu.memref_slice %arg4[%dma_wait3A_80] : memref<102400xf32, #tpu.memory_space<hbm>> -> memref<12800xf32, #tpu.memory_space<hbm>>
    tpu.wait_dma2 semaphore(%arg12 : memref<!tpu.dma_semaphore, #tpu.memory_space<semaphore_mem>>) src(%dma_wait3A_81 : memref<12800xf32, #tpu.memory_space<hbm>>) dst(%arg10 : memref<12800xf32, #tpu.memory_space<vmem>>)
    %dma_start3A_82 = arith.constant 51200 : i32
    %dma_start3A_83 = tpu.memref_slice %arg3[%dma_start3A_82] : memref<102400xi32, #tpu.memory_space<hbm>> -> memref<12800xi32, #tpu.memory_space<hbm>>
    %dma_start3A_84 = arith.constant 51200 : i32
    %dma_start3A_85 = tpu.memref_slice %arg3[%dma_start3A_84] : memref<102400xi32, #tpu.memory_space<hbm>> -> memref<12800xi32, #tpu.memory_space<hbm>>
    tpu.enqueue_dma source(%dma_start3A_85 : memref<12800xi32, #tpu.memory_space<hbm>>) target(%arg7 : memref<12800xi32, #tpu.memory_space<vmem>>) target_semaphore(%arg11 : memref<!tpu.dma_semaphore, #tpu.memory_space<semaphore_mem>>)
    %dma_start3A_86 = arith.constant 51200 : i32
    %dma_start3A_87 = tpu.memref_slice %arg4[%dma_start3A_86] : memref<102400xf32, #tpu.memory_space<hbm>> -> memref<12800xf32, #tpu.memory_space<hbm>>
    %dma_start3A_88 = arith.constant 51200 : i32
    %dma_start3A_89 = tpu.memref_slice %arg4[%dma_start3A_88] : memref<102400xf32, #tpu.memory_space<hbm>> -> memref<12800xf32, #tpu.memory_space<hbm>>
    tpu.enqueue_dma source(%dma_start3A_89 : memref<12800xf32, #tpu.memory_space<hbm>>) target(%arg8 : memref<12800xf32, #tpu.memory_space<vmem>>) target_semaphore(%arg12 : memref<!tpu.dma_semaphore, #tpu.memory_space<semaphore_mem>>)
    %scan3A_90 = arith.constant 0 : i32
    %scan3A_91 = arith.constant 0 : i32
    %scan3A_92 = arith.constant 100 : i32
    %scan3A_93 = arith.addi %scan3A_91, %scan3A_92 : i32
    %scan3A_94 = arith.constant 1 : i32
    scf.for %scan3A_176 = %scan3A_91 to %scan3A_93 step %scan3A_94  : i32 {
      %mul3A_177 = arith.constant 128 : i32
      %mul3A_178 = arith.muli %scan3A_176, %mul3A_177 : i32
      %add3A_179 = arith.constant 0 : i32
      %add3A_180 = arith.addi %mul3A_178, %add3A_179 : i32
      %get3A = arith.index_cast %add3A_180 : i32 to index
      %get3A_181 = tpu.vector_load %arg9[%get3A] {strides = array<i32>} : memref<12800xi32, #tpu.memory_space<vmem>>, vector<16xi32>,
      %sub3A = vector.broadcast %mul3A_2 : i32 to vector<16xi32>
      %sub3A_182 = arith.subi %get3A_181, %sub3A : vector<16xi32>
      %ge3A = arith.constant 0 : i32
      %ge3A_183 = vector.broadcast %ge3A : i32 to vector<16xi32>
      %ge3A_184 = arith.cmpi sge, %sub3A_182, %ge3A_183 : vector<16xi32>
      %lt3A = arith.constant 32768 : i32
      %lt3A_185 = vector.broadcast %lt3A : i32 to vector<16xi32>
      %lt3A_186 = arith.cmpi slt, %sub3A_182, %lt3A_185 : vector<16xi32>
      %and3A = arith.andi %ge3A_184, %lt3A_186 : vector<16xi1>
      %jit3A = arith.constant 0 : i32
      %broadcast_in_dim3A = vector.broadcast %jit3A : i32 to vector<16xi32>
      %select_n3A = arith.select %and3A, %sub3A_182, %broadcast_in_dim3A : vector<16xi1>, vector<16xi32>
      %get3A_187 = arith.index_cast %add3A_180 : i32 to index
      %get3A_188 = tpu.vector_load %arg10[%get3A_187] {strides = array<i32>} : memref<12800xf32, #tpu.memory_space<vmem>>, vector<16xf32>,
      tpu.vector_store_idx %arg6[%select_n3A], %get3A_188 masked %and3A : memref<32768xf32, #tpu.memory_space<vmem>>[vector<16xi32>], vector<16xf32>, vector<16xi1>
      %mul3A_189 = arith.constant 128 : i32
      %mul3A_190 = arith.muli %scan3A_176, %mul3A_189 : i32
      %add3A_191 = arith.constant 16 : i32
      %add3A_192 = arith.addi %mul3A_190, %add3A_191 : i32
      %get3A_193 = arith.index_cast %add3A_192 : i32 to index
      %get3A_194 = tpu.vector_load %arg9[%get3A_193] {strides = array<i32>} : memref<12800xi32, #tpu.memory_space<vmem>>, vector<16xi32>,
      %sub3A_195 = vector.broadcast %mul3A_2 : i32 to vector<16xi32>
      %sub3A_196 = arith.subi %get3A_194, %sub3A_195 : vector<16xi32>
      %ge3A_197 = arith.constant 0 : i32
      %ge3A_198 = vector.broadcast %ge3A_197 : i32 to vector<16xi32>
      %ge3A_199 = arith.cmpi sge, %sub3A_196, %ge3A_198 : vector<16xi32>
      %lt3A_200 = arith.constant 32768 : i32
      %lt3A_201 = vector.broadcast %lt3A_200 : i32 to vector<16xi32>
      %lt3A_202 = arith.cmpi slt, %sub3A_196, %lt3A_201 : vector<16xi32>
      %and3A_203 = arith.andi %ge3A_199, %lt3A_202 : vector<16xi1>
      %jit3A_204 = arith.constant 0 : i32
      %broadcast_in_dim3A_205 = vector.broadcast %jit3A_204 : i32 to vector<16xi32>
      %select_n3A_206 = arith.select %and3A_203, %sub3A_196, %broadcast_in_dim3A_205 : vector<16xi1>, vector<16xi32>
      %get3A_207 = arith.index_cast %add3A_192 : i32 to index
      %get3A_208 = tpu.vector_load %arg10[%get3A_207] {strides = array<i32>} : memref<12800xf32, #tpu.memory_space<vmem>>, vector<16xf32>,
      tpu.vector_store_idx %arg6[%select_n3A_206], %get3A_208 masked %and3A_203 : memref<32768xf32, #tpu.memory_space<vmem>>[vector<16xi32>], vector<16xf32>, vector<16xi1>
      %mul3A_209 = arith.constant 128 : i32
      %mul3A_210 = arith.muli %scan3A_176, %mul3A_209 : i32
      %add3A_211 = arith.constant 32 : i32
      %add3A_212 = arith.addi %mul3A_210, %add3A_211 : i32
      %get3A_213 = arith.index_cast %add3A_212 : i32 to index
      %get3A_214 = tpu.vector_load %arg9[%get3A_213] {strides = array<i32>} : memref<12800xi32, #tpu.memory_space<vmem>>, vector<16xi32>,
      %sub3A_215 = vector.broadcast %mul3A_2 : i32 to vector<16xi32>
      %sub3A_216 = arith.subi %get3A_214, %sub3A_215 : vector<16xi32>
      %ge3A_217 = arith.constant 0 : i32
      %ge3A_218 = vector.broadcast %ge3A_217 : i32 to vector<16xi32>
      %ge3A_219 = arith.cmpi sge, %sub3A_216, %ge3A_218 : vector<16xi32>
      %lt3A_220 = arith.constant 32768 : i32
      %lt3A_221 = vector.broadcast %lt3A_220 : i32 to vector<16xi32>
      %lt3A_222 = arith.cmpi slt, %sub3A_216, %lt3A_221 : vector<16xi32>
      %and3A_223 = arith.andi %ge3A_219, %lt3A_222 : vector<16xi1>
      %jit3A_224 = arith.constant 0 : i32
      %broadcast_in_dim3A_225 = vector.broadcast %jit3A_224 : i32 to vector<16xi32>
      %select_n3A_226 = arith.select %and3A_223, %sub3A_216, %broadcast_in_dim3A_225 : vector<16xi1>, vector<16xi32>
      %get3A_227 = arith.index_cast %add3A_212 : i32 to index
      %get3A_228 = tpu.vector_load %arg10[%get3A_227] {strides = array<i32>} : memref<12800xf32, #tpu.memory_space<vmem>>, vector<16xf32>,
      tpu.vector_store_idx %arg6[%select_n3A_226], %get3A_228 masked %and3A_223 : memref<32768xf32, #tpu.memory_space<vmem>>[vector<16xi32>], vector<16xf32>, vector<16xi1>
      %mul3A_229 = arith.constant 128 : i32
      %mul3A_230 = arith.muli %scan3A_176, %mul3A_229 : i32
      %add3A_231 = arith.constant 48 : i32
      %add3A_232 = arith.addi %mul3A_230, %add3A_231 : i32
      %get3A_233 = arith.index_cast %add3A_232 : i32 to index
      %get3A_234 = tpu.vector_load %arg9[%get3A_233] {strides = array<i32>} : memref<12800xi32, #tpu.memory_space<vmem>>, vector<16xi32>,
      %sub3A_235 = vector.broadcast %mul3A_2 : i32 to vector<16xi32>
      %sub3A_236 = arith.subi %get3A_234, %sub3A_235 : vector<16xi32>
      %ge3A_237 = arith.constant 0 : i32
      %ge3A_238 = vector.broadcast %ge3A_237 : i32 to vector<16xi32>
      %ge3A_239 = arith.cmpi sge, %sub3A_236, %ge3A_238 : vector<16xi32>
      %lt3A_240 = arith.constant 32768 : i32
      %lt3A_241 = vector.broadcast %lt3A_240 : i32 to vector<16xi32>
      %lt3A_242 = arith.cmpi slt, %sub3A_236, %lt3A_241 : vector<16xi32>
      %and3A_243 = arith.andi %ge3A_239, %lt3A_242 : vector<16xi1>
      %jit3A_244 = arith.constant 0 : i32
      %broadcast_in_dim3A_245 = vector.broadcast %jit3A_244 : i32 to vector<16xi32>
      %select_n3A_246 = arith.select %and3A_243, %sub3A_236, %broadcast_in_dim3A_245 : vector<16xi1>, vector<16xi32>
      %get3A_247 = arith.index_cast %add3A_232 : i32 to index
      %get3A_248 = tpu.vector_load %arg10[%get3A_247] {strides = array<i32>} : memref<12800xf32, #tpu.memory_space<vmem>>, vector<16xf32>,
      tpu.vector_store_idx %arg6[%select_n3A_246], %get3A_248 masked %and3A_243 : memref<32768xf32, #tpu.memory_space<vmem>>[vector<16xi32>], vector<16xf32>, vector<16xi1>
      %mul3A_249 = arith.constant 128 : i32
      %mul3A_250 = arith.muli %scan3A_176, %mul3A_249 : i32
      %add3A_251 = arith.constant 64 : i32
      %add3A_252 = arith.addi %mul3A_250, %add3A_251 : i32
      %get3A_253 = arith.index_cast %add3A_252 : i32 to index
      %get3A_254 = tpu.vector_load %arg9[%get3A_253] {strides = array<i32>} : memref<12800xi32, #tpu.memory_space<vmem>>, vector<16xi32>,
      %sub3A_255 = vector.broadcast %mul3A_2 : i32 to vector<16xi32>
      %sub3A_256 = arith.subi %get3A_254, %sub3A_255 : vector<16xi32>
      %ge3A_257 = arith.constant 0 : i32
      %ge3A_258 = vector.broadcast %ge3A_257 : i32 to vector<16xi32>
      %ge3A_259 = arith.cmpi sge, %sub3A_256, %ge3A_258 : vector<16xi32>
      %lt3A_260 = arith.constant 32768 : i32
      %lt3A_261 = vector.broadcast %lt3A_260 : i32 to vector<16xi32>
      %lt3A_262 = arith.cmpi slt, %sub3A_256, %lt3A_261 : vector<16xi32>
      %and3A_263 = arith.andi %ge3A_259, %lt3A_262 : vector<16xi1>
      %jit3A_264 = arith.constant 0 : i32
      %broadcast_in_dim3A_265 = vector.broadcast %jit3A_264 : i32 to vector<16xi32>
      %select_n3A_266 = arith.select %and3A_263, %sub3A_256, %broadcast_in_dim3A_265 : vector<16xi1>, vector<16xi32>
      %get3A_267 = arith.index_cast %add3A_252 : i32 to index
      %get3A_268 = tpu.vector_load %arg10[%get3A_267] {strides = array<i32>} : memref<12800xf32, #tpu.memory_space<vmem>>, vector<16xf32>,
      tpu.vector_store_idx %arg6[%select_n3A_266], %get3A_268 masked %and3A_263 : memref<32768xf32, #tpu.memory_space<vmem>>[vector<16xi32>], vector<16xf32>, vector<16xi1>
      %mul3A_269 = arith.constant 128 : i32
      %mul3A_270 = arith.muli %scan3A_176, %mul3A_269 : i32
      %add3A_271 = arith.constant 80 : i32
      %add3A_272 = arith.addi %mul3A_270, %add3A_271 : i32
      %get3A_273 = arith.index_cast %add3A_272 : i32 to index
      %get3A_274 = tpu.vector_load %arg9[%get3A_273] {strides = array<i32>} : memref<12800xi32, #tpu.memory_space<vmem>>, vector<16xi32>,
      %sub3A_275 = vector.broadcast %mul3A_2 : i32 to vector<16xi32>
      %sub3A_276 = arith.subi %get3A_274, %sub3A_275 : vector<16xi32>
      %ge3A_277 = arith.constant 0 : i32
      %ge3A_278 = vector.broadcast %ge3A_277 : i32 to vector<16xi32>
      %ge3A_279 = arith.cmpi sge, %sub3A_276, %ge3A_278 : vector<16xi32>
      %lt3A_280 = arith.constant 32768 : i32
      %lt3A_281 = vector.broadcast %lt3A_280 : i32 to vector<16xi32>
      %lt3A_282 = arith.cmpi slt, %sub3A_276, %lt3A_281 : vector<16xi32>
      %and3A_283 = arith.andi %ge3A_279, %lt3A_282 : vector<16xi1>
      %jit3A_284 = arith.constant 0 : i32
      %broadcast_in_dim3A_285 = vector.broadcast %jit3A_284 : i32 to vector<16xi32>
      %select_n3A_286 = arith.select %and3A_283, %sub3A_276, %broadcast_in_dim3A_285 : vector<16xi1>, vector<16xi32>
      %get3A_287 = arith.index_cast %add3A_272 : i32 to index
      %get3A_288 = tpu.vector_load %arg10[%get3A_287] {strides = array<i32>} : memref<12800xf32, #tpu.memory_space<vmem>>, vector<16xf32>,
      tpu.vector_store_idx %arg6[%select_n3A_286], %get3A_288 masked %and3A_283 : memref<32768xf32, #tpu.memory_space<vmem>>[vector<16xi32>], vector<16xf32>, vector<16xi1>
      %mul3A_289 = arith.constant 128 : i32
      %mul3A_290 = arith.muli %scan3A_176, %mul3A_289 : i32
      %add3A_291 = arith.constant 96 : i32
      %add3A_292 = arith.addi %mul3A_290, %add3A_291 : i32
      %get3A_293 = arith.index_cast %add3A_292 : i32 to index
      %get3A_294 = tpu.vector_load %arg9[%get3A_293] {strides = array<i32>} : memref<12800xi32, #tpu.memory_space<vmem>>, vector<16xi32>,
      %sub3A_295 = vector.broadcast %mul3A_2 : i32 to vector<16xi32>
      %sub3A_296 = arith.subi %get3A_294, %sub3A_295 : vector<16xi32>
      %ge3A_297 = arith.constant 0 : i32
      %ge3A_298 = vector.broadcast %ge3A_297 : i32 to vector<16xi32>
      %ge3A_299 = arith.cmpi sge, %sub3A_296, %ge3A_298 : vector<16xi32>
      %lt3A_300 = arith.constant 32768 : i32
      %lt3A_301 = vector.broadcast %lt3A_300 : i32 to vector<16xi32>
      %lt3A_302 = arith.cmpi slt, %sub3A_296, %lt3A_301 : vector<16xi32>
      %and3A_303 = arith.andi %ge3A_299, %lt3A_302 : vector<16xi1>
      %jit3A_304 = arith.constant 0 : i32
      %broadcast_in_dim3A_305 = vector.broadcast %jit3A_304 : i32 to vector<16xi32>
      %select_n3A_306 = arith.select %and3A_303, %sub3A_296, %broadcast_in_dim3A_305 : vector<16xi1>, vector<16xi32>
      %get3A_307 = arith.index_cast %add3A_292 : i32 to index
      %get3A_308 = tpu.vector_load %arg10[%get3A_307] {strides = array<i32>} : memref<12800xf32, #tpu.memory_space<vmem>>, vector<16xf32>,
      tpu.vector_store_idx %arg6[%select_n3A_306], %get3A_308 masked %and3A_303 : memref<32768xf32, #tpu.memory_space<vmem>>[vector<16xi32>], vector<16xf32>, vector<16xi1>
      %mul3A_309 = arith.constant 128 : i32
      %mul3A_310 = arith.muli %scan3A_176, %mul3A_309 : i32
      %add3A_311 = arith.constant 112 : i32
      %add3A_312 = arith.addi %mul3A_310, %add3A_311 : i32
      %get3A_313 = arith.index_cast %add3A_312 : i32 to index
      %get3A_314 = tpu.vector_load %arg9[%get3A_313] {strides = array<i32>} : memref<12800xi32, #tpu.memory_space<vmem>>, vector<16xi32>,
      %sub3A_315 = vector.broadcast %mul3A_2 : i32 to vector<16xi32>
      %sub3A_316 = arith.subi %get3A_314, %sub3A_315 : vector<16xi32>
      %ge3A_317 = arith.constant 0 : i32
      %ge3A_318 = vector.broadcast %ge3A_317 : i32 to vector<16xi32>
      %ge3A_319 = arith.cmpi sge, %sub3A_316, %ge3A_318 : vector<16xi32>
      %lt3A_320 = arith.constant 32768 : i32
      %lt3A_321 = vector.broadcast %lt3A_320 : i32 to vector<16xi32>
      %lt3A_322 = arith.cmpi slt, %sub3A_316, %lt3A_321 : vector<16xi32>
      %and3A_323 = arith.andi %ge3A_319, %lt3A_322 : vector<16xi1>
      %jit3A_324 = arith.constant 0 : i32
      %broadcast_in_dim3A_325 = vector.broadcast %jit3A_324 : i32 to vector<16xi32>
      %select_n3A_326 = arith.select %and3A_323, %sub3A_316, %broadcast_in_dim3A_325 : vector<16xi1>, vector<16xi32>
      %get3A_327 = arith.index_cast %add3A_312 : i32 to index
      %get3A_328 = tpu.vector_load %arg10[%get3A_327] {strides = array<i32>} : memref<12800xf32, #tpu.memory_space<vmem>>, vector<16xf32>,
      tpu.vector_store_idx %arg6[%select_n3A_326], %get3A_328 masked %and3A_323 : memref<32768xf32, #tpu.memory_space<vmem>>[vector<16xi32>], vector<16xf32>, vector<16xi1>
    }
    %scan3A_95 = arith.constant 100 : i32
    %dma_wait3A_96 = arith.constant 51200 : i32
    %dma_wait3A_97 = tpu.memref_slice %arg3[%dma_wait3A_96] : memref<102400xi32, #tpu.memory_space<hbm>> -> memref<12800xi32, #tpu.memory_space<hbm>>
    %dma_wait3A_98 = arith.constant 51200 : i32
    %dma_wait3A_99 = tpu.memref_slice %arg3[%dma_wait3A_98] : memref<102400xi32, #tpu.memory_space<hbm>> -> memref<12800xi32, #tpu.memory_space<hbm>>
    tpu.wait_dma2 semaphore(%arg11 : memref<!tpu.dma_semaphore, #tpu.memory_space<semaphore_mem>>) src(%dma_wait3A_99 : memref<12800xi32, #tpu.memory_space<hbm>>) dst(%arg7 : memref<12800xi32, #tpu.memory_space<vmem>>)
    %dma_wait3A_100 = arith.constant 51200 : i32
    %dma_wait3A_101 = tpu.memref_slice %arg4[%dma_wait3A_100] : memref<102400xf32, #tpu.memory_space<hbm>> -> memref<12800xf32, #tpu.memory_space<hbm>>
    %dma_wait3A_102 = arith.constant 51200 : i32
    %dma_wait3A_103 = tpu.memref_slice %arg4[%dma_wait3A_102] : memref<102400xf32, #tpu.memory_space<hbm>> -> memref<12800xf32, #tpu.memory_space<hbm>>
    tpu.wait_dma2 semaphore(%arg12 : memref<!tpu.dma_semaphore, #tpu.memory_space<semaphore_mem>>) src(%dma_wait3A_103 : memref<12800xf32, #tpu.memory_space<hbm>>) dst(%arg8 : memref<12800xf32, #tpu.memory_space<vmem>>)
    %dma_start3A_104 = arith.constant 64000 : i32
    %dma_start3A_105 = tpu.memref_slice %arg3[%dma_start3A_104] : memref<102400xi32, #tpu.memory_space<hbm>> -> memref<12800xi32, #tpu.memory_space<hbm>>
    %dma_start3A_106 = arith.constant 64000 : i32
    %dma_start3A_107 = tpu.memref_slice %arg3[%dma_start3A_106] : memref<102400xi32, #tpu.memory_space<hbm>> -> memref<12800xi32, #tpu.memory_space<hbm>>
    tpu.enqueue_dma source(%dma_start3A_107 : memref<12800xi32, #tpu.memory_space<hbm>>) target(%arg9 : memref<12800xi32, #tpu.memory_space<vmem>>) target_semaphore(%arg11 : memref<!tpu.dma_semaphore, #tpu.memory_space<semaphore_mem>>)
    %dma_start3A_108 = arith.constant 64000 : i32
    %dma_start3A_109 = tpu.memref_slice %arg4[%dma_start3A_108] : memref<102400xf32, #tpu.memory_space<hbm>> -> memref<12800xf32, #tpu.memory_space<hbm>>
    %dma_start3A_110 = arith.constant 64000 : i32
    %dma_start3A_111 = tpu.memref_slice %arg4[%dma_start3A_110] : memref<102400xf32, #tpu.memory_space<hbm>> -> memref<12800xf32, #tpu.memory_space<hbm>>
    tpu.enqueue_dma source(%dma_start3A_111 : memref<12800xf32, #tpu.memory_space<hbm>>) target(%arg10 : memref<12800xf32, #tpu.memory_space<vmem>>) target_semaphore(%arg12 : memref<!tpu.dma_semaphore, #tpu.memory_space<semaphore_mem>>)
    %scan3A_112 = arith.constant 0 : i32
    %scan3A_113 = arith.constant 0 : i32
    %scan3A_114 = arith.constant 100 : i32
    %scan3A_115 = arith.addi %scan3A_113, %scan3A_114 : i32
    %scan3A_116 = arith.constant 1 : i32
    scf.for %scan3A_176 = %scan3A_113 to %scan3A_115 step %scan3A_116  : i32 {
      %mul3A_177 = arith.constant 128 : i32
      %mul3A_178 = arith.muli %scan3A_176, %mul3A_177 : i32
      %add3A_179 = arith.constant 0 : i32
      %add3A_180 = arith.addi %mul3A_178, %add3A_179 : i32
      %get3A = arith.index_cast %add3A_180 : i32 to index
      %get3A_181 = tpu.vector_load %arg7[%get3A] {strides = array<i32>} : memref<12800xi32, #tpu.memory_space<vmem>>, vector<16xi32>,
      %sub3A = vector.broadcast %mul3A_2 : i32 to vector<16xi32>
      %sub3A_182 = arith.subi %get3A_181, %sub3A : vector<16xi32>
      %ge3A = arith.constant 0 : i32
      %ge3A_183 = vector.broadcast %ge3A : i32 to vector<16xi32>
      %ge3A_184 = arith.cmpi sge, %sub3A_182, %ge3A_183 : vector<16xi32>
      %lt3A = arith.constant 32768 : i32
      %lt3A_185 = vector.broadcast %lt3A : i32 to vector<16xi32>
      %lt3A_186 = arith.cmpi slt, %sub3A_182, %lt3A_185 : vector<16xi32>
      %and3A = arith.andi %ge3A_184, %lt3A_186 : vector<16xi1>
      %jit3A = arith.constant 0 : i32
      %broadcast_in_dim3A = vector.broadcast %jit3A : i32 to vector<16xi32>
      %select_n3A = arith.select %and3A, %sub3A_182, %broadcast_in_dim3A : vector<16xi1>, vector<16xi32>
      %get3A_187 = arith.index_cast %add3A_180 : i32 to index
      %get3A_188 = tpu.vector_load %arg8[%get3A_187] {strides = array<i32>} : memref<12800xf32, #tpu.memory_space<vmem>>, vector<16xf32>,
      tpu.vector_store_idx %arg6[%select_n3A], %get3A_188 masked %and3A : memref<32768xf32, #tpu.memory_space<vmem>>[vector<16xi32>], vector<16xf32>, vector<16xi1>
      %mul3A_189 = arith.constant 128 : i32
      %mul3A_190 = arith.muli %scan3A_176, %mul3A_189 : i32
      %add3A_191 = arith.constant 16 : i32
      %add3A_192 = arith.addi %mul3A_190, %add3A_191 : i32
      %get3A_193 = arith.index_cast %add3A_192 : i32 to index
      %get3A_194 = tpu.vector_load %arg7[%get3A_193] {strides = array<i32>} : memref<12800xi32, #tpu.memory_space<vmem>>, vector<16xi32>,
      %sub3A_195 = vector.broadcast %mul3A_2 : i32 to vector<16xi32>
      %sub3A_196 = arith.subi %get3A_194, %sub3A_195 : vector<16xi32>
      %ge3A_197 = arith.constant 0 : i32
      %ge3A_198 = vector.broadcast %ge3A_197 : i32 to vector<16xi32>
      %ge3A_199 = arith.cmpi sge, %sub3A_196, %ge3A_198 : vector<16xi32>
      %lt3A_200 = arith.constant 32768 : i32
      %lt3A_201 = vector.broadcast %lt3A_200 : i32 to vector<16xi32>
      %lt3A_202 = arith.cmpi slt, %sub3A_196, %lt3A_201 : vector<16xi32>
      %and3A_203 = arith.andi %ge3A_199, %lt3A_202 : vector<16xi1>
      %jit3A_204 = arith.constant 0 : i32
      %broadcast_in_dim3A_205 = vector.broadcast %jit3A_204 : i32 to vector<16xi32>
      %select_n3A_206 = arith.select %and3A_203, %sub3A_196, %broadcast_in_dim3A_205 : vector<16xi1>, vector<16xi32>
      %get3A_207 = arith.index_cast %add3A_192 : i32 to index
      %get3A_208 = tpu.vector_load %arg8[%get3A_207] {strides = array<i32>} : memref<12800xf32, #tpu.memory_space<vmem>>, vector<16xf32>,
      tpu.vector_store_idx %arg6[%select_n3A_206], %get3A_208 masked %and3A_203 : memref<32768xf32, #tpu.memory_space<vmem>>[vector<16xi32>], vector<16xf32>, vector<16xi1>
      %mul3A_209 = arith.constant 128 : i32
      %mul3A_210 = arith.muli %scan3A_176, %mul3A_209 : i32
      %add3A_211 = arith.constant 32 : i32
      %add3A_212 = arith.addi %mul3A_210, %add3A_211 : i32
      %get3A_213 = arith.index_cast %add3A_212 : i32 to index
      %get3A_214 = tpu.vector_load %arg7[%get3A_213] {strides = array<i32>} : memref<12800xi32, #tpu.memory_space<vmem>>, vector<16xi32>,
      %sub3A_215 = vector.broadcast %mul3A_2 : i32 to vector<16xi32>
      %sub3A_216 = arith.subi %get3A_214, %sub3A_215 : vector<16xi32>
      %ge3A_217 = arith.constant 0 : i32
      %ge3A_218 = vector.broadcast %ge3A_217 : i32 to vector<16xi32>
      %ge3A_219 = arith.cmpi sge, %sub3A_216, %ge3A_218 : vector<16xi32>
      %lt3A_220 = arith.constant 32768 : i32
      %lt3A_221 = vector.broadcast %lt3A_220 : i32 to vector<16xi32>
      %lt3A_222 = arith.cmpi slt, %sub3A_216, %lt3A_221 : vector<16xi32>
      %and3A_223 = arith.andi %ge3A_219, %lt3A_222 : vector<16xi1>
      %jit3A_224 = arith.constant 0 : i32
      %broadcast_in_dim3A_225 = vector.broadcast %jit3A_224 : i32 to vector<16xi32>
      %select_n3A_226 = arith.select %and3A_223, %sub3A_216, %broadcast_in_dim3A_225 : vector<16xi1>, vector<16xi32>
      %get3A_227 = arith.index_cast %add3A_212 : i32 to index
      %get3A_228 = tpu.vector_load %arg8[%get3A_227] {strides = array<i32>} : memref<12800xf32, #tpu.memory_space<vmem>>, vector<16xf32>,
      tpu.vector_store_idx %arg6[%select_n3A_226], %get3A_228 masked %and3A_223 : memref<32768xf32, #tpu.memory_space<vmem>>[vector<16xi32>], vector<16xf32>, vector<16xi1>
      %mul3A_229 = arith.constant 128 : i32
      %mul3A_230 = arith.muli %scan3A_176, %mul3A_229 : i32
      %add3A_231 = arith.constant 48 : i32
      %add3A_232 = arith.addi %mul3A_230, %add3A_231 : i32
      %get3A_233 = arith.index_cast %add3A_232 : i32 to index
      %get3A_234 = tpu.vector_load %arg7[%get3A_233] {strides = array<i32>} : memref<12800xi32, #tpu.memory_space<vmem>>, vector<16xi32>,
      %sub3A_235 = vector.broadcast %mul3A_2 : i32 to vector<16xi32>
      %sub3A_236 = arith.subi %get3A_234, %sub3A_235 : vector<16xi32>
      %ge3A_237 = arith.constant 0 : i32
      %ge3A_238 = vector.broadcast %ge3A_237 : i32 to vector<16xi32>
      %ge3A_239 = arith.cmpi sge, %sub3A_236, %ge3A_238 : vector<16xi32>
      %lt3A_240 = arith.constant 32768 : i32
      %lt3A_241 = vector.broadcast %lt3A_240 : i32 to vector<16xi32>
      %lt3A_242 = arith.cmpi slt, %sub3A_236, %lt3A_241 : vector<16xi32>
      %and3A_243 = arith.andi %ge3A_239, %lt3A_242 : vector<16xi1>
      %jit3A_244 = arith.constant 0 : i32
      %broadcast_in_dim3A_245 = vector.broadcast %jit3A_244 : i32 to vector<16xi32>
      %select_n3A_246 = arith.select %and3A_243, %sub3A_236, %broadcast_in_dim3A_245 : vector<16xi1>, vector<16xi32>
      %get3A_247 = arith.index_cast %add3A_232 : i32 to index
      %get3A_248 = tpu.vector_load %arg8[%get3A_247] {strides = array<i32>} : memref<12800xf32, #tpu.memory_space<vmem>>, vector<16xf32>,
      tpu.vector_store_idx %arg6[%select_n3A_246], %get3A_248 masked %and3A_243 : memref<32768xf32, #tpu.memory_space<vmem>>[vector<16xi32>], vector<16xf32>, vector<16xi1>
      %mul3A_249 = arith.constant 128 : i32
      %mul3A_250 = arith.muli %scan3A_176, %mul3A_249 : i32
      %add3A_251 = arith.constant 64 : i32
      %add3A_252 = arith.addi %mul3A_250, %add3A_251 : i32
      %get3A_253 = arith.index_cast %add3A_252 : i32 to index
      %get3A_254 = tpu.vector_load %arg7[%get3A_253] {strides = array<i32>} : memref<12800xi32, #tpu.memory_space<vmem>>, vector<16xi32>,
      %sub3A_255 = vector.broadcast %mul3A_2 : i32 to vector<16xi32>
      %sub3A_256 = arith.subi %get3A_254, %sub3A_255 : vector<16xi32>
      %ge3A_257 = arith.constant 0 : i32
      %ge3A_258 = vector.broadcast %ge3A_257 : i32 to vector<16xi32>
      %ge3A_259 = arith.cmpi sge, %sub3A_256, %ge3A_258 : vector<16xi32>
      %lt3A_260 = arith.constant 32768 : i32
      %lt3A_261 = vector.broadcast %lt3A_260 : i32 to vector<16xi32>
      %lt3A_262 = arith.cmpi slt, %sub3A_256, %lt3A_261 : vector<16xi32>
      %and3A_263 = arith.andi %ge3A_259, %lt3A_262 : vector<16xi1>
      %jit3A_264 = arith.constant 0 : i32
      %broadcast_in_dim3A_265 = vector.broadcast %jit3A_264 : i32 to vector<16xi32>
      %select_n3A_266 = arith.select %and3A_263, %sub3A_256, %broadcast_in_dim3A_265 : vector<16xi1>, vector<16xi32>
      %get3A_267 = arith.index_cast %add3A_252 : i32 to index
      %get3A_268 = tpu.vector_load %arg8[%get3A_267] {strides = array<i32>} : memref<12800xf32, #tpu.memory_space<vmem>>, vector<16xf32>,
      tpu.vector_store_idx %arg6[%select_n3A_266], %get3A_268 masked %and3A_263 : memref<32768xf32, #tpu.memory_space<vmem>>[vector<16xi32>], vector<16xf32>, vector<16xi1>
      %mul3A_269 = arith.constant 128 : i32
      %mul3A_270 = arith.muli %scan3A_176, %mul3A_269 : i32
      %add3A_271 = arith.constant 80 : i32
      %add3A_272 = arith.addi %mul3A_270, %add3A_271 : i32
      %get3A_273 = arith.index_cast %add3A_272 : i32 to index
      %get3A_274 = tpu.vector_load %arg7[%get3A_273] {strides = array<i32>} : memref<12800xi32, #tpu.memory_space<vmem>>, vector<16xi32>,
      %sub3A_275 = vector.broadcast %mul3A_2 : i32 to vector<16xi32>
      %sub3A_276 = arith.subi %get3A_274, %sub3A_275 : vector<16xi32>
      %ge3A_277 = arith.constant 0 : i32
      %ge3A_278 = vector.broadcast %ge3A_277 : i32 to vector<16xi32>
      %ge3A_279 = arith.cmpi sge, %sub3A_276, %ge3A_278 : vector<16xi32>
      %lt3A_280 = arith.constant 32768 : i32
      %lt3A_281 = vector.broadcast %lt3A_280 : i32 to vector<16xi32>
      %lt3A_282 = arith.cmpi slt, %sub3A_276, %lt3A_281 : vector<16xi32>
      %and3A_283 = arith.andi %ge3A_279, %lt3A_282 : vector<16xi1>
      %jit3A_284 = arith.constant 0 : i32
      %broadcast_in_dim3A_285 = vector.broadcast %jit3A_284 : i32 to vector<16xi32>
      %select_n3A_286 = arith.select %and3A_283, %sub3A_276, %broadcast_in_dim3A_285 : vector<16xi1>, vector<16xi32>
      %get3A_287 = arith.index_cast %add3A_272 : i32 to index
      %get3A_288 = tpu.vector_load %arg8[%get3A_287] {strides = array<i32>} : memref<12800xf32, #tpu.memory_space<vmem>>, vector<16xf32>,
      tpu.vector_store_idx %arg6[%select_n3A_286], %get3A_288 masked %and3A_283 : memref<32768xf32, #tpu.memory_space<vmem>>[vector<16xi32>], vector<16xf32>, vector<16xi1>
      %mul3A_289 = arith.constant 128 : i32
      %mul3A_290 = arith.muli %scan3A_176, %mul3A_289 : i32
      %add3A_291 = arith.constant 96 : i32
      %add3A_292 = arith.addi %mul3A_290, %add3A_291 : i32
      %get3A_293 = arith.index_cast %add3A_292 : i32 to index
      %get3A_294 = tpu.vector_load %arg7[%get3A_293] {strides = array<i32>} : memref<12800xi32, #tpu.memory_space<vmem>>, vector<16xi32>,
      %sub3A_295 = vector.broadcast %mul3A_2 : i32 to vector<16xi32>
      %sub3A_296 = arith.subi %get3A_294, %sub3A_295 : vector<16xi32>
      %ge3A_297 = arith.constant 0 : i32
      %ge3A_298 = vector.broadcast %ge3A_297 : i32 to vector<16xi32>
      %ge3A_299 = arith.cmpi sge, %sub3A_296, %ge3A_298 : vector<16xi32>
      %lt3A_300 = arith.constant 32768 : i32
      %lt3A_301 = vector.broadcast %lt3A_300 : i32 to vector<16xi32>
      %lt3A_302 = arith.cmpi slt, %sub3A_296, %lt3A_301 : vector<16xi32>
      %and3A_303 = arith.andi %ge3A_299, %lt3A_302 : vector<16xi1>
      %jit3A_304 = arith.constant 0 : i32
      %broadcast_in_dim3A_305 = vector.broadcast %jit3A_304 : i32 to vector<16xi32>
      %select_n3A_306 = arith.select %and3A_303, %sub3A_296, %broadcast_in_dim3A_305 : vector<16xi1>, vector<16xi32>
      %get3A_307 = arith.index_cast %add3A_292 : i32 to index
      %get3A_308 = tpu.vector_load %arg8[%get3A_307] {strides = array<i32>} : memref<12800xf32, #tpu.memory_space<vmem>>, vector<16xf32>,
      tpu.vector_store_idx %arg6[%select_n3A_306], %get3A_308 masked %and3A_303 : memref<32768xf32, #tpu.memory_space<vmem>>[vector<16xi32>], vector<16xf32>, vector<16xi1>
      %mul3A_309 = arith.constant 128 : i32
      %mul3A_310 = arith.muli %scan3A_176, %mul3A_309 : i32
      %add3A_311 = arith.constant 112 : i32
      %add3A_312 = arith.addi %mul3A_310, %add3A_311 : i32
      %get3A_313 = arith.index_cast %add3A_312 : i32 to index
      %get3A_314 = tpu.vector_load %arg7[%get3A_313] {strides = array<i32>} : memref<12800xi32, #tpu.memory_space<vmem>>, vector<16xi32>,
      %sub3A_315 = vector.broadcast %mul3A_2 : i32 to vector<16xi32>
      %sub3A_316 = arith.subi %get3A_314, %sub3A_315 : vector<16xi32>
      %ge3A_317 = arith.constant 0 : i32
      %ge3A_318 = vector.broadcast %ge3A_317 : i32 to vector<16xi32>
      %ge3A_319 = arith.cmpi sge, %sub3A_316, %ge3A_318 : vector<16xi32>
      %lt3A_320 = arith.constant 32768 : i32
      %lt3A_321 = vector.broadcast %lt3A_320 : i32 to vector<16xi32>
      %lt3A_322 = arith.cmpi slt, %sub3A_316, %lt3A_321 : vector<16xi32>
      %and3A_323 = arith.andi %ge3A_319, %lt3A_322 : vector<16xi1>
      %jit3A_324 = arith.constant 0 : i32
      %broadcast_in_dim3A_325 = vector.broadcast %jit3A_324 : i32 to vector<16xi32>
      %select_n3A_326 = arith.select %and3A_323, %sub3A_316, %broadcast_in_dim3A_325 : vector<16xi1>, vector<16xi32>
      %get3A_327 = arith.index_cast %add3A_312 : i32 to index
      %get3A_328 = tpu.vector_load %arg8[%get3A_327] {strides = array<i32>} : memref<12800xf32, #tpu.memory_space<vmem>>, vector<16xf32>,
      tpu.vector_store_idx %arg6[%select_n3A_326], %get3A_328 masked %and3A_323 : memref<32768xf32, #tpu.memory_space<vmem>>[vector<16xi32>], vector<16xf32>, vector<16xi1>
    }
    %scan3A_117 = arith.constant 100 : i32
    %dma_wait3A_118 = arith.constant 64000 : i32
    %dma_wait3A_119 = tpu.memref_slice %arg3[%dma_wait3A_118] : memref<102400xi32, #tpu.memory_space<hbm>> -> memref<12800xi32, #tpu.memory_space<hbm>>
    %dma_wait3A_120 = arith.constant 64000 : i32
    %dma_wait3A_121 = tpu.memref_slice %arg3[%dma_wait3A_120] : memref<102400xi32, #tpu.memory_space<hbm>> -> memref<12800xi32, #tpu.memory_space<hbm>>
    tpu.wait_dma2 semaphore(%arg11 : memref<!tpu.dma_semaphore, #tpu.memory_space<semaphore_mem>>) src(%dma_wait3A_121 : memref<12800xi32, #tpu.memory_space<hbm>>) dst(%arg9 : memref<12800xi32, #tpu.memory_space<vmem>>)
    %dma_wait3A_122 = arith.constant 64000 : i32
    %dma_wait3A_123 = tpu.memref_slice %arg4[%dma_wait3A_122] : memref<102400xf32, #tpu.memory_space<hbm>> -> memref<12800xf32, #tpu.memory_space<hbm>>
    %dma_wait3A_124 = arith.constant 64000 : i32
    %dma_wait3A_125 = tpu.memref_slice %arg4[%dma_wait3A_124] : memref<102400xf32, #tpu.memory_space<hbm>> -> memref<12800xf32, #tpu.memory_space<hbm>>
    tpu.wait_dma2 semaphore(%arg12 : memref<!tpu.dma_semaphore, #tpu.memory_space<semaphore_mem>>) src(%dma_wait3A_125 : memref<12800xf32, #tpu.memory_space<hbm>>) dst(%arg10 : memref<12800xf32, #tpu.memory_space<vmem>>)
    %dma_start3A_126 = arith.constant 76800 : i32
    %dma_start3A_127 = tpu.memref_slice %arg3[%dma_start3A_126] : memref<102400xi32, #tpu.memory_space<hbm>> -> memref<12800xi32, #tpu.memory_space<hbm>>
    %dma_start3A_128 = arith.constant 76800 : i32
    %dma_start3A_129 = tpu.memref_slice %arg3[%dma_start3A_128] : memref<102400xi32, #tpu.memory_space<hbm>> -> memref<12800xi32, #tpu.memory_space<hbm>>
    tpu.enqueue_dma source(%dma_start3A_129 : memref<12800xi32, #tpu.memory_space<hbm>>) target(%arg7 : memref<12800xi32, #tpu.memory_space<vmem>>) target_semaphore(%arg11 : memref<!tpu.dma_semaphore, #tpu.memory_space<semaphore_mem>>)
    %dma_start3A_130 = arith.constant 76800 : i32
    %dma_start3A_131 = tpu.memref_slice %arg4[%dma_start3A_130] : memref<102400xf32, #tpu.memory_space<hbm>> -> memref<12800xf32, #tpu.memory_space<hbm>>
    %dma_start3A_132 = arith.constant 76800 : i32
    %dma_start3A_133 = tpu.memref_slice %arg4[%dma_start3A_132] : memref<102400xf32, #tpu.memory_space<hbm>> -> memref<12800xf32, #tpu.memory_space<hbm>>
    tpu.enqueue_dma source(%dma_start3A_133 : memref<12800xf32, #tpu.memory_space<hbm>>) target(%arg8 : memref<12800xf32, #tpu.memory_space<vmem>>) target_semaphore(%arg12 : memref<!tpu.dma_semaphore, #tpu.memory_space<semaphore_mem>>)
    %scan3A_134 = arith.constant 0 : i32
    %scan3A_135 = arith.constant 0 : i32
    %scan3A_136 = arith.constant 100 : i32
    %scan3A_137 = arith.addi %scan3A_135, %scan3A_136 : i32
    %scan3A_138 = arith.constant 1 : i32
    scf.for %scan3A_176 = %scan3A_135 to %scan3A_137 step %scan3A_138  : i32 {
      %mul3A_177 = arith.constant 128 : i32
      %mul3A_178 = arith.muli %scan3A_176, %mul3A_177 : i32
      %add3A_179 = arith.constant 0 : i32
      %add3A_180 = arith.addi %mul3A_178, %add3A_179 : i32
      %get3A = arith.index_cast %add3A_180 : i32 to index
      %get3A_181 = tpu.vector_load %arg9[%get3A] {strides = array<i32>} : memref<12800xi32, #tpu.memory_space<vmem>>, vector<16xi32>,
      %sub3A = vector.broadcast %mul3A_2 : i32 to vector<16xi32>
      %sub3A_182 = arith.subi %get3A_181, %sub3A : vector<16xi32>
      %ge3A = arith.constant 0 : i32
      %ge3A_183 = vector.broadcast %ge3A : i32 to vector<16xi32>
      %ge3A_184 = arith.cmpi sge, %sub3A_182, %ge3A_183 : vector<16xi32>
      %lt3A = arith.constant 32768 : i32
      %lt3A_185 = vector.broadcast %lt3A : i32 to vector<16xi32>
      %lt3A_186 = arith.cmpi slt, %sub3A_182, %lt3A_185 : vector<16xi32>
      %and3A = arith.andi %ge3A_184, %lt3A_186 : vector<16xi1>
      %jit3A = arith.constant 0 : i32
      %broadcast_in_dim3A = vector.broadcast %jit3A : i32 to vector<16xi32>
      %select_n3A = arith.select %and3A, %sub3A_182, %broadcast_in_dim3A : vector<16xi1>, vector<16xi32>
      %get3A_187 = arith.index_cast %add3A_180 : i32 to index
      %get3A_188 = tpu.vector_load %arg10[%get3A_187] {strides = array<i32>} : memref<12800xf32, #tpu.memory_space<vmem>>, vector<16xf32>,
      tpu.vector_store_idx %arg6[%select_n3A], %get3A_188 masked %and3A : memref<32768xf32, #tpu.memory_space<vmem>>[vector<16xi32>], vector<16xf32>, vector<16xi1>
      %mul3A_189 = arith.constant 128 : i32
      %mul3A_190 = arith.muli %scan3A_176, %mul3A_189 : i32
      %add3A_191 = arith.constant 16 : i32
      %add3A_192 = arith.addi %mul3A_190, %add3A_191 : i32
      %get3A_193 = arith.index_cast %add3A_192 : i32 to index
      %get3A_194 = tpu.vector_load %arg9[%get3A_193] {strides = array<i32>} : memref<12800xi32, #tpu.memory_space<vmem>>, vector<16xi32>,
      %sub3A_195 = vector.broadcast %mul3A_2 : i32 to vector<16xi32>
      %sub3A_196 = arith.subi %get3A_194, %sub3A_195 : vector<16xi32>
      %ge3A_197 = arith.constant 0 : i32
      %ge3A_198 = vector.broadcast %ge3A_197 : i32 to vector<16xi32>
      %ge3A_199 = arith.cmpi sge, %sub3A_196, %ge3A_198 : vector<16xi32>
      %lt3A_200 = arith.constant 32768 : i32
      %lt3A_201 = vector.broadcast %lt3A_200 : i32 to vector<16xi32>
      %lt3A_202 = arith.cmpi slt, %sub3A_196, %lt3A_201 : vector<16xi32>
      %and3A_203 = arith.andi %ge3A_199, %lt3A_202 : vector<16xi1>
      %jit3A_204 = arith.constant 0 : i32
      %broadcast_in_dim3A_205 = vector.broadcast %jit3A_204 : i32 to vector<16xi32>
      %select_n3A_206 = arith.select %and3A_203, %sub3A_196, %broadcast_in_dim3A_205 : vector<16xi1>, vector<16xi32>
      %get3A_207 = arith.index_cast %add3A_192 : i32 to index
      %get3A_208 = tpu.vector_load %arg10[%get3A_207] {strides = array<i32>} : memref<12800xf32, #tpu.memory_space<vmem>>, vector<16xf32>,
      tpu.vector_store_idx %arg6[%select_n3A_206], %get3A_208 masked %and3A_203 : memref<32768xf32, #tpu.memory_space<vmem>>[vector<16xi32>], vector<16xf32>, vector<16xi1>
      %mul3A_209 = arith.constant 128 : i32
      %mul3A_210 = arith.muli %scan3A_176, %mul3A_209 : i32
      %add3A_211 = arith.constant 32 : i32
      %add3A_212 = arith.addi %mul3A_210, %add3A_211 : i32
      %get3A_213 = arith.index_cast %add3A_212 : i32 to index
      %get3A_214 = tpu.vector_load %arg9[%get3A_213] {strides = array<i32>} : memref<12800xi32, #tpu.memory_space<vmem>>, vector<16xi32>,
      %sub3A_215 = vector.broadcast %mul3A_2 : i32 to vector<16xi32>
      %sub3A_216 = arith.subi %get3A_214, %sub3A_215 : vector<16xi32>
      %ge3A_217 = arith.constant 0 : i32
      %ge3A_218 = vector.broadcast %ge3A_217 : i32 to vector<16xi32>
      %ge3A_219 = arith.cmpi sge, %sub3A_216, %ge3A_218 : vector<16xi32>
      %lt3A_220 = arith.constant 32768 : i32
      %lt3A_221 = vector.broadcast %lt3A_220 : i32 to vector<16xi32>
      %lt3A_222 = arith.cmpi slt, %sub3A_216, %lt3A_221 : vector<16xi32>
      %and3A_223 = arith.andi %ge3A_219, %lt3A_222 : vector<16xi1>
      %jit3A_224 = arith.constant 0 : i32
      %broadcast_in_dim3A_225 = vector.broadcast %jit3A_224 : i32 to vector<16xi32>
      %select_n3A_226 = arith.select %and3A_223, %sub3A_216, %broadcast_in_dim3A_225 : vector<16xi1>, vector<16xi32>
      %get3A_227 = arith.index_cast %add3A_212 : i32 to index
      %get3A_228 = tpu.vector_load %arg10[%get3A_227] {strides = array<i32>} : memref<12800xf32, #tpu.memory_space<vmem>>, vector<16xf32>,
      tpu.vector_store_idx %arg6[%select_n3A_226], %get3A_228 masked %and3A_223 : memref<32768xf32, #tpu.memory_space<vmem>>[vector<16xi32>], vector<16xf32>, vector<16xi1>
      %mul3A_229 = arith.constant 128 : i32
      %mul3A_230 = arith.muli %scan3A_176, %mul3A_229 : i32
      %add3A_231 = arith.constant 48 : i32
      %add3A_232 = arith.addi %mul3A_230, %add3A_231 : i32
      %get3A_233 = arith.index_cast %add3A_232 : i32 to index
      %get3A_234 = tpu.vector_load %arg9[%get3A_233] {strides = array<i32>} : memref<12800xi32, #tpu.memory_space<vmem>>, vector<16xi32>,
      %sub3A_235 = vector.broadcast %mul3A_2 : i32 to vector<16xi32>
      %sub3A_236 = arith.subi %get3A_234, %sub3A_235 : vector<16xi32>
      %ge3A_237 = arith.constant 0 : i32
      %ge3A_238 = vector.broadcast %ge3A_237 : i32 to vector<16xi32>
      %ge3A_239 = arith.cmpi sge, %sub3A_236, %ge3A_238 : vector<16xi32>
      %lt3A_240 = arith.constant 32768 : i32
      %lt3A_241 = vector.broadcast %lt3A_240 : i32 to vector<16xi32>
      %lt3A_242 = arith.cmpi slt, %sub3A_236, %lt3A_241 : vector<16xi32>
      %and3A_243 = arith.andi %ge3A_239, %lt3A_242 : vector<16xi1>
      %jit3A_244 = arith.constant 0 : i32
      %broadcast_in_dim3A_245 = vector.broadcast %jit3A_244 : i32 to vector<16xi32>
      %select_n3A_246 = arith.select %and3A_243, %sub3A_236, %broadcast_in_dim3A_245 : vector<16xi1>, vector<16xi32>
      %get3A_247 = arith.index_cast %add3A_232 : i32 to index
      %get3A_248 = tpu.vector_load %arg10[%get3A_247] {strides = array<i32>} : memref<12800xf32, #tpu.memory_space<vmem>>, vector<16xf32>,
      tpu.vector_store_idx %arg6[%select_n3A_246], %get3A_248 masked %and3A_243 : memref<32768xf32, #tpu.memory_space<vmem>>[vector<16xi32>], vector<16xf32>, vector<16xi1>
      %mul3A_249 = arith.constant 128 : i32
      %mul3A_250 = arith.muli %scan3A_176, %mul3A_249 : i32
      %add3A_251 = arith.constant 64 : i32
      %add3A_252 = arith.addi %mul3A_250, %add3A_251 : i32
      %get3A_253 = arith.index_cast %add3A_252 : i32 to index
      %get3A_254 = tpu.vector_load %arg9[%get3A_253] {strides = array<i32>} : memref<12800xi32, #tpu.memory_space<vmem>>, vector<16xi32>,
      %sub3A_255 = vector.broadcast %mul3A_2 : i32 to vector<16xi32>
      %sub3A_256 = arith.subi %get3A_254, %sub3A_255 : vector<16xi32>
      %ge3A_257 = arith.constant 0 : i32
      %ge3A_258 = vector.broadcast %ge3A_257 : i32 to vector<16xi32>
      %ge3A_259 = arith.cmpi sge, %sub3A_256, %ge3A_258 : vector<16xi32>
      %lt3A_260 = arith.constant 32768 : i32
      %lt3A_261 = vector.broadcast %lt3A_260 : i32 to vector<16xi32>
      %lt3A_262 = arith.cmpi slt, %sub3A_256, %lt3A_261 : vector<16xi32>
      %and3A_263 = arith.andi %ge3A_259, %lt3A_262 : vector<16xi1>
      %jit3A_264 = arith.constant 0 : i32
      %broadcast_in_dim3A_265 = vector.broadcast %jit3A_264 : i32 to vector<16xi32>
      %select_n3A_266 = arith.select %and3A_263, %sub3A_256, %broadcast_in_dim3A_265 : vector<16xi1>, vector<16xi32>
      %get3A_267 = arith.index_cast %add3A_252 : i32 to index
      %get3A_268 = tpu.vector_load %arg10[%get3A_267] {strides = array<i32>} : memref<12800xf32, #tpu.memory_space<vmem>>, vector<16xf32>,
      tpu.vector_store_idx %arg6[%select_n3A_266], %get3A_268 masked %and3A_263 : memref<32768xf32, #tpu.memory_space<vmem>>[vector<16xi32>], vector<16xf32>, vector<16xi1>
      %mul3A_269 = arith.constant 128 : i32
      %mul3A_270 = arith.muli %scan3A_176, %mul3A_269 : i32
      %add3A_271 = arith.constant 80 : i32
      %add3A_272 = arith.addi %mul3A_270, %add3A_271 : i32
      %get3A_273 = arith.index_cast %add3A_272 : i32 to index
      %get3A_274 = tpu.vector_load %arg9[%get3A_273] {strides = array<i32>} : memref<12800xi32, #tpu.memory_space<vmem>>, vector<16xi32>,
      %sub3A_275 = vector.broadcast %mul3A_2 : i32 to vector<16xi32>
      %sub3A_276 = arith.subi %get3A_274, %sub3A_275 : vector<16xi32>
      %ge3A_277 = arith.constant 0 : i32
      %ge3A_278 = vector.broadcast %ge3A_277 : i32 to vector<16xi32>
      %ge3A_279 = arith.cmpi sge, %sub3A_276, %ge3A_278 : vector<16xi32>
      %lt3A_280 = arith.constant 32768 : i32
      %lt3A_281 = vector.broadcast %lt3A_280 : i32 to vector<16xi32>
      %lt3A_282 = arith.cmpi slt, %sub3A_276, %lt3A_281 : vector<16xi32>
      %and3A_283 = arith.andi %ge3A_279, %lt3A_282 : vector<16xi1>
      %jit3A_284 = arith.constant 0 : i32
      %broadcast_in_dim3A_285 = vector.broadcast %jit3A_284 : i32 to vector<16xi32>
      %select_n3A_286 = arith.select %and3A_283, %sub3A_276, %broadcast_in_dim3A_285 : vector<16xi1>, vector<16xi32>
      %get3A_287 = arith.index_cast %add3A_272 : i32 to index
      %get3A_288 = tpu.vector_load %arg10[%get3A_287] {strides = array<i32>} : memref<12800xf32, #tpu.memory_space<vmem>>, vector<16xf32>,
      tpu.vector_store_idx %arg6[%select_n3A_286], %get3A_288 masked %and3A_283 : memref<32768xf32, #tpu.memory_space<vmem>>[vector<16xi32>], vector<16xf32>, vector<16xi1>
      %mul3A_289 = arith.constant 128 : i32
      %mul3A_290 = arith.muli %scan3A_176, %mul3A_289 : i32
      %add3A_291 = arith.constant 96 : i32
      %add3A_292 = arith.addi %mul3A_290, %add3A_291 : i32
      %get3A_293 = arith.index_cast %add3A_292 : i32 to index
      %get3A_294 = tpu.vector_load %arg9[%get3A_293] {strides = array<i32>} : memref<12800xi32, #tpu.memory_space<vmem>>, vector<16xi32>,
      %sub3A_295 = vector.broadcast %mul3A_2 : i32 to vector<16xi32>
      %sub3A_296 = arith.subi %get3A_294, %sub3A_295 : vector<16xi32>
      %ge3A_297 = arith.constant 0 : i32
      %ge3A_298 = vector.broadcast %ge3A_297 : i32 to vector<16xi32>
      %ge3A_299 = arith.cmpi sge, %sub3A_296, %ge3A_298 : vector<16xi32>
      %lt3A_300 = arith.constant 32768 : i32
      %lt3A_301 = vector.broadcast %lt3A_300 : i32 to vector<16xi32>
      %lt3A_302 = arith.cmpi slt, %sub3A_296, %lt3A_301 : vector<16xi32>
      %and3A_303 = arith.andi %ge3A_299, %lt3A_302 : vector<16xi1>
      %jit3A_304 = arith.constant 0 : i32
      %broadcast_in_dim3A_305 = vector.broadcast %jit3A_304 : i32 to vector<16xi32>
      %select_n3A_306 = arith.select %and3A_303, %sub3A_296, %broadcast_in_dim3A_305 : vector<16xi1>, vector<16xi32>
      %get3A_307 = arith.index_cast %add3A_292 : i32 to index
      %get3A_308 = tpu.vector_load %arg10[%get3A_307] {strides = array<i32>} : memref<12800xf32, #tpu.memory_space<vmem>>, vector<16xf32>,
      tpu.vector_store_idx %arg6[%select_n3A_306], %get3A_308 masked %and3A_303 : memref<32768xf32, #tpu.memory_space<vmem>>[vector<16xi32>], vector<16xf32>, vector<16xi1>
      %mul3A_309 = arith.constant 128 : i32
      %mul3A_310 = arith.muli %scan3A_176, %mul3A_309 : i32
      %add3A_311 = arith.constant 112 : i32
      %add3A_312 = arith.addi %mul3A_310, %add3A_311 : i32
      %get3A_313 = arith.index_cast %add3A_312 : i32 to index
      %get3A_314 = tpu.vector_load %arg9[%get3A_313] {strides = array<i32>} : memref<12800xi32, #tpu.memory_space<vmem>>, vector<16xi32>,
      %sub3A_315 = vector.broadcast %mul3A_2 : i32 to vector<16xi32>
      %sub3A_316 = arith.subi %get3A_314, %sub3A_315 : vector<16xi32>
      %ge3A_317 = arith.constant 0 : i32
      %ge3A_318 = vector.broadcast %ge3A_317 : i32 to vector<16xi32>
      %ge3A_319 = arith.cmpi sge, %sub3A_316, %ge3A_318 : vector<16xi32>
      %lt3A_320 = arith.constant 32768 : i32
      %lt3A_321 = vector.broadcast %lt3A_320 : i32 to vector<16xi32>
      %lt3A_322 = arith.cmpi slt, %sub3A_316, %lt3A_321 : vector<16xi32>
      %and3A_323 = arith.andi %ge3A_319, %lt3A_322 : vector<16xi1>
      %jit3A_324 = arith.constant 0 : i32
      %broadcast_in_dim3A_325 = vector.broadcast %jit3A_324 : i32 to vector<16xi32>
      %select_n3A_326 = arith.select %and3A_323, %sub3A_316, %broadcast_in_dim3A_325 : vector<16xi1>, vector<16xi32>
      %get3A_327 = arith.index_cast %add3A_312 : i32 to index
      %get3A_328 = tpu.vector_load %arg10[%get3A_327] {strides = array<i32>} : memref<12800xf32, #tpu.memory_space<vmem>>, vector<16xf32>,
      tpu.vector_store_idx %arg6[%select_n3A_326], %get3A_328 masked %and3A_323 : memref<32768xf32, #tpu.memory_space<vmem>>[vector<16xi32>], vector<16xf32>, vector<16xi1>
    }
    %scan3A_139 = arith.constant 100 : i32
    %dma_wait3A_140 = arith.constant 76800 : i32
    %dma_wait3A_141 = tpu.memref_slice %arg3[%dma_wait3A_140] : memref<102400xi32, #tpu.memory_space<hbm>> -> memref<12800xi32, #tpu.memory_space<hbm>>
    %dma_wait3A_142 = arith.constant 76800 : i32
    %dma_wait3A_143 = tpu.memref_slice %arg3[%dma_wait3A_142] : memref<102400xi32, #tpu.memory_space<hbm>> -> memref<12800xi32, #tpu.memory_space<hbm>>
    tpu.wait_dma2 semaphore(%arg11 : memref<!tpu.dma_semaphore, #tpu.memory_space<semaphore_mem>>) src(%dma_wait3A_143 : memref<12800xi32, #tpu.memory_space<hbm>>) dst(%arg7 : memref<12800xi32, #tpu.memory_space<vmem>>)
    %dma_wait3A_144 = arith.constant 76800 : i32
    %dma_wait3A_145 = tpu.memref_slice %arg4[%dma_wait3A_144] : memref<102400xf32, #tpu.memory_space<hbm>> -> memref<12800xf32, #tpu.memory_space<hbm>>
    %dma_wait3A_146 = arith.constant 76800 : i32
    %dma_wait3A_147 = tpu.memref_slice %arg4[%dma_wait3A_146] : memref<102400xf32, #tpu.memory_space<hbm>> -> memref<12800xf32, #tpu.memory_space<hbm>>
    tpu.wait_dma2 semaphore(%arg12 : memref<!tpu.dma_semaphore, #tpu.memory_space<semaphore_mem>>) src(%dma_wait3A_147 : memref<12800xf32, #tpu.memory_space<hbm>>) dst(%arg8 : memref<12800xf32, #tpu.memory_space<vmem>>)
    %dma_start3A_148 = arith.constant 89600 : i32
    %dma_start3A_149 = tpu.memref_slice %arg3[%dma_start3A_148] : memref<102400xi32, #tpu.memory_space<hbm>> -> memref<12800xi32, #tpu.memory_space<hbm>>
    %dma_start3A_150 = arith.constant 89600 : i32
    %dma_start3A_151 = tpu.memref_slice %arg3[%dma_start3A_150] : memref<102400xi32, #tpu.memory_space<hbm>> -> memref<12800xi32, #tpu.memory_space<hbm>>
    tpu.enqueue_dma source(%dma_start3A_151 : memref<12800xi32, #tpu.memory_space<hbm>>) target(%arg9 : memref<12800xi32, #tpu.memory_space<vmem>>) target_semaphore(%arg11 : memref<!tpu.dma_semaphore, #tpu.memory_space<semaphore_mem>>)
    %dma_start3A_152 = arith.constant 89600 : i32
    %dma_start3A_153 = tpu.memref_slice %arg4[%dma_start3A_152] : memref<102400xf32, #tpu.memory_space<hbm>> -> memref<12800xf32, #tpu.memory_space<hbm>>
    %dma_start3A_154 = arith.constant 89600 : i32
    %dma_start3A_155 = tpu.memref_slice %arg4[%dma_start3A_154] : memref<102400xf32, #tpu.memory_space<hbm>> -> memref<12800xf32, #tpu.memory_space<hbm>>
    tpu.enqueue_dma source(%dma_start3A_155 : memref<12800xf32, #tpu.memory_space<hbm>>) target(%arg10 : memref<12800xf32, #tpu.memory_space<vmem>>) target_semaphore(%arg12 : memref<!tpu.dma_semaphore, #tpu.memory_space<semaphore_mem>>)
    %scan3A_156 = arith.constant 0 : i32
    %scan3A_157 = arith.constant 0 : i32
    %scan3A_158 = arith.constant 100 : i32
    %scan3A_159 = arith.addi %scan3A_157, %scan3A_158 : i32
    %scan3A_160 = arith.constant 1 : i32
    scf.for %scan3A_176 = %scan3A_157 to %scan3A_159 step %scan3A_160  : i32 {
      %mul3A_177 = arith.constant 128 : i32
      %mul3A_178 = arith.muli %scan3A_176, %mul3A_177 : i32
      %add3A_179 = arith.constant 0 : i32
      %add3A_180 = arith.addi %mul3A_178, %add3A_179 : i32
      %get3A = arith.index_cast %add3A_180 : i32 to index
      %get3A_181 = tpu.vector_load %arg7[%get3A] {strides = array<i32>} : memref<12800xi32, #tpu.memory_space<vmem>>, vector<16xi32>,
      %sub3A = vector.broadcast %mul3A_2 : i32 to vector<16xi32>
      %sub3A_182 = arith.subi %get3A_181, %sub3A : vector<16xi32>
      %ge3A = arith.constant 0 : i32
      %ge3A_183 = vector.broadcast %ge3A : i32 to vector<16xi32>
      %ge3A_184 = arith.cmpi sge, %sub3A_182, %ge3A_183 : vector<16xi32>
      %lt3A = arith.constant 32768 : i32
      %lt3A_185 = vector.broadcast %lt3A : i32 to vector<16xi32>
      %lt3A_186 = arith.cmpi slt, %sub3A_182, %lt3A_185 : vector<16xi32>
      %and3A = arith.andi %ge3A_184, %lt3A_186 : vector<16xi1>
      %jit3A = arith.constant 0 : i32
      %broadcast_in_dim3A = vector.broadcast %jit3A : i32 to vector<16xi32>
      %select_n3A = arith.select %and3A, %sub3A_182, %broadcast_in_dim3A : vector<16xi1>, vector<16xi32>
      %get3A_187 = arith.index_cast %add3A_180 : i32 to index
      %get3A_188 = tpu.vector_load %arg8[%get3A_187] {strides = array<i32>} : memref<12800xf32, #tpu.memory_space<vmem>>, vector<16xf32>,
      tpu.vector_store_idx %arg6[%select_n3A], %get3A_188 masked %and3A : memref<32768xf32, #tpu.memory_space<vmem>>[vector<16xi32>], vector<16xf32>, vector<16xi1>
      %mul3A_189 = arith.constant 128 : i32
      %mul3A_190 = arith.muli %scan3A_176, %mul3A_189 : i32
      %add3A_191 = arith.constant 16 : i32
      %add3A_192 = arith.addi %mul3A_190, %add3A_191 : i32
      %get3A_193 = arith.index_cast %add3A_192 : i32 to index
      %get3A_194 = tpu.vector_load %arg7[%get3A_193] {strides = array<i32>} : memref<12800xi32, #tpu.memory_space<vmem>>, vector<16xi32>,
      %sub3A_195 = vector.broadcast %mul3A_2 : i32 to vector<16xi32>
      %sub3A_196 = arith.subi %get3A_194, %sub3A_195 : vector<16xi32>
      %ge3A_197 = arith.constant 0 : i32
      %ge3A_198 = vector.broadcast %ge3A_197 : i32 to vector<16xi32>
      %ge3A_199 = arith.cmpi sge, %sub3A_196, %ge3A_198 : vector<16xi32>
      %lt3A_200 = arith.constant 32768 : i32
      %lt3A_201 = vector.broadcast %lt3A_200 : i32 to vector<16xi32>
      %lt3A_202 = arith.cmpi slt, %sub3A_196, %lt3A_201 : vector<16xi32>
      %and3A_203 = arith.andi %ge3A_199, %lt3A_202 : vector<16xi1>
      %jit3A_204 = arith.constant 0 : i32
      %broadcast_in_dim3A_205 = vector.broadcast %jit3A_204 : i32 to vector<16xi32>
      %select_n3A_206 = arith.select %and3A_203, %sub3A_196, %broadcast_in_dim3A_205 : vector<16xi1>, vector<16xi32>
      %get3A_207 = arith.index_cast %add3A_192 : i32 to index
      %get3A_208 = tpu.vector_load %arg8[%get3A_207] {strides = array<i32>} : memref<12800xf32, #tpu.memory_space<vmem>>, vector<16xf32>,
      tpu.vector_store_idx %arg6[%select_n3A_206], %get3A_208 masked %and3A_203 : memref<32768xf32, #tpu.memory_space<vmem>>[vector<16xi32>], vector<16xf32>, vector<16xi1>
      %mul3A_209 = arith.constant 128 : i32
      %mul3A_210 = arith.muli %scan3A_176, %mul3A_209 : i32
      %add3A_211 = arith.constant 32 : i32
      %add3A_212 = arith.addi %mul3A_210, %add3A_211 : i32
      %get3A_213 = arith.index_cast %add3A_212 : i32 to index
      %get3A_214 = tpu.vector_load %arg7[%get3A_213] {strides = array<i32>} : memref<12800xi32, #tpu.memory_space<vmem>>, vector<16xi32>,
      %sub3A_215 = vector.broadcast %mul3A_2 : i32 to vector<16xi32>
      %sub3A_216 = arith.subi %get3A_214, %sub3A_215 : vector<16xi32>
      %ge3A_217 = arith.constant 0 : i32
      %ge3A_218 = vector.broadcast %ge3A_217 : i32 to vector<16xi32>
      %ge3A_219 = arith.cmpi sge, %sub3A_216, %ge3A_218 : vector<16xi32>
      %lt3A_220 = arith.constant 32768 : i32
      %lt3A_221 = vector.broadcast %lt3A_220 : i32 to vector<16xi32>
      %lt3A_222 = arith.cmpi slt, %sub3A_216, %lt3A_221 : vector<16xi32>
      %and3A_223 = arith.andi %ge3A_219, %lt3A_222 : vector<16xi1>
      %jit3A_224 = arith.constant 0 : i32
      %broadcast_in_dim3A_225 = vector.broadcast %jit3A_224 : i32 to vector<16xi32>
      %select_n3A_226 = arith.select %and3A_223, %sub3A_216, %broadcast_in_dim3A_225 : vector<16xi1>, vector<16xi32>
      %get3A_227 = arith.index_cast %add3A_212 : i32 to index
      %get3A_228 = tpu.vector_load %arg8[%get3A_227] {strides = array<i32>} : memref<12800xf32, #tpu.memory_space<vmem>>, vector<16xf32>,
      tpu.vector_store_idx %arg6[%select_n3A_226], %get3A_228 masked %and3A_223 : memref<32768xf32, #tpu.memory_space<vmem>>[vector<16xi32>], vector<16xf32>, vector<16xi1>
      %mul3A_229 = arith.constant 128 : i32
      %mul3A_230 = arith.muli %scan3A_176, %mul3A_229 : i32
      %add3A_231 = arith.constant 48 : i32
      %add3A_232 = arith.addi %mul3A_230, %add3A_231 : i32
      %get3A_233 = arith.index_cast %add3A_232 : i32 to index
      %get3A_234 = tpu.vector_load %arg7[%get3A_233] {strides = array<i32>} : memref<12800xi32, #tpu.memory_space<vmem>>, vector<16xi32>,
      %sub3A_235 = vector.broadcast %mul3A_2 : i32 to vector<16xi32>
      %sub3A_236 = arith.subi %get3A_234, %sub3A_235 : vector<16xi32>
      %ge3A_237 = arith.constant 0 : i32
      %ge3A_238 = vector.broadcast %ge3A_237 : i32 to vector<16xi32>
      %ge3A_239 = arith.cmpi sge, %sub3A_236, %ge3A_238 : vector<16xi32>
      %lt3A_240 = arith.constant 32768 : i32
      %lt3A_241 = vector.broadcast %lt3A_240 : i32 to vector<16xi32>
      %lt3A_242 = arith.cmpi slt, %sub3A_236, %lt3A_241 : vector<16xi32>
      %and3A_243 = arith.andi %ge3A_239, %lt3A_242 : vector<16xi1>
      %jit3A_244 = arith.constant 0 : i32
      %broadcast_in_dim3A_245 = vector.broadcast %jit3A_244 : i32 to vector<16xi32>
      %select_n3A_246 = arith.select %and3A_243, %sub3A_236, %broadcast_in_dim3A_245 : vector<16xi1>, vector<16xi32>
      %get3A_247 = arith.index_cast %add3A_232 : i32 to index
      %get3A_248 = tpu.vector_load %arg8[%get3A_247] {strides = array<i32>} : memref<12800xf32, #tpu.memory_space<vmem>>, vector<16xf32>,
      tpu.vector_store_idx %arg6[%select_n3A_246], %get3A_248 masked %and3A_243 : memref<32768xf32, #tpu.memory_space<vmem>>[vector<16xi32>], vector<16xf32>, vector<16xi1>
      %mul3A_249 = arith.constant 128 : i32
      %mul3A_250 = arith.muli %scan3A_176, %mul3A_249 : i32
      %add3A_251 = arith.constant 64 : i32
      %add3A_252 = arith.addi %mul3A_250, %add3A_251 : i32
      %get3A_253 = arith.index_cast %add3A_252 : i32 to index
      %get3A_254 = tpu.vector_load %arg7[%get3A_253] {strides = array<i32>} : memref<12800xi32, #tpu.memory_space<vmem>>, vector<16xi32>,
      %sub3A_255 = vector.broadcast %mul3A_2 : i32 to vector<16xi32>
      %sub3A_256 = arith.subi %get3A_254, %sub3A_255 : vector<16xi32>
      %ge3A_257 = arith.constant 0 : i32
      %ge3A_258 = vector.broadcast %ge3A_257 : i32 to vector<16xi32>
      %ge3A_259 = arith.cmpi sge, %sub3A_256, %ge3A_258 : vector<16xi32>
      %lt3A_260 = arith.constant 32768 : i32
      %lt3A_261 = vector.broadcast %lt3A_260 : i32 to vector<16xi32>
      %lt3A_262 = arith.cmpi slt, %sub3A_256, %lt3A_261 : vector<16xi32>
      %and3A_263 = arith.andi %ge3A_259, %lt3A_262 : vector<16xi1>
      %jit3A_264 = arith.constant 0 : i32
      %broadcast_in_dim3A_265 = vector.broadcast %jit3A_264 : i32 to vector<16xi32>
      %select_n3A_266 = arith.select %and3A_263, %sub3A_256, %broadcast_in_dim3A_265 : vector<16xi1>, vector<16xi32>
      %get3A_267 = arith.index_cast %add3A_252 : i32 to index
      %get3A_268 = tpu.vector_load %arg8[%get3A_267] {strides = array<i32>} : memref<12800xf32, #tpu.memory_space<vmem>>, vector<16xf32>,
      tpu.vector_store_idx %arg6[%select_n3A_266], %get3A_268 masked %and3A_263 : memref<32768xf32, #tpu.memory_space<vmem>>[vector<16xi32>], vector<16xf32>, vector<16xi1>
      %mul3A_269 = arith.constant 128 : i32
      %mul3A_270 = arith.muli %scan3A_176, %mul3A_269 : i32
      %add3A_271 = arith.constant 80 : i32
      %add3A_272 = arith.addi %mul3A_270, %add3A_271 : i32
      %get3A_273 = arith.index_cast %add3A_272 : i32 to index
      %get3A_274 = tpu.vector_load %arg7[%get3A_273] {strides = array<i32>} : memref<12800xi32, #tpu.memory_space<vmem>>, vector<16xi32>,
      %sub3A_275 = vector.broadcast %mul3A_2 : i32 to vector<16xi32>
      %sub3A_276 = arith.subi %get3A_274, %sub3A_275 : vector<16xi32>
      %ge3A_277 = arith.constant 0 : i32
      %ge3A_278 = vector.broadcast %ge3A_277 : i32 to vector<16xi32>
      %ge3A_279 = arith.cmpi sge, %sub3A_276, %ge3A_278 : vector<16xi32>
      %lt3A_280 = arith.constant 32768 : i32
      %lt3A_281 = vector.broadcast %lt3A_280 : i32 to vector<16xi32>
      %lt3A_282 = arith.cmpi slt, %sub3A_276, %lt3A_281 : vector<16xi32>
      %and3A_283 = arith.andi %ge3A_279, %lt3A_282 : vector<16xi1>
      %jit3A_284 = arith.constant 0 : i32
      %broadcast_in_dim3A_285 = vector.broadcast %jit3A_284 : i32 to vector<16xi32>
      %select_n3A_286 = arith.select %and3A_283, %sub3A_276, %broadcast_in_dim3A_285 : vector<16xi1>, vector<16xi32>
      %get3A_287 = arith.index_cast %add3A_272 : i32 to index
      %get3A_288 = tpu.vector_load %arg8[%get3A_287] {strides = array<i32>} : memref<12800xf32, #tpu.memory_space<vmem>>, vector<16xf32>,
      tpu.vector_store_idx %arg6[%select_n3A_286], %get3A_288 masked %and3A_283 : memref<32768xf32, #tpu.memory_space<vmem>>[vector<16xi32>], vector<16xf32>, vector<16xi1>
      %mul3A_289 = arith.constant 128 : i32
      %mul3A_290 = arith.muli %scan3A_176, %mul3A_289 : i32
      %add3A_291 = arith.constant 96 : i32
      %add3A_292 = arith.addi %mul3A_290, %add3A_291 : i32
      %get3A_293 = arith.index_cast %add3A_292 : i32 to index
      %get3A_294 = tpu.vector_load %arg7[%get3A_293] {strides = array<i32>} : memref<12800xi32, #tpu.memory_space<vmem>>, vector<16xi32>,
      %sub3A_295 = vector.broadcast %mul3A_2 : i32 to vector<16xi32>
      %sub3A_296 = arith.subi %get3A_294, %sub3A_295 : vector<16xi32>
      %ge3A_297 = arith.constant 0 : i32
      %ge3A_298 = vector.broadcast %ge3A_297 : i32 to vector<16xi32>
      %ge3A_299 = arith.cmpi sge, %sub3A_296, %ge3A_298 : vector<16xi32>
      %lt3A_300 = arith.constant 32768 : i32
      %lt3A_301 = vector.broadcast %lt3A_300 : i32 to vector<16xi32>
      %lt3A_302 = arith.cmpi slt, %sub3A_296, %lt3A_301 : vector<16xi32>
      %and3A_303 = arith.andi %ge3A_299, %lt3A_302 : vector<16xi1>
      %jit3A_304 = arith.constant 0 : i32
      %broadcast_in_dim3A_305 = vector.broadcast %jit3A_304 : i32 to vector<16xi32>
      %select_n3A_306 = arith.select %and3A_303, %sub3A_296, %broadcast_in_dim3A_305 : vector<16xi1>, vector<16xi32>
      %get3A_307 = arith.index_cast %add3A_292 : i32 to index
      %get3A_308 = tpu.vector_load %arg8[%get3A_307] {strides = array<i32>} : memref<12800xf32, #tpu.memory_space<vmem>>, vector<16xf32>,
      tpu.vector_store_idx %arg6[%select_n3A_306], %get3A_308 masked %and3A_303 : memref<32768xf32, #tpu.memory_space<vmem>>[vector<16xi32>], vector<16xf32>, vector<16xi1>
      %mul3A_309 = arith.constant 128 : i32
      %mul3A_310 = arith.muli %scan3A_176, %mul3A_309 : i32
      %add3A_311 = arith.constant 112 : i32
      %add3A_312 = arith.addi %mul3A_310, %add3A_311 : i32
      %get3A_313 = arith.index_cast %add3A_312 : i32 to index
      %get3A_314 = tpu.vector_load %arg7[%get3A_313] {strides = array<i32>} : memref<12800xi32, #tpu.memory_space<vmem>>, vector<16xi32>,
      %sub3A_315 = vector.broadcast %mul3A_2 : i32 to vector<16xi32>
      %sub3A_316 = arith.subi %get3A_314, %sub3A_315 : vector<16xi32>
      %ge3A_317 = arith.constant 0 : i32
      %ge3A_318 = vector.broadcast %ge3A_317 : i32 to vector<16xi32>
      %ge3A_319 = arith.cmpi sge, %sub3A_316, %ge3A_318 : vector<16xi32>
      %lt3A_320 = arith.constant 32768 : i32
      %lt3A_321 = vector.broadcast %lt3A_320 : i32 to vector<16xi32>
      %lt3A_322 = arith.cmpi slt, %sub3A_316, %lt3A_321 : vector<16xi32>
      %and3A_323 = arith.andi %ge3A_319, %lt3A_322 : vector<16xi1>
      %jit3A_324 = arith.constant 0 : i32
      %broadcast_in_dim3A_325 = vector.broadcast %jit3A_324 : i32 to vector<16xi32>
      %select_n3A_326 = arith.select %and3A_323, %sub3A_316, %broadcast_in_dim3A_325 : vector<16xi1>, vector<16xi32>
      %get3A_327 = arith.index_cast %add3A_312 : i32 to index
      %get3A_328 = tpu.vector_load %arg8[%get3A_327] {strides = array<i32>} : memref<12800xf32, #tpu.memory_space<vmem>>, vector<16xf32>,
      tpu.vector_store_idx %arg6[%select_n3A_326], %get3A_328 masked %and3A_323 : memref<32768xf32, #tpu.memory_space<vmem>>[vector<16xi32>], vector<16xf32>, vector<16xi1>
    }
    %scan3A_161 = arith.constant 100 : i32
    %dma_wait3A_162 = arith.constant 89600 : i32
    %dma_wait3A_163 = tpu.memref_slice %arg3[%dma_wait3A_162] : memref<102400xi32, #tpu.memory_space<hbm>> -> memref<12800xi32, #tpu.memory_space<hbm>>
    %dma_wait3A_164 = arith.constant 89600 : i32
    %dma_wait3A_165 = tpu.memref_slice %arg3[%dma_wait3A_164] : memref<102400xi32, #tpu.memory_space<hbm>> -> memref<12800xi32, #tpu.memory_space<hbm>>
    tpu.wait_dma2 semaphore(%arg11 : memref<!tpu.dma_semaphore, #tpu.memory_space<semaphore_mem>>) src(%dma_wait3A_165 : memref<12800xi32, #tpu.memory_space<hbm>>) dst(%arg9 : memref<12800xi32, #tpu.memory_space<vmem>>)
    %dma_wait3A_166 = arith.constant 89600 : i32
    %dma_wait3A_167 = tpu.memref_slice %arg4[%dma_wait3A_166] : memref<102400xf32, #tpu.memory_space<hbm>> -> memref<12800xf32, #tpu.memory_space<hbm>>
    %dma_wait3A_168 = arith.constant 89600 : i32
    %dma_wait3A_169 = tpu.memref_slice %arg4[%dma_wait3A_168] : memref<102400xf32, #tpu.memory_space<hbm>> -> memref<12800xf32, #tpu.memory_space<hbm>>
    tpu.wait_dma2 semaphore(%arg12 : memref<!tpu.dma_semaphore, #tpu.memory_space<semaphore_mem>>) src(%dma_wait3A_169 : memref<12800xf32, #tpu.memory_space<hbm>>) dst(%arg10 : memref<12800xf32, #tpu.memory_space<vmem>>)
    %scan3A_170 = arith.constant 0 : i32
    %scan3A_171 = arith.constant 0 : i32
    %scan3A_172 = arith.constant 100 : i32
    %scan3A_173 = arith.addi %scan3A_171, %scan3A_172 : i32
    %scan3A_174 = arith.constant 1 : i32
    scf.for %scan3A_176 = %scan3A_171 to %scan3A_173 step %scan3A_174  : i32 {
      %mul3A_177 = arith.constant 128 : i32
      %mul3A_178 = arith.muli %scan3A_176, %mul3A_177 : i32
      %add3A_179 = arith.constant 0 : i32
      %add3A_180 = arith.addi %mul3A_178, %add3A_179 : i32
      %get3A = arith.index_cast %add3A_180 : i32 to index
      %get3A_181 = tpu.vector_load %arg9[%get3A] {strides = array<i32>} : memref<12800xi32, #tpu.memory_space<vmem>>, vector<16xi32>,
      %sub3A = vector.broadcast %mul3A_2 : i32 to vector<16xi32>
      %sub3A_182 = arith.subi %get3A_181, %sub3A : vector<16xi32>
      %ge3A = arith.constant 0 : i32
      %ge3A_183 = vector.broadcast %ge3A : i32 to vector<16xi32>
      %ge3A_184 = arith.cmpi sge, %sub3A_182, %ge3A_183 : vector<16xi32>
      %lt3A = arith.constant 32768 : i32
      %lt3A_185 = vector.broadcast %lt3A : i32 to vector<16xi32>
      %lt3A_186 = arith.cmpi slt, %sub3A_182, %lt3A_185 : vector<16xi32>
      %and3A = arith.andi %ge3A_184, %lt3A_186 : vector<16xi1>
      %jit3A = arith.constant 0 : i32
      %broadcast_in_dim3A = vector.broadcast %jit3A : i32 to vector<16xi32>
      %select_n3A = arith.select %and3A, %sub3A_182, %broadcast_in_dim3A : vector<16xi1>, vector<16xi32>
      %get3A_187 = arith.index_cast %add3A_180 : i32 to index
      %get3A_188 = tpu.vector_load %arg10[%get3A_187] {strides = array<i32>} : memref<12800xf32, #tpu.memory_space<vmem>>, vector<16xf32>,
      tpu.vector_store_idx %arg6[%select_n3A], %get3A_188 masked %and3A : memref<32768xf32, #tpu.memory_space<vmem>>[vector<16xi32>], vector<16xf32>, vector<16xi1>
      %mul3A_189 = arith.constant 128 : i32
      %mul3A_190 = arith.muli %scan3A_176, %mul3A_189 : i32
      %add3A_191 = arith.constant 16 : i32
      %add3A_192 = arith.addi %mul3A_190, %add3A_191 : i32
      %get3A_193 = arith.index_cast %add3A_192 : i32 to index
      %get3A_194 = tpu.vector_load %arg9[%get3A_193] {strides = array<i32>} : memref<12800xi32, #tpu.memory_space<vmem>>, vector<16xi32>,
      %sub3A_195 = vector.broadcast %mul3A_2 : i32 to vector<16xi32>
      %sub3A_196 = arith.subi %get3A_194, %sub3A_195 : vector<16xi32>
      %ge3A_197 = arith.constant 0 : i32
      %ge3A_198 = vector.broadcast %ge3A_197 : i32 to vector<16xi32>
      %ge3A_199 = arith.cmpi sge, %sub3A_196, %ge3A_198 : vector<16xi32>
      %lt3A_200 = arith.constant 32768 : i32
      %lt3A_201 = vector.broadcast %lt3A_200 : i32 to vector<16xi32>
      %lt3A_202 = arith.cmpi slt, %sub3A_196, %lt3A_201 : vector<16xi32>
      %and3A_203 = arith.andi %ge3A_199, %lt3A_202 : vector<16xi1>
      %jit3A_204 = arith.constant 0 : i32
      %broadcast_in_dim3A_205 = vector.broadcast %jit3A_204 : i32 to vector<16xi32>
      %select_n3A_206 = arith.select %and3A_203, %sub3A_196, %broadcast_in_dim3A_205 : vector<16xi1>, vector<16xi32>
      %get3A_207 = arith.index_cast %add3A_192 : i32 to index
      %get3A_208 = tpu.vector_load %arg10[%get3A_207] {strides = array<i32>} : memref<12800xf32, #tpu.memory_space<vmem>>, vector<16xf32>,
      tpu.vector_store_idx %arg6[%select_n3A_206], %get3A_208 masked %and3A_203 : memref<32768xf32, #tpu.memory_space<vmem>>[vector<16xi32>], vector<16xf32>, vector<16xi1>
      %mul3A_209 = arith.constant 128 : i32
      %mul3A_210 = arith.muli %scan3A_176, %mul3A_209 : i32
      %add3A_211 = arith.constant 32 : i32
      %add3A_212 = arith.addi %mul3A_210, %add3A_211 : i32
      %get3A_213 = arith.index_cast %add3A_212 : i32 to index
      %get3A_214 = tpu.vector_load %arg9[%get3A_213] {strides = array<i32>} : memref<12800xi32, #tpu.memory_space<vmem>>, vector<16xi32>,
      %sub3A_215 = vector.broadcast %mul3A_2 : i32 to vector<16xi32>
      %sub3A_216 = arith.subi %get3A_214, %sub3A_215 : vector<16xi32>
      %ge3A_217 = arith.constant 0 : i32
      %ge3A_218 = vector.broadcast %ge3A_217 : i32 to vector<16xi32>
      %ge3A_219 = arith.cmpi sge, %sub3A_216, %ge3A_218 : vector<16xi32>
      %lt3A_220 = arith.constant 32768 : i32
      %lt3A_221 = vector.broadcast %lt3A_220 : i32 to vector<16xi32>
      %lt3A_222 = arith.cmpi slt, %sub3A_216, %lt3A_221 : vector<16xi32>
      %and3A_223 = arith.andi %ge3A_219, %lt3A_222 : vector<16xi1>
      %jit3A_224 = arith.constant 0 : i32
      %broadcast_in_dim3A_225 = vector.broadcast %jit3A_224 : i32 to vector<16xi32>
      %select_n3A_226 = arith.select %and3A_223, %sub3A_216, %broadcast_in_dim3A_225 : vector<16xi1>, vector<16xi32>
      %get3A_227 = arith.index_cast %add3A_212 : i32 to index
      %get3A_228 = tpu.vector_load %arg10[%get3A_227] {strides = array<i32>} : memref<12800xf32, #tpu.memory_space<vmem>>, vector<16xf32>,
      tpu.vector_store_idx %arg6[%select_n3A_226], %get3A_228 masked %and3A_223 : memref<32768xf32, #tpu.memory_space<vmem>>[vector<16xi32>], vector<16xf32>, vector<16xi1>
      %mul3A_229 = arith.constant 128 : i32
      %mul3A_230 = arith.muli %scan3A_176, %mul3A_229 : i32
      %add3A_231 = arith.constant 48 : i32
      %add3A_232 = arith.addi %mul3A_230, %add3A_231 : i32
      %get3A_233 = arith.index_cast %add3A_232 : i32 to index
      %get3A_234 = tpu.vector_load %arg9[%get3A_233] {strides = array<i32>} : memref<12800xi32, #tpu.memory_space<vmem>>, vector<16xi32>,
      %sub3A_235 = vector.broadcast %mul3A_2 : i32 to vector<16xi32>
      %sub3A_236 = arith.subi %get3A_234, %sub3A_235 : vector<16xi32>
      %ge3A_237 = arith.constant 0 : i32
      %ge3A_238 = vector.broadcast %ge3A_237 : i32 to vector<16xi32>
      %ge3A_239 = arith.cmpi sge, %sub3A_236, %ge3A_238 : vector<16xi32>
      %lt3A_240 = arith.constant 32768 : i32
      %lt3A_241 = vector.broadcast %lt3A_240 : i32 to vector<16xi32>
      %lt3A_242 = arith.cmpi slt, %sub3A_236, %lt3A_241 : vector<16xi32>
      %and3A_243 = arith.andi %ge3A_239, %lt3A_242 : vector<16xi1>
      %jit3A_244 = arith.constant 0 : i32
      %broadcast_in_dim3A_245 = vector.broadcast %jit3A_244 : i32 to vector<16xi32>
      %select_n3A_246 = arith.select %and3A_243, %sub3A_236, %broadcast_in_dim3A_245 : vector<16xi1>, vector<16xi32>
      %get3A_247 = arith.index_cast %add3A_232 : i32 to index
      %get3A_248 = tpu.vector_load %arg10[%get3A_247] {strides = array<i32>} : memref<12800xf32, #tpu.memory_space<vmem>>, vector<16xf32>,
      tpu.vector_store_idx %arg6[%select_n3A_246], %get3A_248 masked %and3A_243 : memref<32768xf32, #tpu.memory_space<vmem>>[vector<16xi32>], vector<16xf32>, vector<16xi1>
      %mul3A_249 = arith.constant 128 : i32
      %mul3A_250 = arith.muli %scan3A_176, %mul3A_249 : i32
      %add3A_251 = arith.constant 64 : i32
      %add3A_252 = arith.addi %mul3A_250, %add3A_251 : i32
      %get3A_253 = arith.index_cast %add3A_252 : i32 to index
      %get3A_254 = tpu.vector_load %arg9[%get3A_253] {strides = array<i32>} : memref<12800xi32, #tpu.memory_space<vmem>>, vector<16xi32>,
      %sub3A_255 = vector.broadcast %mul3A_2 : i32 to vector<16xi32>
      %sub3A_256 = arith.subi %get3A_254, %sub3A_255 : vector<16xi32>
      %ge3A_257 = arith.constant 0 : i32
      %ge3A_258 = vector.broadcast %ge3A_257 : i32 to vector<16xi32>
      %ge3A_259 = arith.cmpi sge, %sub3A_256, %ge3A_258 : vector<16xi32>
      %lt3A_260 = arith.constant 32768 : i32
      %lt3A_261 = vector.broadcast %lt3A_260 : i32 to vector<16xi32>
      %lt3A_262 = arith.cmpi slt, %sub3A_256, %lt3A_261 : vector<16xi32>
      %and3A_263 = arith.andi %ge3A_259, %lt3A_262 : vector<16xi1>
      %jit3A_264 = arith.constant 0 : i32
      %broadcast_in_dim3A_265 = vector.broadcast %jit3A_264 : i32 to vector<16xi32>
      %select_n3A_266 = arith.select %and3A_263, %sub3A_256, %broadcast_in_dim3A_265 : vector<16xi1>, vector<16xi32>
      %get3A_267 = arith.index_cast %add3A_252 : i32 to index
      %get3A_268 = tpu.vector_load %arg10[%get3A_267] {strides = array<i32>} : memref<12800xf32, #tpu.memory_space<vmem>>, vector<16xf32>,
      tpu.vector_store_idx %arg6[%select_n3A_266], %get3A_268 masked %and3A_263 : memref<32768xf32, #tpu.memory_space<vmem>>[vector<16xi32>], vector<16xf32>, vector<16xi1>
      %mul3A_269 = arith.constant 128 : i32
      %mul3A_270 = arith.muli %scan3A_176, %mul3A_269 : i32
      %add3A_271 = arith.constant 80 : i32
      %add3A_272 = arith.addi %mul3A_270, %add3A_271 : i32
      %get3A_273 = arith.index_cast %add3A_272 : i32 to index
      %get3A_274 = tpu.vector_load %arg9[%get3A_273] {strides = array<i32>} : memref<12800xi32, #tpu.memory_space<vmem>>, vector<16xi32>,
      %sub3A_275 = vector.broadcast %mul3A_2 : i32 to vector<16xi32>
      %sub3A_276 = arith.subi %get3A_274, %sub3A_275 : vector<16xi32>
      %ge3A_277 = arith.constant 0 : i32
      %ge3A_278 = vector.broadcast %ge3A_277 : i32 to vector<16xi32>
      %ge3A_279 = arith.cmpi sge, %sub3A_276, %ge3A_278 : vector<16xi32>
      %lt3A_280 = arith.constant 32768 : i32
      %lt3A_281 = vector.broadcast %lt3A_280 : i32 to vector<16xi32>
      %lt3A_282 = arith.cmpi slt, %sub3A_276, %lt3A_281 : vector<16xi32>
      %and3A_283 = arith.andi %ge3A_279, %lt3A_282 : vector<16xi1>
      %jit3A_284 = arith.constant 0 : i32
      %broadcast_in_dim3A_285 = vector.broadcast %jit3A_284 : i32 to vector<16xi32>
      %select_n3A_286 = arith.select %and3A_283, %sub3A_276, %broadcast_in_dim3A_285 : vector<16xi1>, vector<16xi32>
      %get3A_287 = arith.index_cast %add3A_272 : i32 to index
      %get3A_288 = tpu.vector_load %arg10[%get3A_287] {strides = array<i32>} : memref<12800xf32, #tpu.memory_space<vmem>>, vector<16xf32>,
      tpu.vector_store_idx %arg6[%select_n3A_286], %get3A_288 masked %and3A_283 : memref<32768xf32, #tpu.memory_space<vmem>>[vector<16xi32>], vector<16xf32>, vector<16xi1>
      %mul3A_289 = arith.constant 128 : i32
      %mul3A_290 = arith.muli %scan3A_176, %mul3A_289 : i32
      %add3A_291 = arith.constant 96 : i32
      %add3A_292 = arith.addi %mul3A_290, %add3A_291 : i32
      %get3A_293 = arith.index_cast %add3A_292 : i32 to index
      %get3A_294 = tpu.vector_load %arg9[%get3A_293] {strides = array<i32>} : memref<12800xi32, #tpu.memory_space<vmem>>, vector<16xi32>,
      %sub3A_295 = vector.broadcast %mul3A_2 : i32 to vector<16xi32>
      %sub3A_296 = arith.subi %get3A_294, %sub3A_295 : vector<16xi32>
      %ge3A_297 = arith.constant 0 : i32
      %ge3A_298 = vector.broadcast %ge3A_297 : i32 to vector<16xi32>
      %ge3A_299 = arith.cmpi sge, %sub3A_296, %ge3A_298 : vector<16xi32>
      %lt3A_300 = arith.constant 32768 : i32
      %lt3A_301 = vector.broadcast %lt3A_300 : i32 to vector<16xi32>
      %lt3A_302 = arith.cmpi slt, %sub3A_296, %lt3A_301 : vector<16xi32>
      %and3A_303 = arith.andi %ge3A_299, %lt3A_302 : vector<16xi1>
      %jit3A_304 = arith.constant 0 : i32
      %broadcast_in_dim3A_305 = vector.broadcast %jit3A_304 : i32 to vector<16xi32>
      %select_n3A_306 = arith.select %and3A_303, %sub3A_296, %broadcast_in_dim3A_305 : vector<16xi1>, vector<16xi32>
      %get3A_307 = arith.index_cast %add3A_292 : i32 to index
      %get3A_308 = tpu.vector_load %arg10[%get3A_307] {strides = array<i32>} : memref<12800xf32, #tpu.memory_space<vmem>>, vector<16xf32>,
      tpu.vector_store_idx %arg6[%select_n3A_306], %get3A_308 masked %and3A_303 : memref<32768xf32, #tpu.memory_space<vmem>>[vector<16xi32>], vector<16xf32>, vector<16xi1>
      %mul3A_309 = arith.constant 128 : i32
      %mul3A_310 = arith.muli %scan3A_176, %mul3A_309 : i32
      %add3A_311 = arith.constant 112 : i32
      %add3A_312 = arith.addi %mul3A_310, %add3A_311 : i32
      %get3A_313 = arith.index_cast %add3A_312 : i32 to index
      %get3A_314 = tpu.vector_load %arg9[%get3A_313] {strides = array<i32>} : memref<12800xi32, #tpu.memory_space<vmem>>, vector<16xi32>,
      %sub3A_315 = vector.broadcast %mul3A_2 : i32 to vector<16xi32>
      %sub3A_316 = arith.subi %get3A_314, %sub3A_315 : vector<16xi32>
      %ge3A_317 = arith.constant 0 : i32
      %ge3A_318 = vector.broadcast %ge3A_317 : i32 to vector<16xi32>
      %ge3A_319 = arith.cmpi sge, %sub3A_316, %ge3A_318 : vector<16xi32>
      %lt3A_320 = arith.constant 32768 : i32
      %lt3A_321 = vector.broadcast %lt3A_320 : i32 to vector<16xi32>
      %lt3A_322 = arith.cmpi slt, %sub3A_316, %lt3A_321 : vector<16xi32>
      %and3A_323 = arith.andi %ge3A_319, %lt3A_322 : vector<16xi1>
      %jit3A_324 = arith.constant 0 : i32
      %broadcast_in_dim3A_325 = vector.broadcast %jit3A_324 : i32 to vector<16xi32>
      %select_n3A_326 = arith.select %and3A_323, %sub3A_316, %broadcast_in_dim3A_325 : vector<16xi1>, vector<16xi32>
      %get3A_327 = arith.index_cast %add3A_312 : i32 to index
      %get3A_328 = tpu.vector_load %arg10[%get3A_327] {strides = array<i32>} : memref<12800xf32, #tpu.memory_space<vmem>>, vector<16xf32>,
      tpu.vector_store_idx %arg6[%select_n3A_326], %get3A_328 masked %and3A_323 : memref<32768xf32, #tpu.memory_space<vmem>>[vector<16xi32>], vector<16xf32>, vector<16xi1>
    }
    %scan3A_175 = arith.constant 100 : i32
    "tpu.region"() ({
      %run_scoped3A = tpu.sem_alloc : memref<!tpu.dma_semaphore, #tpu.memory_space<semaphore_mem>>
      %dma_start3A_176 = tpu.memref_slice %arg5[%mul3A_2] : memref<1048576xf32, #tpu.memory_space<hbm>> -> memref<32768xf32, #tpu.memory_space<hbm>>
      %dma_start3A_177 = tpu.memref_slice %arg5[%mul3A_2] : memref<1048576xf32, #tpu.memory_space<hbm>> -> memref<32768xf32, #tpu.memory_space<hbm>>
      tpu.enqueue_dma source(%arg6 : memref<32768xf32, #tpu.memory_space<vmem>>) target(%dma_start3A_177 : memref<32768xf32, #tpu.memory_space<hbm>>) target_semaphore(%run_scoped3A : memref<!tpu.dma_semaphore, #tpu.memory_space<semaphore_mem>>)
      %dma_wait3A_178 = tpu.memref_slice %arg5[%mul3A_2] : memref<1048576xf32, #tpu.memory_space<hbm>> -> memref<32768xf32, #tpu.memory_space<hbm>>
      %dma_wait3A_179 = tpu.memref_slice %arg5[%mul3A_2] : memref<1048576xf32, #tpu.memory_space<hbm>> -> memref<32768xf32, #tpu.memory_space<hbm>>
      tpu.wait_dma2 semaphore(%run_scoped3A : memref<!tpu.dma_semaphore, #tpu.memory_space<semaphore_mem>>) src(%arg6 : memref<32768xf32, #tpu.memory_space<vmem>>) dst(%dma_wait3A_179 : memref<32768xf32, #tpu.memory_space<hbm>>)
      tpu.yield
    }) : () -> ()
    return
  }
}

module attributes {stable_mosaic.version = 14 : i64} {
  func.func @_elem_body(%arg0: i32, %arg1: memref<1024x128xf32, #tpu.memory_space<vmem>>, %arg2: memref<1024x128xi8, #tpu.memory_space<vmem>>, %arg3: memref<1024x128xi8, #tpu.memory_space<vmem>>, %arg4: memref<1024x128xf32, #tpu.memory_space<vmem>>, %arg5: memref<1024x128xf32, #tpu.memory_space<vmem>>) attributes {dimension_semantics = [#tpu.dimension_semantics<arbitrary>], iteration_bounds = array<i64: 8>, scalar_prefetch = 0 : i64, scratch_operands = 0 : i64, tpu.core_type = #tpu.core_type<tc>, window_params = [{transform_indices = @transform_0, window_bounds = array<i64: 1024, 128>}, {transform_indices = @transform_1, window_bounds = array<i64: 1024, 128>}, {transform_indices = @transform_2, window_bounds = array<i64: 1024, 128>}, {transform_indices = @transform_3, window_bounds = array<i64: 1024, 128>}, {transform_indices = @transform_4, window_bounds = array<i64: 1024, 128>}]} {
    %get3A = arith.constant 0 : index
    %get3A_0 = arith.constant 0 : index
    %get3A_1 = vector.load %arg1[%get3A, %get3A_0] : memref<1024x128xf32, #tpu.memory_space<vmem>>, vector<1024x128xf32>
    %get3A_2 = arith.constant 0 : index
    %get3A_3 = arith.constant 0 : index
    %get3A_4 = vector.load %arg2[%get3A_2, %get3A_3] : memref<1024x128xi8, #tpu.memory_space<vmem>>, vector<1024x128xi8>
    %ne3A = arith.constant 0 : i8
    %ne3A_5 = vector.broadcast %ne3A : i8 to vector<1024x128xi8>
    %ne3A_6 = arith.cmpi ne, %get3A_4, %ne3A_5 : vector<1024x128xi8>
    %get3A_7 = arith.constant 0 : index
    %get3A_8 = arith.constant 0 : index
    %get3A_9 = vector.load %arg3[%get3A_7, %get3A_8] : memref<1024x128xi8, #tpu.memory_space<vmem>>, vector<1024x128xi8>
    %ne3A_10 = arith.constant 0 : i8
    %ne3A_11 = vector.broadcast %ne3A_10 : i8 to vector<1024x128xi8>
    %ne3A_12 = arith.cmpi ne, %get3A_9, %ne3A_11 : vector<1024x128xi8>
    %jit3A = arith.constant 0.000000e+00 : f32
    %broadcast_in_dim3A = vector.broadcast %jit3A : f32 to vector<1024x128xf32>
    %select_n3A = arith.select %ne3A_6, %broadcast_in_dim3A, %get3A_1 : vector<1024x128xi1>, vector<1024x128xf32>
    %get3A_13 = arith.constant 0 : index
    %get3A_14 = arith.constant 0 : index
    %get3A_15 = vector.load %arg4[%get3A_13, %get3A_14] : memref<1024x128xf32, #tpu.memory_space<vmem>>, vector<1024x128xf32>
    %add3A = arith.addf %select_n3A, %get3A_15 : vector<1024x128xf32>
    %select_n3A_16 = arith.select %ne3A_12, %add3A, %select_n3A : vector<1024x128xi1>, vector<1024x128xf32>
    %swap3A = arith.constant 0 : index
    %swap3A_17 = arith.constant 0 : index
    %swap3A_18 = vector.load %arg5[%swap3A, %swap3A_17] : memref<1024x128xf32, #tpu.memory_space<vmem>>, vector<1024x128xf32>
    tpu.vector_store %arg5[%swap3A, %swap3A_17], %select_n3A_16 {strides = array<i32>} : memref<1024x128xf32, #tpu.memory_space<vmem>>, vector<1024x128xf32>,
    return
  }
  func.func @transform_0(%arg0: i32) -> (i32, i32) {
    %c0_i32 = arith.constant 0 : i32
    %c0_i32_0 = arith.constant 0 : i32
    return %arg0, %c0_i32 : i32, i32
  }
  func.func @transform_1(%arg0: i32) -> (i32, i32) {
    %c0_i32 = arith.constant 0 : i32
    %c0_i32_0 = arith.constant 0 : i32
    return %arg0, %c0_i32 : i32, i32
  }
  func.func @transform_2(%arg0: i32) -> (i32, i32) {
    %c0_i32 = arith.constant 0 : i32
    %c0_i32_0 = arith.constant 0 : i32
    return %arg0, %c0_i32 : i32, i32
  }
  func.func @transform_3(%arg0: i32) -> (i32, i32) {
    %c0_i32 = arith.constant 0 : i32
    %c0_i32_0 = arith.constant 0 : i32
    return %arg0, %c0_i32 : i32, i32
  }
  func.func @transform_4(%arg0: i32) -> (i32, i32) {
    %c0_i32 = arith.constant 0 : i32
    %c0_i32_0 = arith.constant 0 : i32
    return %arg0, %c0_i32 : i32, i32
  }
}

</mosaic_0001>

<sc_bundles>
// kernel: kernel.5.cloned.1.call-start
scs
__scs_entry_jumppad:
0x0: {  	(pc) =	sbr.rel $0x88, $3  }
0x1: {  	(tag) =	ssettag $0x0;
	lr =	simm.s32 $0x1  }
0x2: {  	[smem:$0x3F9C] =	sst lr;
	_ =	strace $0xD0000000  }
0x3: {  	_ = 	snop  }
0x4: {  	_ = 	snop  }
0x5: {  	_ = 	snop  }
0x6: {  	_ = 	snop  }
0x7: {  	_ = 	snop  }
__scs_overlays_trampoline_lowered:
0x8: {  	[smem:$0x3FAB] =	sst s0  }
0x9: {  	[smem:$0x3FAC] =	sst s1  }
0xa: {  	[smem:$0x3FAD] =	sst s2  }
0xb: {  	[smem:$0x3FAE] =	sst s3  }
0xc: {  	[smem:$0x3FAF] =	sst s4  }
0xd: {  	[smem:$0x3FB0] =	sst s5  }
0xe: {  	[smem:$0x3FB1] =	sst s6  }
0xf: {  	[smem:$0x3FB2] =	sst s7  }
0x10: {  	[smem:$0x3FB3] =	sst s8  }
0x11: {  	[smem:$0x3FB4] =	sst s9;
	s0 =	simm.s32 @!p0 $0x0  }
0x12: {  	s1 =	sld [smem:$0x3F9A];
	s0 =	simm.s32 @p0 $0x1  }
0x13: {  	[smem:$0x3FB5] =	sst s0;
	s0 =	simm.s32 @!p1 $0x0  }
0x14: {  	s2 =	sld [smem:$0x3F99];
	s0 =	simm.s32 @p1 $0x1  }
0x15: {  	[smem:$0x3FB6] =	sst s0;
	s0 =	simm.s32 @!p2 $0x0  }
0x16: {  	s3 =	sld [smem:$0x3FDB];
	s0 =	simm.s32 @p2 $0x1  }
0x17: {  	s4 =	simm.s32 $0x1BF5;
	[smem:$0x3FB8] =	sst s0  }
0x18: {  	s0 =	sld [smem:$0x3F9B];
	_ =	swait.ge [sflag:s4], $0x0  }
0x19: {  	s7 =	sld [smem:$0x3F9C]  }
0x1a: {  	s8 =	sadd.s32 $0xFFFFE003, lr  }
0x1b: {  	s9 =	sadd.s32 $0xFFFFFEF7, lr;
	s5 =	simm.s32 $0xFFFFFFFF;
	p2 =	slt.u32 s8, $0xFFFFF086  }
0x1c: {  	p1 =	slt.u32 s9, $0xF7A;
	s5 =	simm.s32 @!p2 $0x0  }
0x1d: {  	s5 =	simm.s32 @p1 $0x1;
	p0 =	seq.s32 s7, s2  }
0x1e: {  	s7 =	smul.u32 @!p0 $0xF7A, s2;
	p2 =	seq.s32 @!p0 s5, $0x0  }
0x1f: {  	s9 =	smul.u32 $0xF7A, s1;
	s8 =	simm.s32 @!p0 $0x1BF5;
	p2 =	por !p2, p0  }
0x20: {  	[sflag:s8] =	ssyncset.s32 @!p0 $0xFFFFF086;
	s6 =	sadd.s32 @!p0 s3, s7;
	s7 =	simm.s32 @!p0 $0x108  }
0x21: {  	s3 =	sadd.s32 s3, s9;
	s6 =	sadd.s32 @!p0 $0x88, s6;
	s7 =	simm.s32 @p2 $0x1082  }
0x22: {  	[simem:s7], [sflag:s8] =	dma.local @!p0 [hbm:s6], $0xF7A  }
0x23: {  	s9 =	sor.u32 $0xD0000000, s2;
	s6 =	simm.s32 $0x108;
	_ =	swait.ge @!p0 [sflag:s8], $0x0  }
0x24: {  	s3 =	sadd.s32 $0x88, s3;
	s6 =	simm.s32 @!p1 $0x1082;
	[sflag:s4] =	ssyncset.s32 $0xFFFFF086  }
0x25: {  	[simem:s6], [sflag:s4] =	dma.local [hbm:s3], $0xF7A  }
0x26: {  	[smem:$0x3F9C] =	sst s1;
	(tag) =	ssettag s2;
	_ =	strace s9  }
0x27: {  	s1 =	sld [smem:$0x3FAC]  }
0x28: {  	s2 =	sld [smem:$0x3FAD]  }
0x29: {  	s4 =	sld [smem:$0x3FAF]  }
0x2a: {  	p0 =	seq.s32 s5, $0x0;
	s5 =	sld [smem:$0x3FB0]  }
0x2b: {  	s6 =	sld [smem:$0x3FB1]  }
0x2c: {  	s7 =	sld [smem:$0x3FB2]  }
0x2d: {  	s3 =	simm.s32 $0x108;
	s8 =	sld [smem:$0x3FB3]  }
0x2e: {  	s3 =	simm.s32 @!p0 $0x1082;
	s9 =	sld [smem:$0x3FB4]  }
0x2f: {  	lr =	sadd.s32 s0, s3;
	s0 =	sld [smem:$0x3FAB]  }
0x30: {  	s3 =	sld [smem:$0x3FAE]  }
0x31: {  	[smem:$0x3FB7] =	sst s10  }
0x32: {  	s10 =	sld [smem:$0x3FB5];
	_ =	sdelay $0x3  }
0x33: {  	p0 =	seq.s32 s10, $0x1;
	s10 =	sld [smem:$0x3FB7];
	_ =	sdelay $0x3  }
0x34: {  	[smem:$0x3FB7] =	sst s10  }
0x35: {  	s10 =	sld [smem:$0x3FB6];
	_ =	sdelay $0x3  }
0x36: {  	p1 =	seq.s32 s10, $0x1;
	s10 =	sld [smem:$0x3FB7];
	_ =	sdelay $0x3  }
0x37: {  	[smem:$0x3FB7] =	sst s10  }
0x38: {  	s10 =	sld [smem:$0x3FB8]  }
0x39: {  	_ = 	snop;
	(pc) =	sbr.ind lr, $3  }
0x3a: {  	_ = 	snop  }
0x3b: {  	_ = 	snop  }
0x3c: {  	p2 =	seq.s32 s10, $0x1;
	s10 =	sld [smem:$0x3FB7]  }
0x3d: {  	_ =	shalt  }
0x3e: {  	_ =	shalt  }
0x3f: {  	_ =	shalt  }
0x40: {  	_ =	shalt  }
0x41: {  	_ =	shalt  }
0x42: {  	_ =	shalt  }
0x43: {  	_ =	shalt  }
0x44: {  	_ =	shalt  }
0x45: {  	_ =	shalt  }
0x46: {  	_ =	shalt  }
0x47: {  	_ =	shalt  }
0x48: {  	_ =	shalt  }
0x49: {  	_ =	shalt  }
0x4a: {  	_ =	shalt  }
0x4b: {  	_ =	shalt  }
0x4c: {  	_ =	shalt  }
0x4d: {  	_ =	shalt  }
0x4e: {  	_ =	shalt  }
0x4f: {  	_ =	shalt  }
0x50: {  	_ =	shalt  }
0x51: {  	_ =	shalt  }
0x52: {  	_ =	shalt  }
0x53: {  	_ =	shalt  }
0x54: {  	_ =	shalt  }
0x55: {  	_ =	shalt  }
0x56: {  	_ =	shalt  }
0x57: {  	_ =	shalt  }
0x58: {  	_ =	shalt  }
0x59: {  	_ =	shalt  }
0x5a: {  	_ =	shalt  }
0x5b: {  	_ =	shalt  }
0x5c: {  	_ =	shalt  }
0x5d: {  	_ =	shalt  }
0x5e: {  	_ =	shalt  }
0x5f: {  	_ =	shalt  }
0x60: {  	_ =	shalt  }
0x61: {  	_ =	shalt  }
0x62: {  	_ =	shalt  }
0x63: {  	_ =	shalt  }
0x64: {  	_ =	shalt  }
0x65: {  	_ =	shalt  }
0x66: {  	_ =	shalt  }
0x67: {  	_ =	shalt  }
0x68: {  	_ =	shalt  }
0x69: {  	_ =	shalt  }
0x6a: {  	_ =	shalt  }
0x6b: {  	_ =	shalt  }
0x6c: {  	_ =	shalt  }
0x6d: {  	_ =	shalt  }
0x6e: {  	_ =	shalt  }
0x6f: {  	_ =	shalt  }
0x70: {  	_ =	shalt  }
0x71: {  	_ =	shalt  }
0x72: {  	_ =	shalt  }
0x73: {  	_ =	shalt  }
0x74: {  	_ =	shalt  }
0x75: {  	_ =	shalt  }
0x76: {  	_ =	shalt  }
0x77: {  	_ =	shalt  }
0x78: {  	_ =	shalt  }
0x79: {  	_ =	shalt  }
0x7a: {  	_ =	shalt  }
0x7b: {  	_ =	shalt  }
0x7c: {  	_ =	shalt  }
0x7d: {  	_ =	shalt  }
0x7e: {  	_ =	shalt  }
0x7f: {  	_ =	shalt  }
0x80: {  	_ =	shalt  }
0x81: {  	_ =	shalt  }
0x82: {  	_ =	shalt  }
0x83: {  	_ =	shalt  }
0x84: {  	_ =	shalt  }
0x85: {  	_ =	shalt  }
0x86: {  	_ =	shalt  }
0x87: {  	_ =	shalt  }
.Lfunc_end0:
.L_simem_size_0:
called_computation_lowered:
.L_overlay_start_0:
0x88: {  	s2 =	sld [smem:$0x3FD9]  }
0x89: {  	s3 =	sld [smem:$0x3FFE];
	_ =	sdelay $0x1  }
0x8a: {  	s1 =	srdreg.scid  }
0x8b: {  	s0 =	sand.u32 $0x1, s1  }
0x8c: {  	s16 =	sshll.u32 s0, $0xA;
	s2 =	sadd.s32 s3, s2  }
0x8d: {  	s2 =	sadd.s32 s2, s16  }
0x8e: {  	[smem:$0x3FC3] =	sst s2  }
0x8f: {  	_ = 	snop  }
0x90: {  	(tm) =	ssettm $0x1  }
0x91: {  	s17 =	sld [smem:$0x3FFB];
	_ =	sdelay $0x3  }
0x92: {  	_ =	strace s17  }
0x93: {  	s2 =	sld [smem:$0x3FFC];
	_ =	sdelay $0x3  }
0x94: {  	_ =	strace s2  }
0x95: {  	s2 =	sld [smem:$0x3FFD];
	_ =	sdelay $0x3  }
0x96: {  	_ =	strace s2  }
0x97: {  	_ =	strace $0x8FFFFFFF  }
0x98: {  	s18 =	sld [smem:$0x3FDB];
	_ =	sdelay $0x1  }
0x99: {  	s19 =	simm.s32 $_scs_section_size  }
0x9a: {  	s4 =	simm.s32 $_size__tile_overlayer_lowered;
	s5 =	simm.s32 $_tile_overlayer_lowered  }
0x9b: {  	s22 =	simm.s32 $0x1BFF;
	s21 =	sshll.u32 s5, $0x1;
	s2 =	sadd.s32 s19, s18  }
0x9c: {  	s6 =	simm.s32 $0x0;
	s20 =	sshll.u32 s4, $0x1;
	s4 =	sadd.s32 s21, s2  }
0x9d: {  	[timem:s6], [sflag:s22] =	dma.local [hbm:s4], s20  }
0x9e: {  	_ =	swait.ge [sflag:s22], s20  }
0x9f: {  	s3 =	ssub.s32 $0x0, s20;
	[sflag:s22] =	ssyncset.done $0x0  }
0xa0: {  	[sflag:s22] =	ssyncadd.s32 s3;
	_ =	sdelay $0x1  }
0xa1: {  	s23 =	simm.s32 $0x1B8B  }
0xa2: {  	_ =	swait.ge [sflag:s23], $0x1  }
0xa3: {  	[sflag:s23] =	ssyncset.done $0x0  }
0xa4: {  	s25 =	simm.s32 $0x1B8E;
	s24 =	sld [smem:$0x3FFE];
	[sflag:s23] =	ssyncadd.s32 $0xFFFFFFFF  }
0xa5: {  	s26 =	simm.s32 $execute0_lowered;
	[smem:$0x3FD2] =	sst s25  }
0xa6: {  	s4 =	sshll.u32 s26, $0x1;
	_ =	strace $0x80000046;
	[dreg:$0x1] =	wrdreg $0xFFFFFFFF  }
0xa7: {  	s28 =	simm.s32 $_size_execute0_lowered;
	s2 =	sadd.s32 s2, s4;
	[dreg:$0x0] =	wrdreg $0x0  }
0xa8: {  	s4 =	sshll.u32 s28, $0x1;
	[dreg:$0x2] =	wrdreg s2  }
0xa9: {  	[dreg:$0x3] =	wrdreg s4  }
0xaa: {  	[dreg:$0x4] =	wrdreg $0xC0  }
0xab: {  	_ =	task [dreg:s6], $0x5FFFF  }
0xac: {  	[dreg:$0x1] =	wrdreg $0xFFFFFFFF  }
0xad: {  	[dreg:$0x0] =	wrdreg $0x60  }
0xae: {  	[dreg:$0x2] =	wrdreg s24  }
0xaf: {  	[dreg:$0x3] =	wrdreg $0x9  }
0xb0: {  	_ =	task.clear_ibuf [dreg:s6], $0x4FFFF;
	_ =	strace $0x90000046  }
0xb1: {  	s29 =	simm.s32 $0x9;
	_ =	strace $0x80000048  }
0xb2: {  	_ =	swait.ge [sflag:s29], $0x1  }
0xb3: {  	[sflag:s29] =	ssyncadd.s32 $0xFFFFFFFF  }
0xb4: {  	_ =	strace $0x90000048  }
0xb5: {  	_ =	sfence  }
0xb6: {  	s30 =	sld [smem:$0x0];
	_ =	sdelay $0x2  }
0xb7: {  	s31 =	sshll.u32 s1, $0xD;
	s1 =	sshrl.u32 s1, $0x2  }
0xb8: {  	s3 =	sand.u32 $0x4000, s31;
	s1 =	sadd.s32 s1, s30  }
0xb9: {  	s0 =	sor.u32 s3, s0;
	s1 =	sshll.u32 s1, $0x11  }
0xba: {  	s0 =	sor.u32 s1, s0  }
0xbb: {  	s0 =	sadd.s32 $0x8F2B, s0  }
0xbc: {  	[sflag:s0] =	ssyncadd.remote.s32 $0x1  }
0xbd: {  	_ =	sfence.sel $0xFFFF  }
0xbe: {  	[dreg:$0x0] =	wrdreg $0xFFFFFFFF;
	(pc) =	sbr.abs _section_cstart, $3  }
0xbf: {  	[dreg:$0x1] =	wrdreg $0xFFFFFFFF  }
0xc0: {  	_ =	task.clear_ibuf [dreg:s6], $0x2FFFF;
	_ =	strace $0x9FFFFFFF  }
0xc1: {  	(tm) =	ssettm $0x7FFFFFFF  }
tec
execute0_lowered:
.L_overlay_start_1:
0x0: {  	(tag) =	ssettag $0x1  }
0x1: {  	s0 =	srdreg.scid;
	s2 =	stileid.u32  }
0x2: {  	s1 =	sand.u32 $0x1, s0;
	s22 =	sshll.u32 s2, $0x1  }
0x3: {  	s2 =	sor.u32 s1, s22  }
0x4: {  	s0 =	rddreg [dreg:$0x0];
	s3 =	smul.u32 $0x190, s2;
	s2 =	simm.s32 $0x0  }
0x5: {  	s23 =	simm.s32 $0xD00;
	[smem:$0x7FF] =	sst s2  }
0x6: {  	s24 =	simm.s32 $0x100;
	_ =	strace $0x80000047;
	[dreg:$0x4] =	wrdreg s23  }
0x7: {  	s25 =	simm.s32 $0xD80;
	[dreg:$0x5] =	wrdreg s24  }
0x8: {  	s26 =	simm.s32 $0x180;
	[dreg:$0x6] =	wrdreg s25  }
0x9: {  	s5 =	simm.s32 $0x200;
	[dreg:$0x7] =	wrdreg s26  }
0xa: {  	s6 =	simm.s32 $0xE80;
	[dreg:$0x9] =	wrdreg s5  }
0xb: {  	s7 =	simm.s32 $0x280;
	[dreg:$0xa] =	wrdreg s6  }
0xc: {  	s8 =	simm.s32 $0xF00;
	[dreg:$0xb] =	wrdreg s7  }
0xd: {  	s9 =	simm.s32 $0x300;
	[dreg:$0xc] =	wrdreg s8  }
0xe: {  	s10 =	simm.s32 $0xF80;
	[dreg:$0xd] =	wrdreg s9  }
0xf: {  	s11 =	simm.s32 $0x380;
	[dreg:$0xe] =	wrdreg s10  }
0x10: {  	s12 =	simm.s32 $0x1000;
	[dreg:$0xf] =	wrdreg s11  }
0x11: {  	s13 =	simm.s32 $0x400;
	[dreg:$0x10] =	wrdreg s12  }
0x12: {  	s14 =	simm.s32 $0x1080;
	[dreg:$0x11] =	wrdreg s13  }
0x13: {  	s15 =	simm.s32 $0x480;
	[dreg:$0x12] =	wrdreg s14  }
0x14: {  	s16 =	simm.s32 $0x1100;
	[dreg:$0x13] =	wrdreg s15  }
0x15: {  	s17 =	simm.s32 $0x500;
	[dreg:$0x14] =	wrdreg s16  }
0x16: {  	s18 =	simm.s32 $0x1180;
	[dreg:$0x15] =	wrdreg s17  }
0x17: {  	s19 =	simm.s32 $0x580;
	[dreg:$0x16] =	wrdreg s18  }
0x18: {  	s20 =	simm.s32 $0x1200;
	[dreg:$0x17] =	wrdreg s19  }
0x19: {  	s21 =	simm.s32 $0x600;
	[dreg:$0x18] =	wrdreg s20  }
0x1a: {  	s22 =	simm.s32 $0x1280;
	[dreg:$0x19] =	wrdreg s21  }
0x1b: {  	s3 =	sadd.s32 s3, s0;
	[dreg:$0x1a] =	wrdreg s22;
	s5 =	simm.s32 $0x680  }
0x1c: {  	s4 =	sadd.s32 $0xA00, s3;
	[dreg:$0x1b] =	wrdreg s5  }
0x1d: {  	s3 =	sadd.s32 $0x23C00, s3;
	[dreg:$0x2] =	wrdreg s4  }
0x1e: {  	[dreg:$0x3] =	wrdreg s3;
	s4 =	simm.s32 $0xE00  }
0x1f: {  	[dreg:$0x8] =	wrdreg s4  }
0x20: {  	s3 =	simm.s32 $0x2;
	s4 =	rddreg [dreg:$0x2]  }
0x21: {  	[tilespmem:s2], [sflag:$0x2] =	stream.linear.gather [hbm4b:s4+s2], $0xC80, $0x38;
	[tilespmem:$0x1900] =	vst v63  }
0x22: {  	_ =	swait.ge [sflag:s3], $0xC80  }
0x23: {  	s7 =	rddreg [dreg:$0x1a]  }
0x24: {  	s8 =	rddreg [dreg:$0x18]  }
0x25: {  	s9 =	rddreg [dreg:$0x16]  }
0x26: {  	s10 =	rddreg [dreg:$0x14]  }
0x27: {  	s11 =	rddreg [dreg:$0x12]  }
0x28: {  	s12 =	rddreg [dreg:$0x10]  }
0x29: {  	s13 =	rddreg [dreg:$0xe]  }
0x2a: {  	s14 =	rddreg [dreg:$0xc]  }
0x2b: {  	s6 =	simm.s32 $0x80;
	s15 =	rddreg [dreg:$0xa]  }
0x2c: {  	s5 =	sadd.s32 $0x3C00, s0;
	s23 =	rddreg [dreg:$0x5];
	[sflag:s3] =	ssyncset.done $0x0  }
0x2d: {  	s4 =	simm.s32 $0xC80;
	s16 =	rddreg [dreg:$0x4];
	[sflag:s3] =	ssyncadd.s32 $0xFFFFF380  }
0x2e: {  	[tilespmem:s4], [sflag:$0x1] =	stream.indirect.gather [hbm4b:s5+s6], $0x1, s2, s6, $0xb8;
	[tilespmem:$0x1900] =	vst v63  }
0x2f: {  	s17 =	rddreg [dreg:$0x6]  }
0x30: {  	[tilespmem:s16], [sflag:$0x1] =	stream.indirect.gather [hbm4b:s5+s6], $0x1, s6, s6, $0xb8;
	[tilespmem:$0x1900] =	vst v63  }
0x31: {  	s18 =	rddreg [dreg:$0x8]  }
0x32: {  	[tilespmem:s17], [sflag:$0x1] =	stream.indirect.gather [hbm4b:s5+s6], $0x1, s23, s6, $0xb8;
	[tilespmem:$0x1900] =	vst v63  }
0x33: {  	s24 =	rddreg [dreg:$0x7]  }
0x34: {  	[tilespmem:s18], [sflag:$0x1] =	stream.indirect.gather [hbm4b:s5+s6], $0x1, s24, s6, $0xb8;
	[tilespmem:$0x1900] =	vst v63  }
0x35: {  	s25 =	rddreg [dreg:$0x9]  }
0x36: {  	[tilespmem:s15], [sflag:$0x1] =	stream.indirect.gather [hbm4b:s5+s6], $0x1, s25, s6, $0xb8;
	[tilespmem:$0x1900] =	vst v63  }
0x37: {  	s26 =	rddreg [dreg:$0xb]  }
0x38: {  	[tilespmem:s14], [sflag:$0x1] =	stream.indirect.gather [hbm4b:s5+s6], $0x1, s26, s6, $0xb8;
	[tilespmem:$0x1900] =	vst v63  }
0x39: {  	s15 =	rddreg [dreg:$0xd]  }
0x3a: {  	[tilespmem:s13], [sflag:$0x1] =	stream.indirect.gather [hbm4b:s5+s6], $0x1, s15, s6, $0xb8;
	[tilespmem:$0x1900] =	vst v63  }
0x3b: {  	s17 =	rddreg [dreg:$0xf]  }
0x3c: {  	[tilespmem:s12], [sflag:$0x1] =	stream.indirect.gather [hbm4b:s5+s6], $0x1, s17, s6, $0xb8;
	[tilespmem:$0x1900] =	vst v63  }
0x3d: {  	s18 =	rddreg [dreg:$0x11]  }
0x3e: {  	[tilespmem:s11], [sflag:$0x1] =	stream.indirect.gather [hbm4b:s5+s6], $0x1, s18, s6, $0xb8;
	[tilespmem:$0x1900] =	vst v63  }
0x3f: {  	s19 =	rddreg [dreg:$0x13]  }
0x40: {  	[tilespmem:s10], [sflag:$0x1] =	stream.indirect.gather [hbm4b:s5+s6], $0x1, s19, s6, $0xb8;
	[tilespmem:$0x1900] =	vst v63  }
0x41: {  	s20 =	rddreg [dreg:$0x15]  }
0x42: {  	[tilespmem:s9], [sflag:$0x1] =	stream.indirect.gather [hbm4b:s5+s6], $0x1, s20, s6, $0xb8;
	[tilespmem:$0x1900] =	vst v63  }
0x43: {  	s21 =	rddreg [dreg:$0x17]  }
0x44: {  	[tilespmem:s8], [sflag:$0x1] =	stream.indirect.gather [hbm4b:s5+s6], $0x1, s21, s6, $0xb8;
	[tilespmem:$0x1900] =	vst v63  }
0x45: {  	s22 =	rddreg [dreg:$0x19]  }
0x46: {  	[tilespmem:s7], [sflag:$0x1] =	stream.indirect.gather [hbm4b:s5+s6], $0x1, s22, s6, $0xb8;
	[tilespmem:$0x1900] =	vst v63  }
0x47: {  	s23 =	rddreg [dreg:$0x1b];
	s24 =	simm.s32 $0x1300  }
0x48: {  	[tilespmem:s24], [sflag:$0x1] =	stream.indirect.gather [hbm4b:s5+s6], $0x1, s23, s6, $0xb8;
	[tilespmem:$0x1900] =	vst v63  }
0x49: {  	s25 =	simm.s32 $0x700;
	s26 =	simm.s32 $0x1380  }
0x4a: {  	[tilespmem:s26], [sflag:$0x1] =	stream.indirect.gather [hbm4b:s5+s6], $0x1, s25, s6, $0xb8;
	[tilespmem:$0x1900] =	vst v63  }
0x4b: {  	s9 =	simm.s32 $0x1400;
	s8 =	simm.s32 $0x780  }
0x4c: {  	[tilespmem:s9], [sflag:$0x1] =	stream.indirect.gather [hbm4b:s5+s6], $0x1, s8, s6, $0xb8;
	[tilespmem:$0x1900] =	vst v63  }
0x4d: {  	s11 =	simm.s32 $0x1480;
	s10 =	simm.s32 $0x800  }
0x4e: {  	[tilespmem:s11], [sflag:$0x1] =	stream.indirect.gather [hbm4b:s5+s6], $0x1, s10, s6, $0xb8;
	[tilespmem:$0x1900] =	vst v63  }
0x4f: {  	s13 =	simm.s32 $0x1500;
	s12 =	simm.s32 $0x880  }
0x50: {  	[tilespmem:s13], [sflag:$0x1] =	stream.indirect.gather [hbm4b:s5+s6], $0x1, s12, s6, $0xb8;
	[tilespmem:$0x1900] =	vst v63  }
0x51: {  	s14 =	simm.s32 $0x900;
	s15 =	simm.s32 $0x1580  }
0x52: {  	[tilespmem:s15], [sflag:$0x1] =	stream.indirect.gather [hbm4b:s5+s6], $0x1, s14, s6, $0xb8;
	[tilespmem:$0x1900] =	vst v63  }
0x53: {  	s16 =	simm.s32 $0x980;
	s17 =	simm.s32 $0x1600  }
0x54: {  	[tilespmem:s17], [sflag:$0x1] =	stream.indirect.gather [hbm4b:s5+s6], $0x1, s16, s6, $0xb8;
	[tilespmem:$0x1900] =	vst v63  }
0x55: {  	s20 =	simm.s32 $0xA00;
	s21 =	simm.s32 $0x1680  }
0x56: {  	[tilespmem:s21], [sflag:$0x1] =	stream.indirect.gather [hbm4b:s5+s6], $0x1, s20, s6, $0xb8;
	[tilespmem:$0x1900] =	vst v63  }
0x57: {  	s22 =	simm.s32 $0xA80;
	s23 =	simm.s32 $0x1700  }
0x58: {  	[tilespmem:s23], [sflag:$0x1] =	stream.indirect.gather [hbm4b:s5+s6], $0x1, s22, s6, $0xb8;
	[tilespmem:$0x1900] =	vst v63  }
0x59: {  	s24 =	simm.s32 $0xB00;
	s26 =	simm.s32 $0x1780  }
0x5a: {  	[tilespmem:s26], [sflag:$0x1] =	stream.indirect.gather [hbm4b:s5+s6], $0x1, s24, s6, $0xb8;
	[tilespmem:$0x1900] =	vst v63  }
0x5b: {  	s28 =	simm.s32 $0xB80;
	s29 =	simm.s32 $0x1800  }
0x5c: {  	[tilespmem:s29], [sflag:$0x1] =	stream.indirect.gather [hbm4b:s5+s6], $0x1, s28, s6, $0xb8;
	[tilespmem:$0x1900] =	vst v63  }
0x5d: {  	s30 =	simm.s32 $0xC00;
	s31 =	simm.s32 $0x1880;
	s25 =	simm.s32 $0x1  }
0x5e: {  	[tilespmem:s31], [sflag:$0x1] =	stream.indirect.gather [hbm4b:s5+s6], $0x1, s30, s6, $0xb8;
	[tilespmem:$0x1900] =	vst v63  }
0x5f: {  	_ =	swait.ge [sflag:s25], $0x80  }
0x60: {  	[sflag:s25] =	ssyncset.done $0x0  }
0x61: {  	[sflag:s25] =	ssyncadd.s32 $0xFFFFFF80  }
0x62: {  	_ =	swait.ge [sflag:s25], $0x80  }
0x63: {  	[sflag:s25] =	ssyncset.done $0x0  }
0x64: {  	[sflag:s25] =	ssyncadd.s32 $0xFFFFFF80  }
0x65: {  	_ =	swait.ge [sflag:s25], $0x80  }
0x66: {  	[sflag:s25] =	ssyncset.done $0x0  }
0x67: {  	[sflag:s25] =	ssyncadd.s32 $0xFFFFFF80  }
0x68: {  	_ =	swait.ge [sflag:s25], $0x80  }
0x69: {  	[sflag:s25] =	ssyncset.done $0x0  }
0x6a: {  	[sflag:s25] =	ssyncadd.s32 $0xFFFFFF80  }
0x6b: {  	_ =	swait.ge [sflag:s25], $0x80  }
0x6c: {  	[sflag:s25] =	ssyncset.done $0x0  }
0x6d: {  	[sflag:s25] =	ssyncadd.s32 $0xFFFFFF80  }
0x6e: {  	_ =	swait.ge [sflag:s25], $0x80  }
0x6f: {  	[sflag:s25] =	ssyncset.done $0x0  }
0x70: {  	[sflag:s25] =	ssyncadd.s32 $0xFFFFFF80  }
0x71: {  	_ =	swait.ge [sflag:s25], $0x80  }
0x72: {  	[sflag:s25] =	ssyncset.done $0x0  }
0x73: {  	[sflag:s25] =	ssyncadd.s32 $0xFFFFFF80  }
0x74: {  	_ =	swait.ge [sflag:s25], $0x80  }
0x75: {  	[sflag:s25] =	ssyncset.done $0x0  }
0x76: {  	[sflag:s25] =	ssyncadd.s32 $0xFFFFFF80  }
0x77: {  	_ =	swait.ge [sflag:s25], $0x80  }
0x78: {  	[sflag:s25] =	ssyncset.done $0x0  }
0x79: {  	[sflag:s25] =	ssyncadd.s32 $0xFFFFFF80  }
0x7a: {  	_ =	swait.ge [sflag:s25], $0x80  }
0x7b: {  	[sflag:s25] =	ssyncset.done $0x0  }
0x7c: {  	[sflag:s25] =	ssyncadd.s32 $0xFFFFFF80  }
0x7d: {  	_ =	swait.ge [sflag:s25], $0x80  }
0x7e: {  	[sflag:s25] =	ssyncset.done $0x0  }
0x7f: {  	[sflag:s25] =	ssyncadd.s32 $0xFFFFFF80  }
0x80: {  	_ =	swait.ge [sflag:s25], $0x80  }
0x81: {  	[sflag:s25] =	ssyncset.done $0x0  }
0x82: {  	[sflag:s25] =	ssyncadd.s32 $0xFFFFFF80  }
0x83: {  	_ =	swait.ge [sflag:s25], $0x80  }
0x84: {  	[sflag:s25] =	ssyncset.done $0x0  }
0x85: {  	[sflag:s25] =	ssyncadd.s32 $0xFFFFFF80  }
0x86: {  	_ =	swait.ge [sflag:s25], $0x80  }
0x87: {  	[sflag:s25] =	ssyncset.done $0x0  }
0x88: {  	[sflag:s25] =	ssyncadd.s32 $0xFFFFFF80  }
0x89: {  	_ =	swait.ge [sflag:s25], $0x80  }
0x8a: {  	[sflag:s25] =	ssyncset.done $0x0  }
0x8b: {  	[sflag:s25] =	ssyncadd.s32 $0xFFFFFF80  }
0x8c: {  	_ =	swait.ge [sflag:s25], $0x80  }
0x8d: {  	[sflag:s25] =	ssyncset.done $0x0  }
0x8e: {  	[sflag:s25] =	ssyncadd.s32 $0xFFFFFF80  }
0x8f: {  	_ =	swait.ge [sflag:s25], $0x80  }
0x90: {  	[sflag:s25] =	ssyncset.done $0x0  }
0x91: {  	[sflag:s25] =	ssyncadd.s32 $0xFFFFFF80  }
0x92: {  	_ =	swait.ge [sflag:s25], $0x80  }
0x93: {  	[sflag:s25] =	ssyncset.done $0x0  }
0x94: {  	[sflag:s25] =	ssyncadd.s32 $0xFFFFFF80  }
0x95: {  	_ =	swait.ge [sflag:s25], $0x80  }
0x96: {  	[sflag:s25] =	ssyncset.done $0x0  }
0x97: {  	[sflag:s25] =	ssyncadd.s32 $0xFFFFFF80  }
0x98: {  	_ =	swait.ge [sflag:s25], $0x80  }
0x99: {  	s18 =	ssub.s32 $0x2, s1;
	[sflag:s25] =	ssyncset.done $0x0  }
0x9a: {  	s1 =	sshrl.u32 s18, $0x1;
	[sflag:s25] =	ssyncadd.s32 $0xFFFFFF80  }
0x9b: {  	s0 =	ssub.s32 s18, s1;
	_ =	swait.ge [sflag:s25], $0x80  }
0x9c: {  	s0 =	smax.u32 s0, $0x1;
	[sflag:s25] =	ssyncset.done $0x0  }
0x9d: {  	p0 =	sne.s32 s0, $0x1;
	[sflag:s25] =	ssyncadd.s32 $0xFFFFFF80  }
.Ltmp0:
0x9e: {  	_ =	swait.ge [sflag:s25], $0x80;
	(pc) =	sbr.rel @!p0 .LBB2_2-.Ltmp0, $4  }
0x9f: {  	[sflag:s25] =	ssyncset.done $0x0  }
0xa0: {  	[sflag:s25] =	ssyncadd.s32 $0xFFFFFF80  }
0xa1: {  	_ =	swait.ge [sflag:s25], $0x80  }
0xa2: {  	s19 =	simm.s32 $0x1600;
	s1 =	sadd.s32 $0xFFFFFFFF, s0;
	[sflag:s25] =	ssyncset.done $0x0  }
.LBB2_1:
0xa3: {  	[sflag:s25] =	ssyncadd.s32 $0xFFFFFF80  }
0xa4: {  	_ =	swait.ge [sflag:s25], $0x80  }
0xa5: {  	[sflag:s25] =	ssyncset.done $0x0  }
0xa6: {  	[sflag:s25] =	ssyncadd.s32 $0xFFFFFF80  }
0xa7: {  	_ =	swait.ge [sflag:s25], $0x80  }
0xa8: {  	[sflag:s25] =	ssyncset.done $0x0  }
0xa9: {  	s0 =	rddreg [dreg:$0x3];
	[sflag:s25] =	ssyncadd.s32 $0xFFFFFF80  }
0xaa: {  	[hbm4b:s0+s2] =	stream.linear.scatter [tilespmem:s4], [sflag:$0x2], $0xC80, $0x38;
	[tilespmem:$0x1900] =	vst v63  }
0xab: {  	_ =	swait.ge [sflag:s3], $0xC80  }
0xac: {  	[sflag:s3] =	ssyncset.done $0x0  }
0xad: {  	s16 =	rddreg [dreg:$0x2];
	[sflag:s3] =	ssyncadd.s32 $0xFFFFF380  }
0xae: {  	[tilespmem:s2], [sflag:$0x2] =	stream.linear.gather [hbm4b:s16+s2], $0xC80, $0x38;
	[tilespmem:$0x1900] =	vst v63  }
0xaf: {  	_ =	swait.ge [sflag:s3], $0xC80  }
0xb0: {  	s0 =	rddreg [dreg:$0x1a]  }
0xb1: {  	s7 =	rddreg [dreg:$0x18]  }
0xb2: {  	s8 =	rddreg [dreg:$0x16]  }
0xb3: {  	s9 =	rddreg [dreg:$0x14]  }
0xb4: {  	s10 =	rddreg [dreg:$0x12]  }
0xb5: {  	s11 =	rddreg [dreg:$0x10]  }
0xb6: {  	s12 =	rddreg [dreg:$0xe]  }
0xb7: {  	s13 =	rddreg [dreg:$0xc]  }
0xb8: {  	s14 =	rddreg [dreg:$0xa]  }
0xb9: {  	s15 =	rddreg [dreg:$0x5];
	[sflag:s3] =	ssyncset.done $0x0  }
0xba: {  	s16 =	rddreg [dreg:$0x4];
	[sflag:s3] =	ssyncadd.s32 $0xFFFFF380  }
0xbb: {  	[tilespmem:s4], [sflag:$0x1] =	stream.indirect.gather [hbm4b:s5+s6], $0x1, s2, s6, $0xb8;
	[tilespmem:$0x1900] =	vst v63  }
0xbc: {  	s17 =	rddreg [dreg:$0x6]  }
0xbd: {  	[tilespmem:s16], [sflag:$0x1] =	stream.indirect.gather [hbm4b:s5+s6], $0x1, s6, s6, $0xb8;
	[tilespmem:$0x1900] =	vst v63  }
0xbe: {  	s18 =	rddreg [dreg:$0x8]  }
0xbf: {  	[tilespmem:s17], [sflag:$0x1] =	stream.indirect.gather [hbm4b:s5+s6], $0x1, s15, s6, $0xb8;
	[tilespmem:$0x1900] =	vst v63  }
0xc0: {  	s16 =	rddreg [dreg:$0x7]  }
0xc1: {  	[tilespmem:s18], [sflag:$0x1] =	stream.indirect.gather [hbm4b:s5+s6], $0x1, s16, s6, $0xb8;
	[tilespmem:$0x1900] =	vst v63  }
0xc2: {  	s17 =	rddreg [dreg:$0x9]  }
0xc3: {  	[tilespmem:s14], [sflag:$0x1] =	stream.indirect.gather [hbm4b:s5+s6], $0x1, s17, s6, $0xb8;
	[tilespmem:$0x1900] =	vst v63  }
0xc4: {  	s18 =	rddreg [dreg:$0xb]  }
0xc5: {  	[tilespmem:s13], [sflag:$0x1] =	stream.indirect.gather [hbm4b:s5+s6], $0x1, s18, s6, $0xb8;
	[tilespmem:$0x1900] =	vst v63  }
0xc6: {  	s15 =	rddreg [dreg:$0xd]  }
0xc7: {  	[tilespmem:s12], [sflag:$0x1] =	stream.indirect.gather [hbm4b:s5+s6], $0x1, s15, s6, $0xb8;
	[tilespmem:$0x1900] =	vst v63  }
0xc8: {  	s17 =	rddreg [dreg:$0xf]  }
0xc9: {  	[tilespmem:s11], [sflag:$0x1] =	stream.indirect.gather [hbm4b:s5+s6], $0x1, s17, s6, $0xb8;
	[tilespmem:$0x1900] =	vst v63  }
0xca: {  	s18 =	rddreg [dreg:$0x11]  }
0xcb: {  	[tilespmem:s10], [sflag:$0x1] =	stream.indirect.gather [hbm4b:s5+s6], $0x1, s18, s6, $0xb8;
	[tilespmem:$0x1900] =	vst v63  }
0xcc: {  	s13 =	rddreg [dreg:$0x13]  }
0xcd: {  	[tilespmem:s9], [sflag:$0x1] =	stream.indirect.gather [hbm4b:s5+s6], $0x1, s13, s6, $0xb8;
	[tilespmem:$0x1900] =	vst v63  }
0xce: {  	s14 =	rddreg [dreg:$0x15]  }
0xcf: {  	[tilespmem:s8], [sflag:$0x1] =	stream.indirect.gather [hbm4b:s5+s6], $0x1, s14, s6, $0xb8;
	[tilespmem:$0x1900] =	vst v63  }
0xd0: {  	s15 =	rddreg [dreg:$0x17]  }
0xd1: {  	[tilespmem:s7], [sflag:$0x1] =	stream.indirect.gather [hbm4b:s5+s6], $0x1, s15, s6, $0xb8;
	[tilespmem:$0x1900] =	vst v63  }
0xd2: {  	s16 =	rddreg [dreg:$0x19]  }
0xd3: {  	[tilespmem:s0], [sflag:$0x1] =	stream.indirect.gather [hbm4b:s5+s6], $0x1, s16, s6, $0xb8;
	[tilespmem:$0x1900] =	vst v63  }
0xd4: {  	s17 =	rddreg [dreg:$0x1b];
	s18 =	simm.s32 $0x1300  }
0xd5: {  	[tilespmem:s18], [sflag:$0x1] =	stream.indirect.gather [hbm4b:s5+s6], $0x1, s17, s6, $0xb8;
	[tilespmem:$0x1900] =	vst v63  }
0xd6: {  	s9 =	simm.s32 $0x1380;
	s8 =	simm.s32 $0x700  }
0xd7: {  	[tilespmem:s9], [sflag:$0x1] =	stream.indirect.gather [hbm4b:s5+s6], $0x1, s8, s6, $0xb8;
	[tilespmem:$0x1900] =	vst v63  }
0xd8: {  	s11 =	simm.s32 $0x1400;
	s10 =	simm.s32 $0x780  }
0xd9: {  	[tilespmem:s11], [sflag:$0x1] =	stream.indirect.gather [hbm4b:s5+s6], $0x1, s10, s6, $0xb8;
	[tilespmem:$0x1900] =	vst v63  }
0xda: {  	s12 =	simm.s32 $0x800;
	s13 =	simm.s32 $0x1480  }
0xdb: {  	[tilespmem:s13], [sflag:$0x1] =	stream.indirect.gather [hbm4b:s5+s6], $0x1, s12, s6, $0xb8;
	[tilespmem:$0x1900] =	vst v63  }
0xdc: {  	s14 =	simm.s32 $0x880;
	s15 =	simm.s32 $0x1500  }
0xdd: {  	[tilespmem:s15], [sflag:$0x1] =	stream.indirect.gather [hbm4b:s5+s6], $0x1, s14, s6, $0xb8;
	[tilespmem:$0x1900] =	vst v63  }
0xde: {  	s16 =	simm.s32 $0x900;
	s17 =	simm.s32 $0x1580  }
0xdf: {  	[tilespmem:s17], [sflag:$0x1] =	stream.indirect.gather [hbm4b:s5+s6], $0x1, s16, s6, $0xb8;
	[tilespmem:$0x1900] =	vst v63  }
0xe0: {  	s18 =	simm.s32 $0x980  }
0xe1: {  	[tilespmem:s19], [sflag:$0x1] =	stream.indirect.gather [hbm4b:s5+s6], $0x1, s18, s6, $0xb8;
	[tilespmem:$0x1900] =	vst v63  }
0xe2: {  	_ = 	snop  }
0xe3: {  	[tilespmem:s21], [sflag:$0x1] =	stream.indirect.gather [hbm4b:s5+s6], $0x1, s20, s6, $0xb8;
	[tilespmem:$0x1900] =	vst v63  }
0xe4: {  	_ = 	snop  }
0xe5: {  	[tilespmem:s23], [sflag:$0x1] =	stream.indirect.gather [hbm4b:s5+s6], $0x1, s22, s6, $0xb8;
	[tilespmem:$0x1900] =	vst v63  }
0xe6: {  	_ = 	snop  }
0xe7: {  	[tilespmem:s26], [sflag:$0x1] =	stream.indirect.gather [hbm4b:s5+s6], $0x1, s24, s6, $0xb8;
	[tilespmem:$0x1900] =	vst v63  }
0xe8: {  	_ = 	snop  }
0xe9: {  	[tilespmem:s29], [sflag:$0x1] =	stream.indirect.gather [hbm4b:s5+s6], $0x1, s28, s6, $0xb8;
	[tilespmem:$0x1900] =	vst v63  }
0xea: {  	_ = 	snop  }
0xeb: {  	[tilespmem:s31], [sflag:$0x1] =	stream.indirect.gather [hbm4b:s5+s6], $0x1, s30, s6, $0xb8;
	[tilespmem:$0x1900] =	vst v63  }
0xec: {  	_ =	swait.ge [sflag:s25], $0x80  }
0xed: {  	[sflag:s25] =	ssyncset.done $0x0  }
0xee: {  	[sflag:s25] =	ssyncadd.s32 $0xFFFFFF80  }
0xef: {  	_ =	swait.ge [sflag:s25], $0x80  }
0xf0: {  	[sflag:s25] =	ssyncset.done $0x0  }
0xf1: {  	[sflag:s25] =	ssyncadd.s32 $0xFFFFFF80  }
0xf2: {  	_ =	swait.ge [sflag:s25], $0x80  }
0xf3: {  	[sflag:s25] =	ssyncset.done $0x0  }
0xf4: {  	[sflag:s25] =	ssyncadd.s32 $0xFFFFFF80  }
0xf5: {  	_ =	swait.ge [sflag:s25], $0x80  }
0xf6: {  	[sflag:s25] =	ssyncset.done $0x0  }
0xf7: {  	[sflag:s25] =	ssyncadd.s32 $0xFFFFFF80  }
0xf8: {  	_ =	swait.ge [sflag:s25], $0x80  }
0xf9: {  	[sflag:s25] =	ssyncset.done $0x0  }
0xfa: {  	[sflag:s25] =	ssyncadd.s32 $0xFFFFFF80  }
0xfb: {  	_ =	swait.ge [sflag:s25], $0x80  }
0xfc: {  	[sflag:s25] =	ssyncset.done $0x0  }
0xfd: {  	[sflag:s25] =	ssyncadd.s32 $0xFFFFFF80  }
0xfe: {  	_ =	swait.ge [sflag:s25], $0x80  }
0xff: {  	[sflag:s25] =	ssyncset.done $0x0  }
0x100: {  	[sflag:s25] =	ssyncadd.s32 $0xFFFFFF80  }
0x101: {  	_ =	swait.ge [sflag:s25], $0x80  }
0x102: {  	[sflag:s25] =	ssyncset.done $0x0  }
0x103: {  	[sflag:s25] =	ssyncadd.s32 $0xFFFFFF80  }
0x104: {  	_ =	swait.ge [sflag:s25], $0x80  }
0x105: {  	[sflag:s25] =	ssyncset.done $0x0  }
0x106: {  	[sflag:s25] =	ssyncadd.s32 $0xFFFFFF80  }
0x107: {  	_ =	swait.ge [sflag:s25], $0x80  }
0x108: {  	[sflag:s25] =	ssyncset.done $0x0  }
0x109: {  	[sflag:s25] =	ssyncadd.s32 $0xFFFFFF80  }
0x10a: {  	_ =	swait.ge [sflag:s25], $0x80  }
0x10b: {  	[sflag:s25] =	ssyncset.done $0x0  }
0x10c: {  	[sflag:s25] =	ssyncadd.s32 $0xFFFFFF80  }
0x10d: {  	_ =	swait.ge [sflag:s25], $0x80  }
0x10e: {  	[sflag:s25] =	ssyncset.done $0x0  }
0x10f: {  	[sflag:s25] =	ssyncadd.s32 $0xFFFFFF80  }
0x110: {  	_ =	swait.ge [sflag:s25], $0x80  }
0x111: {  	[sflag:s25] =	ssyncset.done $0x0  }
0x112: {  	[sflag:s25] =	ssyncadd.s32 $0xFFFFFF80  }
0x113: {  	_ =	swait.ge [sflag:s25], $0x80  }
0x114: {  	[sflag:s25] =	ssyncset.done $0x0  }
0x115: {  	[sflag:s25] =	ssyncadd.s32 $0xFFFFFF80  }
0x116: {  	_ =	swait.ge [sflag:s25], $0x80  }
0x117: {  	[sflag:s25] =	ssyncset.done $0x0  }
0x118: {  	[sflag:s25] =	ssyncadd.s32 $0xFFFFFF80  }
0x119: {  	_ =	swait.ge [sflag:s25], $0x80  }
0x11a: {  	[sflag:s25] =	ssyncset.done $0x0  }
0x11b: {  	[sflag:s25] =	ssyncadd.s32 $0xFFFFFF80  }
0x11c: {  	_ =	swait.ge [sflag:s25], $0x80  }
0x11d: {  	[sflag:s25] =	ssyncset.done $0x0  }
0x11e: {  	[sflag:s25] =	ssyncadd.s32 $0xFFFFFF80  }
0x11f: {  	_ =	swait.ge [sflag:s25], $0x80  }
0x120: {  	[sflag:s25] =	ssyncset.done $0x0  }
0x121: {  	[sflag:s25] =	ssyncadd.s32 $0xFFFFFF80  }
0x122: {  	_ =	swait.ge [sflag:s25], $0x80  }
0x123: {  	[sflag:s25] =	ssyncset.done $0x0  }
0x124: {  	[sflag:s25] =	ssyncadd.s32 $0xFFFFFF80  }
0x125: {  	_ =	swait.ge [sflag:s25], $0x80  }
0x126: {  	[sflag:s25] =	ssyncset.done $0x0  }
0x127: {  	[sflag:s25] =	ssyncadd.s32 $0xFFFFFF80  }
0x128: {  	_ =	swait.ge [sflag:s25], $0x80  }
0x129: {  	[sflag:s25] =	ssyncset.done $0x0  }
0x12a: {  	p0 =	sne.s32 s1, $0x1;
	[sflag:s25] =	ssyncadd.s32 $0xFFFFFF80  }
.Ltmp1:
0x12b: {  	_ =	swait.ge [sflag:s25], $0x80;
	(pc) =	sbr.rel @p0 .LBB2_1-.Ltmp1, $4  }
0x12c: {  	[sflag:s25] =	ssyncset.done $0x0  }
0x12d: {  	[sflag:s25] =	ssyncadd.s32 $0xFFFFFF80  }
0x12e: {  	_ =	swait.ge [sflag:s25], $0x80  }
0x12f: {  	s1 =	sadd.s32 $0xFFFFFFFF, s1;
	[sflag:s25] =	ssyncset.done $0x0  }
.LBB2_2:
0x130: {  	[sflag:s25] =	ssyncadd.s32 $0xFFFFFF80  }
0x131: {  	_ =	swait.ge [sflag:s25], $0x80  }
0x132: {  	[sflag:s25] =	ssyncset.done $0x0  }
0x133: {  	[sflag:s25] =	ssyncadd.s32 $0xFFFFFF80  }
0x134: {  	_ =	swait.ge [sflag:s25], $0x80  }
0x135: {  	[sflag:s25] =	ssyncset.done $0x0  }
0x136: {  	s0 =	rddreg [dreg:$0x3];
	[sflag:s25] =	ssyncadd.s32 $0xFFFFFF80  }
0x137: {  	[hbm4b:s0+s2] =	stream.linear.scatter [tilespmem:s4], [sflag:$0x2], $0xC80, $0x38;
	[tilespmem:$0x1900] =	vst v63  }
0x138: {  	_ =	swait.ge [sflag:s3], $0xC80  }
0x139: {  	[sflag:s3] =	ssyncset.done $0x0  }
0x13a: {  	[sflag:s3] =	ssyncadd.s32 $0xFFFFF380  }
0x13b: {  	_ =	sfence.sel $0x180000  }
0x13c: {  	[bflag:$0x0] =	sbarrier.arrive $0xFFFF  }
0x13d: {  	_ =	strace $0x90000047  }
0x13e: {  	s31 =	stileid.u32;
	[bflag:$0x2] =	sbarrier.arrive $0xFFFF  }
0x13f: {  	p0 =	sne.s32 s31, $0x0;
	s0 =	rddreg [dreg:$0x1]  }
0x140: {  	s0 =	sadd.s32 @!p0 $0x100000, s0  }
0x141: {  	[sflag:s0] =	ssyncadd.tile.s32 @!p0 $0x1;
	_ =	shalt  }
.Lfunc_end2:
_tile_overlayer_lowered:
.L_overlay_start_2:
0x142: {  	(tag) =	ssettag $0x2  }
0x143: {  	s0 =	rddreg [dreg:$0x0];
	s2 =	stileid.u32  }
0x144: {  	s1 =	rddreg [dreg:$0x1];
	p0 =	sne.s32 s2, $0x0  }
0x145: {  	s3 =	rddreg [dreg:$0x2];
	[bflag:$0x3] =	sbarrier.arrive $0xFFFF;
	s2 =	simm.s32 @!p0 $0x1C02  }
0x146: {  	[timem:s3], [sflag:s2] =	dma.local @!p0 [hbm:s0], s1  }
0x147: {  	s0 =	simm.s32 @!p0 $0x2  }
0x148: {  	_ =	swait.ge @!p0 [sflag:s0], s1  }
0x149: {  	s1 =	ssub.s32 @!p0 $0x0, s1;
	[sflag:s0] =	ssyncset.done @!p0 $0x0  }
0x14a: {  	[sflag:s0] =	ssyncadd.s32 @!p0 s1  }
0x14b: {  	[bflag:$0x3] =	sbarrier.arrive $0xFFFF  }
0x14c: {  	_ =	shalt  }

// kernel: kernel.8.cloned.1.call-start
scs
__scs_entry_jumppad:
0x0: {  	(pc) =	sbr.rel $0x88, $3  }
0x1: {  	(tag) =	ssettag $0x0;
	lr =	simm.s32 $0x1  }
0x2: {  	[smem:$0x3F9C] =	sst lr;
	_ =	strace $0xD0000000  }
0x3: {  	_ = 	snop  }
0x4: {  	_ = 	snop  }
0x5: {  	_ = 	snop  }
0x6: {  	_ = 	snop  }
0x7: {  	_ = 	snop  }
__scs_overlays_trampoline_lowered:
0x8: {  	[smem:$0x3FAB] =	sst s0  }
0x9: {  	[smem:$0x3FAC] =	sst s1  }
0xa: {  	[smem:$0x3FAD] =	sst s2  }
0xb: {  	[smem:$0x3FAE] =	sst s3  }
0xc: {  	[smem:$0x3FAF] =	sst s4  }
0xd: {  	[smem:$0x3FB0] =	sst s5  }
0xe: {  	[smem:$0x3FB1] =	sst s6  }
0xf: {  	[smem:$0x3FB2] =	sst s7  }
0x10: {  	[smem:$0x3FB3] =	sst s8  }
0x11: {  	[smem:$0x3FB4] =	sst s9;
	s0 =	simm.s32 @!p0 $0x0  }
0x12: {  	s1 =	sld [smem:$0x3F9A];
	s0 =	simm.s32 @p0 $0x1  }
0x13: {  	[smem:$0x3FB5] =	sst s0;
	s0 =	simm.s32 @!p1 $0x0  }
0x14: {  	s2 =	sld [smem:$0x3F99];
	s0 =	simm.s32 @p1 $0x1  }
0x15: {  	[smem:$0x3FB6] =	sst s0;
	s0 =	simm.s32 @!p2 $0x0  }
0x16: {  	s3 =	sld [smem:$0x3FDB];
	s0 =	simm.s32 @p2 $0x1  }
0x17: {  	s4 =	simm.s32 $0x1BF5;
	[smem:$0x3FB8] =	sst s0  }
0x18: {  	s0 =	sld [smem:$0x3F9B];
	_ =	swait.ge [sflag:s4], $0x0  }
0x19: {  	s7 =	sld [smem:$0x3F9C]  }
0x1a: {  	s8 =	sadd.s32 $0xFFFFE003, lr  }
0x1b: {  	s9 =	sadd.s32 $0xFFFFFEF7, lr;
	s5 =	simm.s32 $0xFFFFFFFF;
	p2 =	slt.u32 s8, $0xFFFFF086  }
0x1c: {  	p1 =	slt.u32 s9, $0xF7A;
	s5 =	simm.s32 @!p2 $0x0  }
0x1d: {  	s5 =	simm.s32 @p1 $0x1;
	p0 =	seq.s32 s7, s2  }
0x1e: {  	s7 =	smul.u32 @!p0 $0xF7A, s2;
	p2 =	seq.s32 @!p0 s5, $0x0  }
0x1f: {  	s9 =	smul.u32 $0xF7A, s1;
	s8 =	simm.s32 @!p0 $0x1BF5;
	p2 =	por !p2, p0  }
0x20: {  	[sflag:s8] =	ssyncset.s32 @!p0 $0xFFFFF086;
	s6 =	sadd.s32 @!p0 s3, s7;
	s7 =	simm.s32 @!p0 $0x108  }
0x21: {  	s3 =	sadd.s32 s3, s9;
	s6 =	sadd.s32 @!p0 $0x88, s6;
	s7 =	simm.s32 @p2 $0x1082  }
0x22: {  	[simem:s7], [sflag:s8] =	dma.local @!p0 [hbm:s6], $0xF7A  }
0x23: {  	s9 =	sor.u32 $0xD0000000, s2;
	s6 =	simm.s32 $0x108;
	_ =	swait.ge @!p0 [sflag:s8], $0x0  }
0x24: {  	s3 =	sadd.s32 $0x88, s3;
	s6 =	simm.s32 @!p1 $0x1082;
	[sflag:s4] =	ssyncset.s32 $0xFFFFF086  }
0x25: {  	[simem:s6], [sflag:s4] =	dma.local [hbm:s3], $0xF7A  }
0x26: {  	[smem:$0x3F9C] =	sst s1;
	(tag) =	ssettag s2;
	_ =	strace s9  }
0x27: {  	s1 =	sld [smem:$0x3FAC]  }
0x28: {  	s2 =	sld [smem:$0x3FAD]  }
0x29: {  	s4 =	sld [smem:$0x3FAF]  }
0x2a: {  	p0 =	seq.s32 s5, $0x0;
	s5 =	sld [smem:$0x3FB0]  }
0x2b: {  	s6 =	sld [smem:$0x3FB1]  }
0x2c: {  	s7 =	sld [smem:$0x3FB2]  }
0x2d: {  	s3 =	simm.s32 $0x108;
	s8 =	sld [smem:$0x3FB3]  }
0x2e: {  	s3 =	simm.s32 @!p0 $0x1082;
	s9 =	sld [smem:$0x3FB4]  }
0x2f: {  	lr =	sadd.s32 s0, s3;
	s0 =	sld [smem:$0x3FAB]  }
0x30: {  	s3 =	sld [smem:$0x3FAE]  }
0x31: {  	[smem:$0x3FB7] =	sst s10  }
0x32: {  	s10 =	sld [smem:$0x3FB5];
	_ =	sdelay $0x3  }
0x33: {  	p0 =	seq.s32 s10, $0x1;
	s10 =	sld [smem:$0x3FB7];
	_ =	sdelay $0x3  }
0x34: {  	[smem:$0x3FB7] =	sst s10  }
0x35: {  	s10 =	sld [smem:$0x3FB6];
	_ =	sdelay $0x3  }
0x36: {  	p1 =	seq.s32 s10, $0x1;
	s10 =	sld [smem:$0x3FB7];
	_ =	sdelay $0x3  }
0x37: {  	[smem:$0x3FB7] =	sst s10  }
0x38: {  	s10 =	sld [smem:$0x3FB8]  }
0x39: {  	_ = 	snop;
	(pc) =	sbr.ind lr, $3  }
0x3a: {  	_ = 	snop  }
0x3b: {  	_ = 	snop  }
0x3c: {  	p2 =	seq.s32 s10, $0x1;
	s10 =	sld [smem:$0x3FB7]  }
0x3d: {  	_ =	shalt  }
0x3e: {  	_ =	shalt  }
0x3f: {  	_ =	shalt  }
0x40: {  	_ =	shalt  }
0x41: {  	_ =	shalt  }
0x42: {  	_ =	shalt  }
0x43: {  	_ =	shalt  }
0x44: {  	_ =	shalt  }
0x45: {  	_ =	shalt  }
0x46: {  	_ =	shalt  }
0x47: {  	_ =	shalt  }
0x48: {  	_ =	shalt  }
0x49: {  	_ =	shalt  }
0x4a: {  	_ =	shalt  }
0x4b: {  	_ =	shalt  }
0x4c: {  	_ =	shalt  }
0x4d: {  	_ =	shalt  }
0x4e: {  	_ =	shalt  }
0x4f: {  	_ =	shalt  }
0x50: {  	_ =	shalt  }
0x51: {  	_ =	shalt  }
0x52: {  	_ =	shalt  }
0x53: {  	_ =	shalt  }
0x54: {  	_ =	shalt  }
0x55: {  	_ =	shalt  }
0x56: {  	_ =	shalt  }
0x57: {  	_ =	shalt  }
0x58: {  	_ =	shalt  }
0x59: {  	_ =	shalt  }
0x5a: {  	_ =	shalt  }
0x5b: {  	_ =	shalt  }
0x5c: {  	_ =	shalt  }
0x5d: {  	_ =	shalt  }
0x5e: {  	_ =	shalt  }
0x5f: {  	_ =	shalt  }
0x60: {  	_ =	shalt  }
0x61: {  	_ =	shalt  }
0x62: {  	_ =	shalt  }
0x63: {  	_ =	shalt  }
0x64: {  	_ =	shalt  }
0x65: {  	_ =	shalt  }
0x66: {  	_ =	shalt  }
0x67: {  	_ =	shalt  }
0x68: {  	_ =	shalt  }
0x69: {  	_ =	shalt  }
0x6a: {  	_ =	shalt  }
0x6b: {  	_ =	shalt  }
0x6c: {  	_ =	shalt  }
0x6d: {  	_ =	shalt  }
0x6e: {  	_ =	shalt  }
0x6f: {  	_ =	shalt  }
0x70: {  	_ =	shalt  }
0x71: {  	_ =	shalt  }
0x72: {  	_ =	shalt  }
0x73: {  	_ =	shalt  }
0x74: {  	_ =	shalt  }
0x75: {  	_ =	shalt  }
0x76: {  	_ =	shalt  }
0x77: {  	_ =	shalt  }
0x78: {  	_ =	shalt  }
0x79: {  	_ =	shalt  }
0x7a: {  	_ =	shalt  }
0x7b: {  	_ =	shalt  }
0x7c: {  	_ =	shalt  }
0x7d: {  	_ =	shalt  }
0x7e: {  	_ =	shalt  }
0x7f: {  	_ =	shalt  }
0x80: {  	_ =	shalt  }
0x81: {  	_ =	shalt  }
0x82: {  	_ =	shalt  }
0x83: {  	_ =	shalt  }
0x84: {  	_ =	shalt  }
0x85: {  	_ =	shalt  }
0x86: {  	_ =	shalt  }
0x87: {  	_ =	shalt  }
.Lfunc_end0:
.L_simem_size_0:
called_computation.1_lowered:
.L_overlay_start_0:
0x88: {  	s2 =	sld [smem:$0x3FD9]  }
0x89: {  	s3 =	sld [smem:$0x3FFE];
	_ =	sdelay $0x1  }
0x8a: {  	s1 =	srdreg.scid  }
0x8b: {  	s0 =	sand.u32 $0x1, s1  }
0x8c: {  	s17 =	sshll.u32 s0, $0xA;
	s2 =	sadd.s32 s3, s2  }
0x8d: {  	s2 =	sadd.s32 s2, s17  }
0x8e: {  	[smem:$0x3FC3] =	sst s2  }
0x8f: {  	_ = 	snop  }
0x90: {  	s2 =	sld [smem:$0x3FD0];
	(tm) =	ssettm $0x1  }
0x91: {  	s18 =	sld [smem:$0x3FFB];
	_ =	sdelay $0x3  }
0x92: {  	_ =	strace s18  }
0x93: {  	s3 =	sld [smem:$0x3FFC];
	_ =	sdelay $0x3  }
0x94: {  	_ =	strace s3  }
0x95: {  	s3 =	sld [smem:$0x3FFD];
	_ =	sdelay $0x3  }
0x96: {  	_ =	strace s3  }
0x97: {  	_ =	strace $0x8FFFFFFF  }
0x98: {  	s19 =	sld [smem:$0x3FDB];
	_ =	sdelay $0x1  }
0x99: {  	s4 =	simm.s32 $_scs_section_size  }
0x9a: {  	s5 =	simm.s32 $_size__tile_overlayer_lowered;
	s6 =	simm.s32 $_tile_overlayer_lowered  }
0x9b: {  	s22 =	simm.s32 $0x1BFF;
	s21 =	sshll.u32 s6, $0x1;
	s3 =	sadd.s32 s4, s19  }
0x9c: {  	s7 =	simm.s32 $0x0;
	s20 =	sshll.u32 s5, $0x1;
	s5 =	sadd.s32 s21, s3  }
0x9d: {  	[timem:s7], [sflag:s22] =	dma.local [hbm:s5], s20  }
0x9e: {  	_ =	swait.ge [sflag:s22], s20  }
0x9f: {  	s4 =	ssub.s32 $0x0, s20;
	[sflag:s22] =	ssyncset.done $0x0  }
0xa0: {  	[sflag:s22] =	ssyncadd.s32 s4;
	_ =	sdelay $0x1  }
0xa1: {  	s23 =	simm.s32 $0x1B8B  }
0xa2: {  	_ =	swait.ge [sflag:s23], $0x1  }
0xa3: {  	[sflag:s23] =	ssyncset.done $0x0  }
0xa4: {  	s25 =	simm.s32 $0x1B8E;
	s24 =	sld [smem:$0x3FFE];
	[sflag:s23] =	ssyncadd.s32 $0xFFFFFFFF  }
0xa5: {  	s26 =	simm.s32 $execute0_lowered;
	[smem:$0x3FD2] =	sst s25  }
0xa6: {  	s5 =	sshll.u32 s26, $0x1;
	_ =	strace $0x80000049;
	[dreg:$0x1] =	wrdreg $0xFFFFFFFF  }
0xa7: {  	s28 =	simm.s32 $_size_execute0_lowered;
	s3 =	sadd.s32 s3, s5;
	[dreg:$0x0] =	wrdreg $0x0  }
0xa8: {  	s5 =	sshll.u32 s28, $0x1;
	[dreg:$0x2] =	wrdreg s3  }
0xa9: {  	[dreg:$0x3] =	wrdreg s5  }
0xaa: {  	[dreg:$0x4] =	wrdreg $0xC0  }
0xab: {  	_ =	task [dreg:s7], $0x5FFFF  }
0xac: {  	[dreg:$0x1] =	wrdreg $0xFFFFFFFF  }
0xad: {  	[dreg:$0x0] =	wrdreg $0x60  }
0xae: {  	[dreg:$0x2] =	wrdreg s24  }
0xaf: {  	[dreg:$0x3] =	wrdreg s2  }
0xb0: {  	[dreg:$0x4] =	wrdreg $0x9  }
0xb1: {  	_ =	task.clear_ibuf [dreg:s7], $0x5FFFF;
	_ =	strace $0x90000049  }
0xb2: {  	s29 =	simm.s32 $0x9;
	_ =	strace $0x8000004B  }
0xb3: {  	_ =	swait.ge [sflag:s29], $0x1  }
0xb4: {  	[sflag:s29] =	ssyncadd.s32 $0xFFFFFFFF  }
0xb5: {  	_ =	strace $0x9000004B  }
0xb6: {  	_ =	sfence  }
0xb7: {  	s30 =	sld [smem:$0x0];
	_ =	sdelay $0x2  }
0xb8: {  	s31 =	sshll.u32 s1, $0xD;
	s1 =	sshrl.u32 s1, $0x2  }
0xb9: {  	s3 =	sand.u32 $0x4000, s31;
	s1 =	sadd.s32 s1, s30  }
0xba: {  	s0 =	sor.u32 s3, s0;
	s1 =	sshll.u32 s1, $0x11  }
0xbb: {  	s0 =	sor.u32 s1, s0  }
0xbc: {  	s0 =	sadd.s32 $0x8F2B, s0  }
0xbd: {  	[sflag:s0] =	ssyncadd.remote.s32 $0x1  }
0xbe: {  	_ =	sfence.sel $0xFFFF  }
0xbf: {  	[dreg:$0x0] =	wrdreg $0xFFFFFFFF;
	(pc) =	sbr.abs _section_cstart, $3  }
0xc0: {  	[dreg:$0x1] =	wrdreg $0xFFFFFFFF  }
0xc1: {  	_ =	task.clear_ibuf [dreg:s7], $0x2FFFF;
	_ =	strace $0x9FFFFFFF  }
0xc2: {  	(tm) =	ssettm $0x7FFFFFFF  }
0xc3: {  	_ =	shalt  }
tec
execute0_lowered:
.L_overlay_start_1:
0x0: {  	(tag) =	ssettag $0x1  }
0x1: {  	s1 =	srdreg.scid  }
0x2: {  	s19 =	rddreg [dreg:$0x0];
	s0 =	stileid.u32  }
0x3: {  	s2 =	rddreg [dreg:$0x1];
	s3 =	simm.s32 $0x0;
	s22 =	simm.s32 $0x8000  }
0x4: {  	s23 =	simm.s32 $0xB200;
	s24 =	simm.s32 $0x3;
	s25 =	simm.s32 $0x1  }
0x5: {  	s29 =	simm.s32 $0x11600;
	s30 =	simm.s32 $0x0;
	s4 =	sand.u32 $0x1, s1  }
0x6: {  	s5 =	sshll.u32 s0, $0x10;
	[smem:$0x7FF] =	sst s3;
	s7 =	sadd.s32 $0x24240, s19  }
0x7: {  	s8 =	sadd.s32 $0xC80, s2;
	s9 =	sadd.s32 $0x24880, s19;
	s10 =	sadd.s32 $0x12C0, s2  }
0x8: {  	s11 =	sadd.s32 $0x24EC0, s19;
	s12 =	sadd.s32 $0x1900, s2;
	s13 =	sadd.s32 $0x25500, s19  }
0x9: {  	s14 =	sadd.s32 $0x1F40, s2;
	s15 =	sadd.s32 $0x25B40, s19;
	s16 =	sadd.s32 $0x2580, s2  }
0xa: {  	s17 =	sadd.s32 $0x26180, s19;
	s18 =	sadd.s32 $0x2BC0, s2;
	s6 =	sshll.u32 s4, $0xF  }
0xb: {  	s26 =	ssub.s32 $0x2, s4;
	_ =	strace $0x8000004A;
	s4 =	sadd.s32 $0x23C00, s19  }
0xc: {  	s28 =	sor.u32 s6, s5;
	s31 =	sshrl.u32 s26, $0x1;
	s6 =	sadd.s32 $0x640, s2  }
0xd: {  	s5 =	sshrl.u32 s28, $0x3;
	s21 =	ssub.s32 s26, s31;
	s26 =	simm.s32 $0x2  }
0xe: {  	v0 =	vmov s28;
	s28 =	simm.s32 $0xE400;
	s20 =	sadd.s32 s5, s19;
	s19 =	sadd.s32 $0x267C0, s19  }
0xf: {  	s21 =	smax.u32 s21, $0x1;
	s5 =	sadd.s32 $0x3C00, s20;
	s20 =	sadd.s32 $0x26E00, s20  }
.LBB2_1:
0x10: {  	[tilespmem:s22], [sflag:$0x1] =	stream.linear.gather [hbm4b:s2+s3], $0x3200, $0x38;
	[tilespmem:$0x14800] =	vst v63  }
0x11: {  	_ = 	snop  }
0x12: {  	[tilespmem:s23], [sflag:$0x2] =	stream.linear.gather [hbm4b:s4+s3], $0x3200, $0x38;
	[tilespmem:$0x14800] =	vst v63  }
0x13: {  	_ = 	snop  }
0x14: {  	[tilespmem:s3], [sflag:$0x3] =	stream.linear.gather [hbm4b:s5+s3], $0x8000, $0x38;
	[tilespmem:$0x14800] =	vst v63  }
0x15: {  	_ =	swait.ge [sflag:s24], $0x8000  }
0x16: {  	[sflag:s24] =	ssyncset.done $0x0  }
0x17: {  	[sflag:s24] =	ssyncadd.s32 $0xFFFF8000  }
0x18: {  	_ =	swait.ge [sflag:s25], $0x3200  }
0x19: {  	[sflag:s25] =	ssyncset.done $0x0  }
0x1a: {  	[sflag:s25] =	ssyncadd.s32 $0xFFFFCE00  }
0x1b: {  	_ =	swait.ge [sflag:s26], $0x3200  }
0x1c: {  	[sflag:s26] =	ssyncset.done $0x0  }
0x1d: {  	[sflag:s26] =	ssyncadd.s32 $0xFFFFCE00  }
0x1e: {  	[tilespmem:s28], [sflag:$0x1] =	stream.linear.gather [hbm4b:s6+s3], $0x3200, $0x38;
	[tilespmem:$0x14800] =	vst v63  }
0x1f: {  	s31 =	simm.s32 $0x0  }
0x20: {  	[tilespmem:s29], [sflag:$0x2] =	stream.linear.gather [hbm4b:s7+s3], $0x3200, $0x38;
	[tilespmem:$0x14800] =	vst v63  }
.LBB2_2:
0x21: {  	s1 =	sshra.s32 s31, $0x2  }
0x22: {  	v1 =	vld [tilespmem:s1+$0x8000];
	_ =	sdelay $0x4  }
0x23: {  	v1 =	vsub.s32 v1, v0  }
0x24: {  	vm0 =	vlt.u32 v1, $0x8000  }
0x25: {  	v2 =	vld [tilespmem:s1+$0xB200];
	v1 =	vnsel vm0, $0x0, v1;
	_ =	sdelay $0x4  }
0x26: {  	[tilespmem:v1+s3+$0x0] =	vst.idx.msk vm0, v2  }
0x27: {  	v1 =	vld [tilespmem:s1+$0x8010];
	_ =	sdelay $0x4  }
0x28: {  	v1 =	vsub.s32 v1, v0  }
0x29: {  	vm9 =	vlt.u32 v1, $0x8000  }
0x2a: {  	v2 =	vld [tilespmem:s1+$0xB210];
	v1 =	vnsel vm9, $0x0, v1;
	_ =	sdelay $0x4  }
0x2b: {  	[tilespmem:v1+s3+$0x0] =	vst.idx.msk vm9, v2  }
0x2c: {  	v1 =	vld [tilespmem:s1+$0x8020];
	_ =	sdelay $0x4  }
0x2d: {  	v1 =	vsub.s32 v1, v0  }
0x2e: {  	vm10 =	vlt.u32 v1, $0x8000  }
0x2f: {  	v2 =	vld [tilespmem:s1+$0xB220];
	v1 =	vnsel vm10, $0x0, v1;
	_ =	sdelay $0x4  }
0x30: {  	[tilespmem:v1+s3+$0x0] =	vst.idx.msk vm10, v2  }
0x31: {  	v1 =	vld [tilespmem:s1+$0x8030];
	_ =	sdelay $0x4  }
0x32: {  	v1 =	vsub.s32 v1, v0  }
0x33: {  	vm11 =	vlt.u32 v1, $0x8000  }
0x34: {  	v2 =	vld [tilespmem:s1+$0xB230];
	v1 =	vnsel vm11, $0x0, v1;
	_ =	sdelay $0x4  }
0x35: {  	[tilespmem:v1+s3+$0x0] =	vst.idx.msk vm11, v2  }
0x36: {  	v1 =	vld [tilespmem:s1+$0x8040];
	_ =	sdelay $0x4  }
0x37: {  	v1 =	vsub.s32 v1, v0  }
0x38: {  	vm12 =	vlt.u32 v1, $0x8000  }
0x39: {  	v2 =	vld [tilespmem:s1+$0xB240];
	v1 =	vnsel vm12, $0x0, v1;
	_ =	sdelay $0x4  }
0x3a: {  	[tilespmem:v1+s3+$0x0] =	vst.idx.msk vm12, v2  }
0x3b: {  	v1 =	vld [tilespmem:s1+$0x8050];
	_ =	sdelay $0x4  }
0x3c: {  	v1 =	vsub.s32 v1, v0  }
0x3d: {  	vm13 =	vlt.u32 v1, $0x8000  }
0x3e: {  	v2 =	vld [tilespmem:s1+$0xB250];
	v1 =	vnsel vm13, $0x0, v1;
	_ =	sdelay $0x4  }
0x3f: {  	[tilespmem:v1+s3+$0x0] =	vst.idx.msk vm13, v2  }
0x40: {  	v1 =	vld [tilespmem:s1+$0x8060];
	_ =	sdelay $0x4  }
0x41: {  	v1 =	vsub.s32 v1, v0  }
0x42: {  	vm14 =	vlt.u32 v1, $0x8000  }
0x43: {  	v2 =	vld [tilespmem:s1+$0xB260];
	v1 =	vnsel vm14, $0x0, v1;
	_ =	sdelay $0x4  }
0x44: {  	[tilespmem:v1+s3+$0x0] =	vst.idx.msk vm14, v2  }
0x45: {  	v1 =	vld [tilespmem:s1+$0x8070];
	_ =	sdelay $0x4  }
0x46: {  	v1 =	vsub.s32 v1, v0  }
0x47: {  	vm15 =	vlt.u32 v1, $0x8000  }
0x48: {  	p0 =	sne.s32 s31, $0xC600;
	v2 =	vld [tilespmem:s1+$0xB270];
	v1 =	vnsel vm15, $0x0, v1  }
.Ltmp0:
0x49: {  	_ = 	snop;
	(pc) =	sbr.rel @p0 .LBB2_2-.Ltmp0, $2  }
0x4a: {  	_ =	sdelay $0x2  }
0x4b: {  	s31 =	sadd.s32 $0x200, s31;
	[tilespmem:v1+s3+$0x0] =	vst.idx.msk vm15, v2  }
0x4c: {  	_ =	swait.ge [sflag:s25], $0x3200  }
0x4d: {  	[sflag:s25] =	ssyncset.done $0x0  }
0x4e: {  	[sflag:s25] =	ssyncadd.s32 $0xFFFFCE00  }
0x4f: {  	_ =	swait.ge [sflag:s26], $0x3200  }
0x50: {  	[sflag:s26] =	ssyncset.done $0x0  }
0x51: {  	s31 =	simm.s32 $0x0;
	[sflag:s26] =	ssyncadd.s32 $0xFFFFCE00  }
0x52: {  	[tilespmem:s22], [sflag:$0x1] =	stream.linear.gather [hbm4b:s8+s31], $0x3200, $0x38;
	[tilespmem:$0x14800] =	vst v63  }
0x53: {  	_ = 	snop  }
0x54: {  	[tilespmem:s23], [sflag:$0x2] =	stream.linear.gather [hbm4b:s9+s31], $0x3200, $0x38;
	[tilespmem:$0x14800] =	vst v63  }
.LBB2_4:
0x55: {  	s1 =	sshra.s32 s31, $0x2  }
0x56: {  	v1 =	vld [tilespmem:s1+$0xE400];
	_ =	sdelay $0x4  }
0x57: {  	v1 =	vsub.s32 v1, v0  }
0x58: {  	vm0 =	vlt.u32 v1, $0x8000  }
0x59: {  	v2 =	vld [tilespmem:s1+$0x11600];
	v1 =	vnsel vm0, $0x0, v1;
	_ =	sdelay $0x4  }
0x5a: {  	[tilespmem:v1+s3+$0x0] =	vst.idx.msk vm0, v2  }
0x5b: {  	v1 =	vld [tilespmem:s1+$0xE410];
	_ =	sdelay $0x4  }
0x5c: {  	v1 =	vsub.s32 v1, v0  }
0x5d: {  	vm9 =	vlt.u32 v1, $0x8000  }
0x5e: {  	v2 =	vld [tilespmem:s1+$0x11610];
	v1 =	vnsel vm9, $0x0, v1;
	_ =	sdelay $0x4  }
0x5f: {  	[tilespmem:v1+s3+$0x0] =	vst.idx.msk vm9, v2  }
0x60: {  	v1 =	vld [tilespmem:s1+$0xE420];
	_ =	sdelay $0x4  }
0x61: {  	v1 =	vsub.s32 v1, v0  }
0x62: {  	vm10 =	vlt.u32 v1, $0x8000  }
0x63: {  	v2 =	vld [tilespmem:s1+$0x11620];
	v1 =	vnsel vm10, $0x0, v1;
	_ =	sdelay $0x4  }
0x64: {  	[tilespmem:v1+s3+$0x0] =	vst.idx.msk vm10, v2  }
0x65: {  	v1 =	vld [tilespmem:s1+$0xE430];
	_ =	sdelay $0x4  }
0x66: {  	v1 =	vsub.s32 v1, v0  }
0x67: {  	vm11 =	vlt.u32 v1, $0x8000  }
0x68: {  	v2 =	vld [tilespmem:s1+$0x11630];
	v1 =	vnsel vm11, $0x0, v1;
	_ =	sdelay $0x4  }
0x69: {  	[tilespmem:v1+s3+$0x0] =	vst.idx.msk vm11, v2  }
0x6a: {  	v1 =	vld [tilespmem:s1+$0xE440];
	_ =	sdelay $0x4  }
0x6b: {  	v1 =	vsub.s32 v1, v0  }
0x6c: {  	vm12 =	vlt.u32 v1, $0x8000  }
0x6d: {  	v2 =	vld [tilespmem:s1+$0x11640];
	v1 =	vnsel vm12, $0x0, v1;
	_ =	sdelay $0x4  }
0x6e: {  	[tilespmem:v1+s3+$0x0] =	vst.idx.msk vm12, v2  }
0x6f: {  	v1 =	vld [tilespmem:s1+$0xE450];
	_ =	sdelay $0x4  }
0x70: {  	v1 =	vsub.s32 v1, v0  }
0x71: {  	vm13 =	vlt.u32 v1, $0x8000  }
0x72: {  	v2 =	vld [tilespmem:s1+$0x11650];
	v1 =	vnsel vm13, $0x0, v1;
	_ =	sdelay $0x4  }
0x73: {  	[tilespmem:v1+s3+$0x0] =	vst.idx.msk vm13, v2  }
0x74: {  	v1 =	vld [tilespmem:s1+$0xE460];
	_ =	sdelay $0x4  }
0x75: {  	v1 =	vsub.s32 v1, v0  }
0x76: {  	vm14 =	vlt.u32 v1, $0x8000  }
0x77: {  	v2 =	vld [tilespmem:s1+$0x11660];
	v1 =	vnsel vm14, $0x0, v1;
	_ =	sdelay $0x4  }
0x78: {  	[tilespmem:v1+s3+$0x0] =	vst.idx.msk vm14, v2  }
0x79: {  	v1 =	vld [tilespmem:s1+$0xE470];
	_ =	sdelay $0x4  }
0x7a: {  	v1 =	vsub.s32 v1, v0  }
0x7b: {  	vm15 =	vlt.u32 v1, $0x8000  }
0x7c: {  	p0 =	sne.s32 s31, $0xC600;
	v2 =	vld [tilespmem:s1+$0x11670];
	v1 =	vnsel vm15, $0x0, v1  }
.Ltmp1:
0x7d: {  	_ = 	snop;
	(pc) =	sbr.rel @p0 .LBB2_4-.Ltmp1, $2  }
0x7e: {  	_ =	sdelay $0x2  }
0x7f: {  	s31 =	sadd.s32 $0x200, s31;
	[tilespmem:v1+s3+$0x0] =	vst.idx.msk vm15, v2  }
0x80: {  	_ =	swait.ge [sflag:s25], $0x3200  }
0x81: {  	[sflag:s25] =	ssyncset.done $0x0  }
0x82: {  	[sflag:s25] =	ssyncadd.s32 $0xFFFFCE00  }
0x83: {  	_ =	swait.ge [sflag:s26], $0x3200  }
0x84: {  	[sflag:s26] =	ssyncset.done $0x0  }
0x85: {  	s31 =	simm.s32 $0x0;
	[sflag:s26] =	ssyncadd.s32 $0xFFFFCE00  }
0x86: {  	[tilespmem:s28], [sflag:$0x1] =	stream.linear.gather [hbm4b:s10+s31], $0x3200, $0x38;
	[tilespmem:$0x14800] =	vst v63  }
0x87: {  	_ = 	snop  }
0x88: {  	[tilespmem:s29], [sflag:$0x2] =	stream.linear.gather [hbm4b:s11+s31], $0x3200, $0x38;
	[tilespmem:$0x14800] =	vst v63  }
.LBB2_6:
0x89: {  	s1 =	sshra.s32 s31, $0x2  }
0x8a: {  	v1 =	vld [tilespmem:s1+$0x8000];
	_ =	sdelay $0x4  }
0x8b: {  	v1 =	vsub.s32 v1, v0  }
0x8c: {  	vm0 =	vlt.u32 v1, $0x8000  }
0x8d: {  	v2 =	vld [tilespmem:s1+$0xB200];
	v1 =	vnsel vm0, $0x0, v1;
	_ =	sdelay $0x4  }
0x8e: {  	[tilespmem:v1+s3+$0x0] =	vst.idx.msk vm0, v2  }
0x8f: {  	v1 =	vld [tilespmem:s1+$0x8010];
	_ =	sdelay $0x4  }
0x90: {  	v1 =	vsub.s32 v1, v0  }
0x91: {  	vm9 =	vlt.u32 v1, $0x8000  }
0x92: {  	v2 =	vld [tilespmem:s1+$0xB210];
	v1 =	vnsel vm9, $0x0, v1;
	_ =	sdelay $0x4  }
0x93: {  	[tilespmem:v1+s3+$0x0] =	vst.idx.msk vm9, v2  }
0x94: {  	v1 =	vld [tilespmem:s1+$0x8020];
	_ =	sdelay $0x4  }
0x95: {  	v1 =	vsub.s32 v1, v0  }
0x96: {  	vm10 =	vlt.u32 v1, $0x8000  }
0x97: {  	v2 =	vld [tilespmem:s1+$0xB220];
	v1 =	vnsel vm10, $0x0, v1;
	_ =	sdelay $0x4  }
0x98: {  	[tilespmem:v1+s3+$0x0] =	vst.idx.msk vm10, v2  }
0x99: {  	v1 =	vld [tilespmem:s1+$0x8030];
	_ =	sdelay $0x4  }
0x9a: {  	v1 =	vsub.s32 v1, v0  }
0x9b: {  	vm11 =	vlt.u32 v1, $0x8000  }
0x9c: {  	v2 =	vld [tilespmem:s1+$0xB230];
	v1 =	vnsel vm11, $0x0, v1;
	_ =	sdelay $0x4  }
0x9d: {  	[tilespmem:v1+s3+$0x0] =	vst.idx.msk vm11, v2  }
0x9e: {  	v1 =	vld [tilespmem:s1+$0x8040];
	_ =	sdelay $0x4  }
0x9f: {  	v1 =	vsub.s32 v1, v0  }
0xa0: {  	vm12 =	vlt.u32 v1, $0x8000  }
0xa1: {  	v2 =	vld [tilespmem:s1+$0xB240];
	v1 =	vnsel vm12, $0x0, v1;
	_ =	sdelay $0x4  }
0xa2: {  	[tilespmem:v1+s3+$0x0] =	vst.idx.msk vm12, v2  }
0xa3: {  	v1 =	vld [tilespmem:s1+$0x8050];
	_ =	sdelay $0x4  }
0xa4: {  	v1 =	vsub.s32 v1, v0  }
0xa5: {  	vm13 =	vlt.u32 v1, $0x8000  }
0xa6: {  	v2 =	vld [tilespmem:s1+$0xB250];
	v1 =	vnsel vm13, $0x0, v1;
	_ =	sdelay $0x4  }
0xa7: {  	[tilespmem:v1+s3+$0x0] =	vst.idx.msk vm13, v2  }
0xa8: {  	v1 =	vld [tilespmem:s1+$0x8060];
	_ =	sdelay $0x4  }
0xa9: {  	v1 =	vsub.s32 v1, v0  }
0xaa: {  	vm14 =	vlt.u32 v1, $0x8000  }
0xab: {  	v2 =	vld [tilespmem:s1+$0xB260];
	v1 =	vnsel vm14, $0x0, v1;
	_ =	sdelay $0x4  }
0xac: {  	[tilespmem:v1+s3+$0x0] =	vst.idx.msk vm14, v2  }
0xad: {  	v1 =	vld [tilespmem:s1+$0x8070];
	_ =	sdelay $0x4  }
0xae: {  	v1 =	vsub.s32 v1, v0  }
0xaf: {  	vm15 =	vlt.u32 v1, $0x8000  }
0xb0: {  	p0 =	sne.s32 s31, $0xC600;
	v2 =	vld [tilespmem:s1+$0xB270];
	v1 =	vnsel vm15, $0x0, v1  }
.Ltmp2:
0xb1: {  	_ = 	snop;
	(pc) =	sbr.rel @p0 .LBB2_6-.Ltmp2, $2  }
0xb2: {  	_ =	sdelay $0x2  }
0xb3: {  	s31 =	sadd.s32 $0x200, s31;
	[tilespmem:v1+s3+$0x0] =	vst.idx.msk vm15, v2  }
0xb4: {  	_ =	swait.ge [sflag:s25], $0x3200  }
0xb5: {  	[sflag:s25] =	ssyncset.done $0x0  }
0xb6: {  	[sflag:s25] =	ssyncadd.s32 $0xFFFFCE00  }
0xb7: {  	_ =	swait.ge [sflag:s26], $0x3200  }
0xb8: {  	[sflag:s26] =	ssyncset.done $0x0  }
0xb9: {  	s31 =	simm.s32 $0x0;
	[sflag:s26] =	ssyncadd.s32 $0xFFFFCE00  }
0xba: {  	[tilespmem:s22], [sflag:$0x1] =	stream.linear.gather [hbm4b:s12+s31], $0x3200, $0x38;
	[tilespmem:$0x14800] =	vst v63  }
0xbb: {  	_ = 	snop  }
0xbc: {  	[tilespmem:s23], [sflag:$0x2] =	stream.linear.gather [hbm4b:s13+s31], $0x3200, $0x38;
	[tilespmem:$0x14800] =	vst v63  }
.LBB2_8:
0xbd: {  	s1 =	sshra.s32 s31, $0x2  }
0xbe: {  	v1 =	vld [tilespmem:s1+$0xE400];
	_ =	sdelay $0x4  }
0xbf: {  	v1 =	vsub.s32 v1, v0  }
0xc0: {  	vm0 =	vlt.u32 v1, $0x8000  }
0xc1: {  	v2 =	vld [tilespmem:s1+$0x11600];
	v1 =	vnsel vm0, $0x0, v1;
	_ =	sdelay $0x4  }
0xc2: {  	[tilespmem:v1+s3+$0x0] =	vst.idx.msk vm0, v2  }
0xc3: {  	v1 =	vld [tilespmem:s1+$0xE410];
	_ =	sdelay $0x4  }
0xc4: {  	v1 =	vsub.s32 v1, v0  }
0xc5: {  	vm9 =	vlt.u32 v1, $0x8000  }
0xc6: {  	v2 =	vld [tilespmem:s1+$0x11610];
	v1 =	vnsel vm9, $0x0, v1;
	_ =	sdelay $0x4  }
0xc7: {  	[tilespmem:v1+s3+$0x0] =	vst.idx.msk vm9, v2  }
0xc8: {  	v1 =	vld [tilespmem:s1+$0xE420];
	_ =	sdelay $0x4  }
0xc9: {  	v1 =	vsub.s32 v1, v0  }
0xca: {  	vm10 =	vlt.u32 v1, $0x8000  }
0xcb: {  	v2 =	vld [tilespmem:s1+$0x11620];
	v1 =	vnsel vm10, $0x0, v1;
	_ =	sdelay $0x4  }
0xcc: {  	[tilespmem:v1+s3+$0x0] =	vst.idx.msk vm10, v2  }
0xcd: {  	v1 =	vld [tilespmem:s1+$0xE430];
	_ =	sdelay $0x4  }
0xce: {  	v1 =	vsub.s32 v1, v0  }
0xcf: {  	vm11 =	vlt.u32 v1, $0x8000  }
0xd0: {  	v2 =	vld [tilespmem:s1+$0x11630];
	v1 =	vnsel vm11, $0x0, v1;
	_ =	sdelay $0x4  }
0xd1: {  	[tilespmem:v1+s3+$0x0] =	vst.idx.msk vm11, v2  }
0xd2: {  	v1 =	vld [tilespmem:s1+$0xE440];
	_ =	sdelay $0x4  }
0xd3: {  	v1 =	vsub.s32 v1, v0  }
0xd4: {  	vm12 =	vlt.u32 v1, $0x8000  }
0xd5: {  	v2 =	vld [tilespmem:s1+$0x11640];
	v1 =	vnsel vm12, $0x0, v1;
	_ =	sdelay $0x4  }
0xd6: {  	[tilespmem:v1+s3+$0x0] =	vst.idx.msk vm12, v2  }
0xd7: {  	v1 =	vld [tilespmem:s1+$0xE450];
	_ =	sdelay $0x4  }
0xd8: {  	v1 =	vsub.s32 v1, v0  }
0xd9: {  	vm13 =	vlt.u32 v1, $0x8000  }
0xda: {  	v2 =	vld [tilespmem:s1+$0x11650];
	v1 =	vnsel vm13, $0x0, v1;
	_ =	sdelay $0x4  }
0xdb: {  	[tilespmem:v1+s3+$0x0] =	vst.idx.msk vm13, v2  }
0xdc: {  	v1 =	vld [tilespmem:s1+$0xE460];
	_ =	sdelay $0x4  }
0xdd: {  	v1 =	vsub.s32 v1, v0  }
0xde: {  	vm14 =	vlt.u32 v1, $0x8000  }
0xdf: {  	v2 =	vld [tilespmem:s1+$0x11660];
	v1 =	vnsel vm14, $0x0, v1;
	_ =	sdelay $0x4  }
0xe0: {  	[tilespmem:v1+s3+$0x0] =	vst.idx.msk vm14, v2  }
0xe1: {  	v1 =	vld [tilespmem:s1+$0xE470];
	_ =	sdelay $0x4  }
0xe2: {  	v1 =	vsub.s32 v1, v0  }
0xe3: {  	vm15 =	vlt.u32 v1, $0x8000  }
0xe4: {  	p0 =	sne.s32 s31, $0xC600;
	v2 =	vld [tilespmem:s1+$0x11670];
	v1 =	vnsel vm15, $0x0, v1  }
.Ltmp3:
0xe5: {  	_ = 	snop;
	(pc) =	sbr.rel @p0 .LBB2_8-.Ltmp3, $2  }
0xe6: {  	_ =	sdelay $0x2  }
0xe7: {  	s31 =	sadd.s32 $0x200, s31;
	[tilespmem:v1+s3+$0x0] =	vst.idx.msk vm15, v2  }
0xe8: {  	_ =	swait.ge [sflag:s25], $0x3200  }
0xe9: {  	[sflag:s25] =	ssyncset.done $0x0  }
0xea: {  	[sflag:s25] =	ssyncadd.s32 $0xFFFFCE00  }
0xeb: {  	_ =	swait.ge [sflag:s26], $0x3200  }
0xec: {  	[sflag:s26] =	ssyncset.done $0x0  }
0xed: {  	s31 =	simm.s32 $0x0;
	[sflag:s26] =	ssyncadd.s32 $0xFFFFCE00  }
0xee: {  	[tilespmem:s28], [sflag:$0x1] =	stream.linear.gather [hbm4b:s14+s31], $0x3200, $0x38;
	[tilespmem:$0x14800] =	vst v63  }
0xef: {  	_ = 	snop  }
0xf0: {  	[tilespmem:s29], [sflag:$0x2] =	stream.linear.gather [hbm4b:s15+s31], $0x3200, $0x38;
	[tilespmem:$0x14800] =	vst v63  }
.LBB2_10:
0xf1: {  	s1 =	sshra.s32 s31, $0x2  }
0xf2: {  	v1 =	vld [tilespmem:s1+$0x8000];
	_ =	sdelay $0x4  }
0xf3: {  	v1 =	vsub.s32 v1, v0  }
0xf4: {  	vm0 =	vlt.u32 v1, $0x8000  }
0xf5: {  	v2 =	vld [tilespmem:s1+$0xB200];
	v1 =	vnsel vm0, $0x0, v1;
	_ =	sdelay $0x4  }
0xf6: {  	[tilespmem:v1+s3+$0x0] =	vst.idx.msk vm0, v2  }
0xf7: {  	v1 =	vld [tilespmem:s1+$0x8010];
	_ =	sdelay $0x4  }
0xf8: {  	v1 =	vsub.s32 v1, v0  }
0xf9: {  	vm9 =	vlt.u32 v1, $0x8000  }
0xfa: {  	v2 =	vld [tilespmem:s1+$0xB210];
	v1 =	vnsel vm9, $0x0, v1;
	_ =	sdelay $0x4  }
0xfb: {  	[tilespmem:v1+s3+$0x0] =	vst.idx.msk vm9, v2  }
0xfc: {  	v1 =	vld [tilespmem:s1+$0x8020];
	_ =	sdelay $0x4  }
0xfd: {  	v1 =	vsub.s32 v1, v0  }
0xfe: {  	vm10 =	vlt.u32 v1, $0x8000  }
0xff: {  	v2 =	vld [tilespmem:s1+$0xB220];
	v1 =	vnsel vm10, $0x0, v1;
	_ =	sdelay $0x4  }
0x100: {  	[tilespmem:v1+s3+$0x0] =	vst.idx.msk vm10, v2  }
0x101: {  	v1 =	vld [tilespmem:s1+$0x8030];
	_ =	sdelay $0x4  }
0x102: {  	v1 =	vsub.s32 v1, v0  }
0x103: {  	vm11 =	vlt.u32 v1, $0x8000  }
0x104: {  	v2 =	vld [tilespmem:s1+$0xB230];
	v1 =	vnsel vm11, $0x0, v1;
	_ =	sdelay $0x4  }
0x105: {  	[tilespmem:v1+s3+$0x0] =	vst.idx.msk vm11, v2  }
0x106: {  	v1 =	vld [tilespmem:s1+$0x8040];
	_ =	sdelay $0x4  }
0x107: {  	v1 =	vsub.s32 v1, v0  }
0x108: {  	vm12 =	vlt.u32 v1, $0x8000  }
0x109: {  	v2 =	vld [tilespmem:s1+$0xB240];
	v1 =	vnsel vm12, $0x0, v1;
	_ =	sdelay $0x4  }
0x10a: {  	[tilespmem:v1+s3+$0x0] =	vst.idx.msk vm12, v2  }
0x10b: {  	v1 =	vld [tilespmem:s1+$0x8050];
	_ =	sdelay $0x4  }
0x10c: {  	v1 =	vsub.s32 v1, v0  }
0x10d: {  	vm13 =	vlt.u32 v1, $0x8000  }
0x10e: {  	v2 =	vld [tilespmem:s1+$0xB250];
	v1 =	vnsel vm13, $0x0, v1;
	_ =	sdelay $0x4  }
0x10f: {  	[tilespmem:v1+s3+$0x0] =	vst.idx.msk vm13, v2  }
0x110: {  	v1 =	vld [tilespmem:s1+$0x8060];
	_ =	sdelay $0x4  }
0x111: {  	v1 =	vsub.s32 v1, v0  }
0x112: {  	vm14 =	vlt.u32 v1, $0x8000  }
0x113: {  	v2 =	vld [tilespmem:s1+$0xB260];
	v1 =	vnsel vm14, $0x0, v1;
	_ =	sdelay $0x4  }
0x114: {  	[tilespmem:v1+s3+$0x0] =	vst.idx.msk vm14, v2  }
0x115: {  	v1 =	vld [tilespmem:s1+$0x8070];
	_ =	sdelay $0x4  }
0x116: {  	v1 =	vsub.s32 v1, v0  }
0x117: {  	vm15 =	vlt.u32 v1, $0x8000  }
0x118: {  	p0 =	sne.s32 s31, $0xC600;
	v2 =	vld [tilespmem:s1+$0xB270];
	v1 =	vnsel vm15, $0x0, v1  }
.Ltmp4:
0x119: {  	_ = 	snop;
	(pc) =	sbr.rel @p0 .LBB2_10-.Ltmp4, $2  }
0x11a: {  	_ =	sdelay $0x2  }
0x11b: {  	s31 =	sadd.s32 $0x200, s31;
	[tilespmem:v1+s3+$0x0] =	vst.idx.msk vm15, v2  }
0x11c: {  	_ =	swait.ge [sflag:s25], $0x3200  }
0x11d: {  	[sflag:s25] =	ssyncset.done $0x0  }
0x11e: {  	[sflag:s25] =	ssyncadd.s32 $0xFFFFCE00  }
0x11f: {  	_ =	swait.ge [sflag:s26], $0x3200  }
0x120: {  	[sflag:s26] =	ssyncset.done $0x0  }
0x121: {  	s31 =	simm.s32 $0x0;
	[sflag:s26] =	ssyncadd.s32 $0xFFFFCE00  }
0x122: {  	[tilespmem:s22], [sflag:$0x1] =	stream.linear.gather [hbm4b:s16+s31], $0x3200, $0x38;
	[tilespmem:$0x14800] =	vst v63  }
0x123: {  	_ = 	snop  }
0x124: {  	[tilespmem:s23], [sflag:$0x2] =	stream.linear.gather [hbm4b:s17+s31], $0x3200, $0x38;
	[tilespmem:$0x14800] =	vst v63  }
.LBB2_12:
0x125: {  	s1 =	sshra.s32 s31, $0x2  }
0x126: {  	v1 =	vld [tilespmem:s1+$0xE400];
	_ =	sdelay $0x4  }
0x127: {  	v1 =	vsub.s32 v1, v0  }
0x128: {  	vm0 =	vlt.u32 v1, $0x8000  }
0x129: {  	v2 =	vld [tilespmem:s1+$0x11600];
	v1 =	vnsel vm0, $0x0, v1;
	_ =	sdelay $0x4  }
0x12a: {  	[tilespmem:v1+s3+$0x0] =	vst.idx.msk vm0, v2  }
0x12b: {  	v1 =	vld [tilespmem:s1+$0xE410];
	_ =	sdelay $0x4  }
0x12c: {  	v1 =	vsub.s32 v1, v0  }
0x12d: {  	vm9 =	vlt.u32 v1, $0x8000  }
0x12e: {  	v2 =	vld [tilespmem:s1+$0x11610];
	v1 =	vnsel vm9, $0x0, v1;
	_ =	sdelay $0x4  }
0x12f: {  	[tilespmem:v1+s3+$0x0] =	vst.idx.msk vm9, v2  }
0x130: {  	v1 =	vld [tilespmem:s1+$0xE420];
	_ =	sdelay $0x4  }
0x131: {  	v1 =	vsub.s32 v1, v0  }
0x132: {  	vm10 =	vlt.u32 v1, $0x8000  }
0x133: {  	v2 =	vld [tilespmem:s1+$0x11620];
	v1 =	vnsel vm10, $0x0, v1;
	_ =	sdelay $0x4  }
0x134: {  	[tilespmem:v1+s3+$0x0] =	vst.idx.msk vm10, v2  }
0x135: {  	v1 =	vld [tilespmem:s1+$0xE430];
	_ =	sdelay $0x4  }
0x136: {  	v1 =	vsub.s32 v1, v0  }
0x137: {  	vm11 =	vlt.u32 v1, $0x8000  }
0x138: {  	v2 =	vld [tilespmem:s1+$0x11630];
	v1 =	vnsel vm11, $0x0, v1;
	_ =	sdelay $0x4  }
0x139: {  	[tilespmem:v1+s3+$0x0] =	vst.idx.msk vm11, v2  }
0x13a: {  	v1 =	vld [tilespmem:s1+$0xE440];
	_ =	sdelay $0x4  }
0x13b: {  	v1 =	vsub.s32 v1, v0  }
0x13c: {  	vm12 =	vlt.u32 v1, $0x8000  }
0x13d: {  	v2 =	vld [tilespmem:s1+$0x11640];
	v1 =	vnsel vm12, $0x0, v1;
	_ =	sdelay $0x4  }
0x13e: {  	[tilespmem:v1+s3+$0x0] =	vst.idx.msk vm12, v2  }
0x13f: {  	v1 =	vld [tilespmem:s1+$0xE450];
	_ =	sdelay $0x4  }
0x140: {  	v1 =	vsub.s32 v1, v0  }
0x141: {  	vm13 =	vlt.u32 v1, $0x8000  }
0x142: {  	v2 =	vld [tilespmem:s1+$0x11650];
	v1 =	vnsel vm13, $0x0, v1;
	_ =	sdelay $0x4  }
0x143: {  	[tilespmem:v1+s3+$0x0] =	vst.idx.msk vm13, v2  }
0x144: {  	v1 =	vld [tilespmem:s1+$0xE460];
	_ =	sdelay $0x4  }
0x145: {  	v1 =	vsub.s32 v1, v0  }
0x146: {  	vm14 =	vlt.u32 v1, $0x8000  }
0x147: {  	v2 =	vld [tilespmem:s1+$0x11660];
	v1 =	vnsel vm14, $0x0, v1;
	_ =	sdelay $0x4  }
0x148: {  	[tilespmem:v1+s3+$0x0] =	vst.idx.msk vm14, v2  }
0x149: {  	v1 =	vld [tilespmem:s1+$0xE470];
	_ =	sdelay $0x4  }
0x14a: {  	v1 =	vsub.s32 v1, v0  }
0x14b: {  	vm15 =	vlt.u32 v1, $0x8000  }
0x14c: {  	p0 =	sne.s32 s31, $0xC600;
	v2 =	vld [tilespmem:s1+$0x11670];
	v1 =	vnsel vm15, $0x0, v1  }
.Ltmp5:
0x14d: {  	_ = 	snop;
	(pc) =	sbr.rel @p0 .LBB2_12-.Ltmp5, $2  }
0x14e: {  	_ =	sdelay $0x2  }
0x14f: {  	s31 =	sadd.s32 $0x200, s31;
	[tilespmem:v1+s3+$0x0] =	vst.idx.msk vm15, v2  }
0x150: {  	_ =	swait.ge [sflag:s25], $0x3200  }
0x151: {  	[sflag:s25] =	ssyncset.done $0x0  }
0x152: {  	[sflag:s25] =	ssyncadd.s32 $0xFFFFCE00  }
0x153: {  	_ =	swait.ge [sflag:s26], $0x3200  }
0x154: {  	[sflag:s26] =	ssyncset.done $0x0  }
0x155: {  	s31 =	simm.s32 $0x0;
	[sflag:s26] =	ssyncadd.s32 $0xFFFFCE00  }
0x156: {  	[tilespmem:s28], [sflag:$0x1] =	stream.linear.gather [hbm4b:s18+s31], $0x3200, $0x38;
	[tilespmem:$0x14800] =	vst v63  }
0x157: {  	_ = 	snop  }
0x158: {  	[tilespmem:s29], [sflag:$0x2] =	stream.linear.gather [hbm4b:s19+s31], $0x3200, $0x38;
	[tilespmem:$0x14800] =	vst v63  }
.LBB2_14:
0x159: {  	s1 =	sshra.s32 s31, $0x2  }
0x15a: {  	v1 =	vld [tilespmem:s1+$0x8000];
	_ =	sdelay $0x4  }
0x15b: {  	v1 =	vsub.s32 v1, v0  }
0x15c: {  	vm0 =	vlt.u32 v1, $0x8000  }
0x15d: {  	v2 =	vld [tilespmem:s1+$0xB200];
	v1 =	vnsel vm0, $0x0, v1;
	_ =	sdelay $0x4  }
0x15e: {  	[tilespmem:v1+s3+$0x0] =	vst.idx.msk vm0, v2  }
0x15f: {  	v1 =	vld [tilespmem:s1+$0x8010];
	_ =	sdelay $0x4  }
0x160: {  	v1 =	vsub.s32 v1, v0  }
0x161: {  	vm9 =	vlt.u32 v1, $0x8000  }
0x162: {  	v2 =	vld [tilespmem:s1+$0xB210];
	v1 =	vnsel vm9, $0x0, v1;
	_ =	sdelay $0x4  }
0x163: {  	[tilespmem:v1+s3+$0x0] =	vst.idx.msk vm9, v2  }
0x164: {  	v1 =	vld [tilespmem:s1+$0x8020];
	_ =	sdelay $0x4  }
0x165: {  	v1 =	vsub.s32 v1, v0  }
0x166: {  	vm10 =	vlt.u32 v1, $0x8000  }
0x167: {  	v2 =	vld [tilespmem:s1+$0xB220];
	v1 =	vnsel vm10, $0x0, v1;
	_ =	sdelay $0x4  }
0x168: {  	[tilespmem:v1+s3+$0x0] =	vst.idx.msk vm10, v2  }
0x169: {  	v1 =	vld [tilespmem:s1+$0x8030];
	_ =	sdelay $0x4  }
0x16a: {  	v1 =	vsub.s32 v1, v0  }
0x16b: {  	vm11 =	vlt.u32 v1, $0x8000  }
0x16c: {  	v2 =	vld [tilespmem:s1+$0xB230];
	v1 =	vnsel vm11, $0x0, v1;
	_ =	sdelay $0x4  }
0x16d: {  	[tilespmem:v1+s3+$0x0] =	vst.idx.msk vm11, v2  }
0x16e: {  	v1 =	vld [tilespmem:s1+$0x8040];
	_ =	sdelay $0x4  }
0x16f: {  	v1 =	vsub.s32 v1, v0  }
0x170: {  	vm12 =	vlt.u32 v1, $0x8000  }
0x171: {  	v2 =	vld [tilespmem:s1+$0xB240];
	v1 =	vnsel vm12, $0x0, v1;
	_ =	sdelay $0x4  }
0x172: {  	[tilespmem:v1+s3+$0x0] =	vst.idx.msk vm12, v2  }
0x173: {  	v1 =	vld [tilespmem:s1+$0x8050];
	_ =	sdelay $0x4  }
0x174: {  	v1 =	vsub.s32 v1, v0  }
0x175: {  	vm13 =	vlt.u32 v1, $0x8000  }
0x176: {  	v2 =	vld [tilespmem:s1+$0xB250];
	v1 =	vnsel vm13, $0x0, v1;
	_ =	sdelay $0x4  }
0x177: {  	[tilespmem:v1+s3+$0x0] =	vst.idx.msk vm13, v2  }
0x178: {  	v1 =	vld [tilespmem:s1+$0x8060];
	_ =	sdelay $0x4  }
0x179: {  	v1 =	vsub.s32 v1, v0  }
0x17a: {  	vm14 =	vlt.u32 v1, $0x8000  }
0x17b: {  	v2 =	vld [tilespmem:s1+$0xB260];
	v1 =	vnsel vm14, $0x0, v1;
	_ =	sdelay $0x4  }
0x17c: {  	[tilespmem:v1+s3+$0x0] =	vst.idx.msk vm14, v2  }
0x17d: {  	v1 =	vld [tilespmem:s1+$0x8070];
	_ =	sdelay $0x4  }
0x17e: {  	v1 =	vsub.s32 v1, v0  }
0x17f: {  	vm15 =	vlt.u32 v1, $0x8000  }
0x180: {  	p0 =	sne.s32 s31, $0xC600;
	v2 =	vld [tilespmem:s1+$0xB270];
	v1 =	vnsel vm15, $0x0, v1  }
.Ltmp6:
0x181: {  	_ = 	snop;
	(pc) =	sbr.rel @p0 .LBB2_14-.Ltmp6, $2  }
0x182: {  	_ =	sdelay $0x2  }
0x183: {  	s31 =	sadd.s32 $0x200, s31;
	[tilespmem:v1+s3+$0x0] =	vst.idx.msk vm15, v2  }
0x184: {  	_ =	swait.ge [sflag:s25], $0x3200  }
0x185: {  	[sflag:s25] =	ssyncset.done $0x0  }
0x186: {  	[sflag:s25] =	ssyncadd.s32 $0xFFFFCE00  }
0x187: {  	_ =	swait.ge [sflag:s26], $0x3200  }
0x188: {  	[sflag:s26] =	ssyncset.done $0x0  }
0x189: {  	s31 =	simm.s32 $0x0;
	[sflag:s26] =	ssyncadd.s32 $0xFFFFCE00  }
.LBB2_16:
0x18a: {  	s1 =	sshra.s32 s31, $0x2  }
0x18b: {  	v1 =	vld [tilespmem:s1+$0xE400];
	_ =	sdelay $0x4  }
0x18c: {  	v1 =	vsub.s32 v1, v0  }
0x18d: {  	vm0 =	vlt.u32 v1, $0x8000  }
0x18e: {  	v2 =	vld [tilespmem:s1+$0x11600];
	v1 =	vnsel vm0, $0x0, v1;
	_ =	sdelay $0x4  }
0x18f: {  	[tilespmem:v1+s3+$0x0] =	vst.idx.msk vm0, v2  }
0x190: {  	v1 =	vld [tilespmem:s1+$0xE410];
	_ =	sdelay $0x4  }
0x191: {  	v1 =	vsub.s32 v1, v0  }
0x192: {  	vm9 =	vlt.u32 v1, $0x8000  }
0x193: {  	v2 =	vld [tilespmem:s1+$0x11610];
	v1 =	vnsel vm9, $0x0, v1;
	_ =	sdelay $0x4  }
0x194: {  	[tilespmem:v1+s3+$0x0] =	vst.idx.msk vm9, v2  }
0x195: {  	v1 =	vld [tilespmem:s1+$0xE420];
	_ =	sdelay $0x4  }
0x196: {  	v1 =	vsub.s32 v1, v0  }
0x197: {  	vm10 =	vlt.u32 v1, $0x8000  }
0x198: {  	v2 =	vld [tilespmem:s1+$0x11620];
	v1 =	vnsel vm10, $0x0, v1;
	_ =	sdelay $0x4  }
0x199: {  	[tilespmem:v1+s3+$0x0] =	vst.idx.msk vm10, v2  }
0x19a: {  	v1 =	vld [tilespmem:s1+$0xE430];
	_ =	sdelay $0x4  }
0x19b: {  	v1 =	vsub.s32 v1, v0  }
0x19c: {  	vm11 =	vlt.u32 v1, $0x8000  }
0x19d: {  	v2 =	vld [tilespmem:s1+$0x11630];
	v1 =	vnsel vm11, $0x0, v1;
	_ =	sdelay $0x4  }
0x19e: {  	[tilespmem:v1+s3+$0x0] =	vst.idx.msk vm11, v2  }
0x19f: {  	v1 =	vld [tilespmem:s1+$0xE440];
	_ =	sdelay $0x4  }
0x1a0: {  	v1 =	vsub.s32 v1, v0  }
0x1a1: {  	vm12 =	vlt.u32 v1, $0x8000  }
0x1a2: {  	v2 =	vld [tilespmem:s1+$0x11640];
	v1 =	vnsel vm12, $0x0, v1;
	_ =	sdelay $0x4  }
0x1a3: {  	[tilespmem:v1+s3+$0x0] =	vst.idx.msk vm12, v2  }
0x1a4: {  	v1 =	vld [tilespmem:s1+$0xE450];
	_ =	sdelay $0x4  }
0x1a5: {  	v1 =	vsub.s32 v1, v0  }
0x1a6: {  	vm13 =	vlt.u32 v1, $0x8000  }
0x1a7: {  	v2 =	vld [tilespmem:s1+$0x11650];
	v1 =	vnsel vm13, $0x0, v1;
	_ =	sdelay $0x4  }
0x1a8: {  	[tilespmem:v1+s3+$0x0] =	vst.idx.msk vm13, v2  }
0x1a9: {  	v1 =	vld [tilespmem:s1+$0xE460];
	_ =	sdelay $0x4  }
0x1aa: {  	v1 =	vsub.s32 v1, v0  }
0x1ab: {  	vm14 =	vlt.u32 v1, $0x8000  }
0x1ac: {  	v2 =	vld [tilespmem:s1+$0x11660];
	v1 =	vnsel vm14, $0x0, v1;
	_ =	sdelay $0x4  }
0x1ad: {  	[tilespmem:v1+s3+$0x0] =	vst.idx.msk vm14, v2  }
0x1ae: {  	v1 =	vld [tilespmem:s1+$0xE470];
	_ =	sdelay $0x4  }
0x1af: {  	v1 =	vsub.s32 v1, v0  }
0x1b0: {  	vm15 =	vlt.u32 v1, $0x8000  }
0x1b1: {  	p0 =	sne.s32 s31, $0xC600;
	v2 =	vld [tilespmem:s1+$0x11670];
	v1 =	vnsel vm15, $0x0, v1  }
.Ltmp7:
0x1b2: {  	_ = 	snop;
	(pc) =	sbr.rel @p0 .LBB2_16-.Ltmp7, $2  }
0x1b3: {  	_ =	sdelay $0x2  }
0x1b4: {  	s31 =	sadd.s32 $0x200, s31;
	[tilespmem:v1+s3+$0x0] =	vst.idx.msk vm15, v2  }
0x1b5: {  	s30 =	sadd.s32 $0x1, s30  }
0x1b6: {  	p0 =	sne.s32 s30, s21  }
.Ltmp8:
0x1b7: {  	_ = 	snop;
	(pc) =	sbr.rel @p0 .LBB2_1-.Ltmp8, $4  }
0x1b8: {  	[hbm4b:s20+s3] =	stream.linear.scatter [tilespmem:s3], [sflag:$0x3], $0x8000, $0x38;
	[tilespmem:$0x14800] =	vst v63  }
0x1b9: {  	_ =	swait.ge [sflag:s24], $0x8000  }
0x1ba: {  	[sflag:s24] =	ssyncset.done $0x0  }
0x1bb: {  	[sflag:s24] =	ssyncadd.s32 $0xFFFF8000  }
0x1bc: {  	_ =	sfence.sel $0x180000  }
0x1bd: {  	[bflag:$0x0] =	sbarrier.arrive $0xFFFF  }
0x1be: {  	_ =	strace $0x9000004A  }
0x1bf: {  	[bflag:$0x2] =	sbarrier.arrive $0xFFFF  }
0x1c0: {  	p0 =	sne.s32 s0, $0x0;
	s0 =	rddreg [dreg:$0x2]  }
0x1c1: {  	s0 =	sadd.s32 @!p0 $0x100000, s0  }
0x1c2: {  	[sflag:s0] =	ssyncadd.tile.s32 @!p0 $0x1;
	_ =	shalt  }
.Lfunc_end2:
_tile_overlayer_lowered:
.L_overlay_start_2:
0x1c3: {  	(tag) =	ssettag $0x2  }
0x1c4: {  	s0 =	rddreg [dreg:$0x0];
	s2 =	stileid.u32  }
0x1c5: {  	s1 =	rddreg [dreg:$0x1];
	p0 =	sne.s32 s2, $0x0  }
0x1c6: {  	s3 =	rddreg [dreg:$0x2];
	[bflag:$0x3] =	sbarrier.arrive $0xFFFF;
	s2 =	simm.s32 @!p0 $0x1C03  }
0x1c7: {  	[timem:s3], [sflag:s2] =	dma.local @!p0 [hbm:s0], s1  }
0x1c8: {  	s0 =	simm.s32 @!p0 $0x3  }
0x1c9: {  	_ =	swait.ge @!p0 [sflag:s0], s1  }
0x1ca: {  	s1 =	ssub.s32 @!p0 $0x0, s1;
	[sflag:s0] =	ssyncset.done @!p0 $0x0  }
0x1cb: {  	[sflag:s0] =	ssyncadd.s32 @!p0 s1  }
0x1cc: {  	[bflag:$0x3] =	sbarrier.arrive $0xFFFF  }
0x1cd: {  	_ =	shalt  }

</sc_bundles>
